<compile_context>
chip_gen: v7x
topology: tpu7x:2x2x1
jax: 0.10.2.dev20260603
libtpu: 0.0.44.dev20260713+nightly
codegen_flags: <defaults>
</compile_context>

<pallas_src>
import functools

import jax
import jax.numpy as jnp
from jax import lax
from jax.experimental import pallas as pl
from jax.experimental.pallas import tpu as pltpu
from jax.experimental.pallas import tpu_sc as plsc

N = 10000
E = 320000
D_IN = 128
HEADS = 4
C_OUT = 32
HC = HEADS * C_OUT

ACC_W = 136
NUM_CORES = 2
NUM_SUBCORES = 16
NW = NUM_CORES * NUM_SUBCORES
CHUNK = 64
NCHUNKS = E // CHUNK
NC = NCHUNKS // NW
NT = NC // 2
NREM = NCHUNKS - NC * NW
N_PAD = 10240
ROWS_PER_SUB = N_PAD // NUM_SUBCORES



_B1 = 2000


def _pre_body(x_ref, wcat_ref, asd_ref, bskip_ref, h_ref, s_ref, d_ref, skip_ref):
    xb = x_ref[...]
    y = jnp.dot(xb, wcat_ref[...], preferred_element_type=jnp.float32)
    h = y[:, :HC]
    h_ref[...] = h
    skip_ref[...] = y[:, HC:] + bskip_ref[...]
    sd = jnp.dot(h, asd_ref[...], preferred_element_type=jnp.float32)
    s_ref[...] = sd[:, :16]
    d_ref[...] = sd[:, 16:]


def _pre(x, wcat, asd, bskip2d):
    grid = (N // _B1,)
    return pl.pallas_call(
        _pre_body,
        grid=grid,
        in_specs=[
            pl.BlockSpec((_B1, D_IN), lambda i: (i, 0)),
            pl.BlockSpec((D_IN, 2 * HC), lambda i: (0, 0)),
            pl.BlockSpec((D_IN, 32), lambda i: (0, 0)),
            pl.BlockSpec((1, HC), lambda i: (0, 0)),
        ],
        out_specs=[
            pl.BlockSpec((_B1, HC), lambda i: (i, 0)),
            pl.BlockSpec((_B1, 16), lambda i: (i, 0)),
            pl.BlockSpec((_B1, 16), lambda i: (i, 0)),
            pl.BlockSpec((_B1, HC), lambda i: (i, 0)),
        ],
        out_shape=[
            jax.ShapeDtypeStruct((N, HC), jnp.float32),
            jax.ShapeDtypeStruct((N, 16), jnp.float32),
            jax.ShapeDtypeStruct((N, 16), jnp.float32),
            jax.ShapeDtypeStruct((N, HC), jnp.float32),
        ],
    )(x, wcat, asd, bskip2d)



_mesh = plsc.VectorSubcoreMesh(core_axis_name="c", subcore_axis_name="s")


@functools.partial(
    pl.kernel,
    out_type=jax.ShapeDtypeStruct((NUM_CORES, N_PAD, ACC_W), jnp.float32),
    mesh=_mesh,
    compiler_params=pltpu.CompilerParams(use_tc_tiling_on_sc=False),
    scratch_types=[
        pltpu.VMEM((CHUNK,), jnp.int32),
        pltpu.VMEM((CHUNK,), jnp.int32),
        pltpu.VMEM((CHUNK,), jnp.int32),
        pltpu.VMEM((CHUNK,), jnp.int32),
        pltpu.VMEM((CHUNK,), jnp.int32),
        pltpu.VMEM((CHUNK,), jnp.int32),
        pltpu.VMEM((CHUNK, HC), jnp.float32),
        pltpu.VMEM((CHUNK, HC), jnp.float32),
        pltpu.VMEM((CHUNK, 16), jnp.float32),
        pltpu.VMEM((CHUNK, 16), jnp.float32),
        pltpu.VMEM((CHUNK, 16), jnp.float32),
        pltpu.VMEM((CHUNK, 16), jnp.float32),
        pltpu.VMEM((CHUNK, ACC_W), jnp.float32),
        pltpu.VMEM((CHUNK, ACC_W), jnp.float32),
        pltpu.VMEM_SHARED((N_PAD, ACC_W), jnp.float32),
        pltpu.SemaphoreType.DMA,
        pltpu.SemaphoreType.DMA,
        pltpu.SemaphoreType.DMA,
        pltpu.SemaphoreType.DMA,
        pltpu.SemaphoreType.DMA,
    ],
)
def _edge_kernel(h_hbm, s_hbm, d_hbm, src_hbm, dst_hbm, out_hbm,
                 srcv0, srcv1, dstv0, dstv1, dstsc0, dstsc1,
                 hrows0, hrows1, srows0, srows1, drows0, drows1,
                 payload0, payload1, acc_sh,
                 sem_idx, sem_h, sem_s, sem_d, sem_sc):
    c_ax = lax.axis_index("c")
    s_ax = lax.axis_index("s")
    wid = s_ax * NUM_CORES + c_ax

    def cb(c):
        return (wid + NW * c) * CHUNK

    bufs = ((srcv0, dstv0, dstsc0, hrows0, srows0, drows0, payload0),
            (srcv1, dstv1, dstsc1, hrows1, srows1, drows1, payload1))

    zero16 = jnp.zeros((16,), jnp.float32)
    lanes = lax.iota(jnp.int32, 16)
    headmask = (lanes >= 8) & (lanes < 8 + HEADS)

    def pz_body(e, carry):
        for j in range(HC // 16):
            payload0[e, pl.ds(j * 16, 16)] = zero16
            payload1[e, pl.ds(j * 16, 16)] = zero16
        payload0[e, pl.ds(ACC_W - 16, 16)] = zero16
        payload1[e, pl.ds(ACC_W - 16, 16)] = zero16
        return carry

    lax.fori_loop(0, CHUNK, pz_body, 0)
    for k in range(ROWS_PER_SUB // CHUNK):
        pltpu.sync_copy(payload0, acc_sh.at[pl.ds(s_ax * ROWS_PER_SUB + k * CHUNK, CHUNK)])
    plsc.subcore_barrier()

    pltpu.sync_copy(src_hbm.at[pl.ds(cb(0), CHUNK)], srcv0)
    pltpu.sync_copy(dst_hbm.at[pl.ds(cb(0), CHUNK)], dstv0)
    pltpu.async_copy(h_hbm.at[srcv0], hrows0, sem_h)
    pltpu.async_copy(s_hbm.at[srcv0], srows0, sem_s)
    pltpu.async_copy(d_hbm.at[dstv0], drows0, sem_d)
    pltpu.async_copy(src_hbm.at[pl.ds(cb(1), CHUNK)], srcv1, sem_idx)
    pltpu.async_copy(dst_hbm.at[pl.ds(cb(1), CHUNK)], dstv1, sem_idx)

    def outer(t, carry):
        for b in (0, 1):
            srcv, dstv, dstsc, hrows, srows, drows, payload = bufs[b]
            o_srcv, o_dstv, o_dstsc, o_hrows, o_srows, o_drows, o_payload = bufs[1 - b]
            c = 2 * t + b

            @pl.when(c + 1 < NC)
            def _():
                nb = cb(c + 1)
                pltpu.make_async_copy(src_hbm.at[pl.ds(nb, CHUNK)], o_srcv, sem_idx).wait()
                pltpu.make_async_copy(dst_hbm.at[pl.ds(nb, CHUNK)], o_dstv, sem_idx).wait()
                pltpu.async_copy(h_hbm.at[o_srcv], o_hrows, sem_h)
                pltpu.async_copy(s_hbm.at[o_srcv], o_srows, sem_s)
                pltpu.async_copy(d_hbm.at[o_dstv], o_drows, sem_d)

            @pl.when(c >= 2)
            def _():
                pltpu.make_async_copy(payload, acc_sh.at[dstsc], sem_sc).wait()

            pltpu.make_async_copy(h_hbm.at[srcv], hrows, sem_h).wait()
            pltpu.make_async_copy(s_hbm.at[srcv], srows, sem_s).wait()
            pltpu.make_async_copy(d_hbm.at[dstv], drows, sem_d).wait()

            for j in range(CHUNK // 16):
                dstsc[pl.ds(j * 16, 16)] = dstv[pl.ds(j * 16, 16)]

            @pl.when(c + 2 < NC)
            def _():
                nb2 = cb(c + 2)
                pltpu.async_copy(src_hbm.at[pl.ds(nb2, CHUNK)], srcv, sem_idx)
                pltpu.async_copy(dst_hbm.at[pl.ds(nb2, CHUNK)], dstv, sem_idx)

            @plsc.parallel_loop(0, CHUNK, step=1, unroll=4)
            def _(e):
                ev = srows[e, pl.ds(0, 16)] + drows[e, pl.ds(0, 16)]
                ev = jnp.maximum(ev, ev * 0.2)
                wv = jnp.exp(ev)
                payload[e, pl.ds(ACC_W - 16, 16)] = jnp.where(headmask, wv, 0.0)
                ws = [wv[8 + hd] for hd in range(HEADS)]
                for r in range(HC // 16):
                    payload[e, pl.ds(r * 16, 16)] = hrows[e, pl.ds(r * 16, 16)] * ws[r // 2]

            pltpu.async_copy(payload, acc_sh.at[dstsc], sem_sc, add=True)
        return carry

    lax.fori_loop(0, NT, outer, 0)

    pltpu.make_async_copy(payload0, acc_sh.at[dstsc0], sem_sc).wait()
    pltpu.make_async_copy(payload1, acc_sh.at[dstsc1], sem_sc).wait()

    @pl.when(wid < NREM)
    def _():
        tbase = (NC * NW + wid) * CHUNK
        pltpu.sync_copy(src_hbm.at[pl.ds(tbase, CHUNK)], srcv0)
        pltpu.sync_copy(dst_hbm.at[pl.ds(tbase, CHUNK)], dstv0)
        pltpu.async_copy(h_hbm.at[srcv0], hrows0, sem_h)
        pltpu.async_copy(s_hbm.at[srcv0], srows0, sem_s)
        pltpu.async_copy(d_hbm.at[dstv0], drows0, sem_d)
        pltpu.make_async_copy(h_hbm.at[srcv0], hrows0, sem_h).wait()
        pltpu.make_async_copy(s_hbm.at[srcv0], srows0, sem_s).wait()
        pltpu.make_async_copy(d_hbm.at[dstv0], drows0, sem_d).wait()

        @plsc.parallel_loop(0, CHUNK, step=1, unroll=4)
        def _(e):
            ev = srows0[e, pl.ds(0, 16)] + drows0[e, pl.ds(0, 16)]
            ev = jnp.maximum(ev, ev * 0.2)
            wv = jnp.exp(ev)
            payload0[e, pl.ds(ACC_W - 16, 16)] = jnp.where(headmask, wv, 0.0)
            ws = [wv[8 + hd] for hd in range(HEADS)]
            for r in range(HC // 16):
                payload0[e, pl.ds(r * 16, 16)] = hrows0[e, pl.ds(r * 16, 16)] * ws[r // 2]
        pltpu.sync_copy(payload0, acc_sh.at[dstv0], add=True)

    plsc.subcore_barrier()

    for k in range(ROWS_PER_SUB // 128):
        r0 = s_ax * ROWS_PER_SUB + k * 128
        pltpu.sync_copy(acc_sh.at[pl.ds(r0, 128)], out_hbm.at[c_ax].at[pl.ds(r0, 128)])



_B3 = 2000


def _post_body(a0_ref, a1_ref, h_ref, s_ref, d_ref, skip_ref, bias_ref, out_ref):
    a = a0_ref[...] + a1_ref[...]
    es = s_ref[...][:, 8:8 + HEADS] + d_ref[...][:, 8:8 + HEADS]
    es = jnp.where(es < 0, 0.2 * es, es)
    wself = jnp.exp(es)
    den4 = a[:, HC:HC + HEADS] + wself
    b = a0_ref.shape[0]
    wrep = jnp.concatenate(
        [jnp.broadcast_to(wself[:, i:i + 1], (b, C_OUT)) for i in range(HEADS)], axis=1)
    drep = jnp.concatenate(
        [jnp.broadcast_to(den4[:, i:i + 1], (b, C_OUT)) for i in range(HEADS)], axis=1)
    num = a[:, :HC] + wrep * h_ref[...]
    res = num / (drep + 1e-16) + bias_ref[...] + skip_ref[...]
    out_ref[...] = jnp.where(res > 0, res, jnp.exp(res) - 1.0)


def _post(a0, a1, h, s, d, skip, bias2d):
    grid = (N // _B3,)
    return pl.pallas_call(
        _post_body,
        grid=grid,
        in_specs=[
            pl.BlockSpec((_B3, ACC_W), lambda i: (i, 0)),
            pl.BlockSpec((_B3, ACC_W), lambda i: (i, 0)),
            pl.BlockSpec((_B3, HC), lambda i: (i, 0)),
            pl.BlockSpec((_B3, 16), lambda i: (i, 0)),
            pl.BlockSpec((_B3, 16), lambda i: (i, 0)),
            pl.BlockSpec((_B3, HC), lambda i: (i, 0)),
            pl.BlockSpec((1, HC), lambda i: (0, 0)),
        ],
        out_specs=pl.BlockSpec((_B3, HC), lambda i: (i, 0)),
        out_shape=jax.ShapeDtypeStruct((N, HC), jnp.float32),
    )(a0, a1, h, s, d, skip, bias2d)



def kernel(x, edge_index, W, a_src, a_dst, bias, Wskip, bskip):
    src = edge_index[0].astype(jnp.int32)
    dst = edge_index[1].astype(jnp.int32)

    wcat = jnp.concatenate([W, Wskip], axis=1)
    oh = (jnp.arange(D_IN)[:, None] // C_OUT == jnp.arange(HEADS)[None, :]).astype(jnp.float32)
    z8 = jnp.zeros((D_IN, 8), jnp.float32)
    z4 = jnp.zeros((D_IN, 4), jnp.float32)
    asd = jnp.concatenate(
        [z8, oh * a_src.reshape(-1)[:, None], z4,
         z8, oh * a_dst.reshape(-1)[:, None], z4], axis=1)

    h, s, d, skip = _pre(x, wcat, asd, bskip.reshape(1, HC))
    acc = _edge_kernel(h, s, d, src, dst)
    out = _post(acc[0], acc[1], h, s, d, skip, bias.reshape(1, HC))
    return out

# --- scband reference (transcript-rebuilt; emitter-appended) ---
"""Pipeline reference for scband-conv-skip-layer-52862457479531 (READ-ONLY COPY).

The authoritative reference and input builder live on the scoring server;
editing this copy changes nothing except your own understanding.
"""

import jax, jax.numpy as jnp
import numpy as np

N = 10000
E = 320000
D_IN = 128
HEADS = 4
C_OUT = 32

def setup_inputs(seed: int = 0) -> dict:
    key = jax.random.key(seed)
    ks = jax.random.split(key, 8)
    x = jax.random.normal(ks[0], (N, D_IN), dtype=jnp.float32)
    edge_index = jax.random.randint(ks[1], (2, E), 0, N, dtype=jnp.int64)
    W = jax.random.normal(ks[2], (D_IN, HEADS * C_OUT), dtype=jnp.float32) * 0.1
    a_src = jax.random.normal(ks[3], (HEADS, C_OUT), dtype=jnp.float32) * 0.1
    a_dst = jax.random.normal(ks[4], (HEADS, C_OUT), dtype=jnp.float32) * 0.1
    bias = jnp.zeros((HEADS * C_OUT,), dtype=jnp.float32)
    Wskip = jax.random.normal(ks[5], (D_IN, HEADS * C_OUT), dtype=jnp.float32) * 0.1
    bskip = jnp.zeros((HEADS * C_OUT,), dtype=jnp.float32)
    return {"x": x, "edge_index": edge_index, "W": W, "a_src": a_src, "a_dst": a_dst, "bias": bias, "Wskip": Wskip, "bskip": bskip}

def reference(x, edge_index, W, a_src, a_dst, bias, Wskip, bskip):
    n = x.shape[0]
    # GATConv (PyG defaults): add self-loops, concat=True, negative_slope=0.2
    loop = jnp.arange(n, dtype=edge_index.dtype)
    src = jnp.concatenate([edge_index[0], loop])
    dst = jnp.concatenate([edge_index[1], loop])
    h = (x @ W).reshape(n, HEADS, C_OUT)
    alpha_s = jnp.sum(h * a_src[None, :, :], axis=-1)  # [N, H]
    alpha_d = jnp.sum(h * a_dst[None, :, :], axis=-1)  # [N, H]
    e = jax.nn.leaky_relu(alpha_s[src] + alpha_d[dst], negative_slope=0.2)  # [E', H]
    m = jax.ops.segment_max(e, dst, num_segments=n)
    e = jnp.exp(e - m[dst])
    denom = jax.ops.segment_sum(e, dst, num_segments=n)
    alpha = e / (denom[dst] + 1e-16)
    msg = h[src] * alpha[:, :, None]  # [E', H, C]
    out = jax.ops.segment_sum(msg, dst, num_segments=n).reshape(n, HEADS * C_OUT)
    out = out + bias
    skip = x @ Wskip + bskip
    return jax.nn.elu(out + skip)

if __name__ == "__main__":
    import jax
    _d = setup_inputs()
    print(jax.jit(kernel)(*tuple(_d.values())))

</pallas_src>

<mosaic_0001>
#map = affine_map<(d0, d1) -> (0, 0)>
#map1 = affine_map<(d0, d1) -> (0)>
#map2 = affine_map<(d0, d1) -> (0, 0, 0)>
module attributes {stable_mosaic.version = 14 : i64} {
  func.func @_edge_kernel(%arg0: i32, %arg1: i32, %arg2: memref<10000x128xf32, #tpu.memory_space<hbm>>, %arg3: memref<10000x16xf32, #tpu.memory_space<hbm>>, %arg4: memref<10000x16xf32, #tpu.memory_space<hbm>>, %arg5: memref<320000xi32, #tpu.memory_space<hbm>>, %arg6: memref<320000xi32, #tpu.memory_space<hbm>>, %arg7: memref<2x10240x136xf32, #tpu.memory_space<hbm>>, %arg8: memref<64xi32, #tpu.memory_space<vmem>>, %arg9: memref<64xi32, #tpu.memory_space<vmem>>, %arg10: memref<64xi32, #tpu.memory_space<vmem>>, %arg11: memref<64xi32, #tpu.memory_space<vmem>>, %arg12: memref<64xi32, #tpu.memory_space<vmem>>, %arg13: memref<64xi32, #tpu.memory_space<vmem>>, %arg14: memref<64x128xf32, #tpu.memory_space<vmem>>, %arg15: memref<64x128xf32, #tpu.memory_space<vmem>>, %arg16: memref<64x16xf32, #tpu.memory_space<vmem>>, %arg17: memref<64x16xf32, #tpu.memory_space<vmem>>, %arg18: memref<64x16xf32, #tpu.memory_space<vmem>>, %arg19: memref<64x16xf32, #tpu.memory_space<vmem>>, %arg20: memref<64x136xf32, #tpu.memory_space<vmem>>, %arg21: memref<64x136xf32, #tpu.memory_space<vmem>>, %arg22: memref<10240x136xf32, #tpu.memory_space<vmem_shared>>, %arg23: memref<!tpu.dma_semaphore, #tpu.memory_space<semaphore_mem>>, %arg24: memref<!tpu.dma_semaphore, #tpu.memory_space<semaphore_mem>>, %arg25: memref<!tpu.dma_semaphore, #tpu.memory_space<semaphore_mem>>, %arg26: memref<!tpu.dma_semaphore, #tpu.memory_space<semaphore_mem>>, %arg27: memref<!tpu.dma_semaphore, #tpu.memory_space<semaphore_mem>>) attributes {dimension_semantics = [#tpu.dimension_semantics<core_parallel>, #tpu.dimension_semantics<subcore_parallel>], iteration_bounds = array<i64: 2, 16>, scalar_prefetch = 0 : i64, scratch_operands = 20 : i64, tpu.core_type = #tpu.core_type<sc_vector_subcore>, window_params = [{transform_indices = #map}, {transform_indices = #map}, {transform_indices = #map}, {transform_indices = #map1}, {transform_indices = #map1}, {transform_indices = #map2}]} {
    %mul3A = arith.constant 2 : i32
    %mul3A_0 = arith.muli %arg1, %mul3A : i32
    %add3A = arith.addi %mul3A_0, %arg0 : i32
    %broadcast_in_dim3A = arith.constant 0.000000e+00 : f32
    %broadcast_in_dim3A_1 = vector.broadcast %broadcast_in_dim3A : f32 to vector<16xf32>
    %iota3A = tpu.iota {dimensions = array<i32: 0>} : vector<16xi32>
    %ge3A = arith.constant 8 : i32
    %ge3A_2 = vector.broadcast %ge3A : i32 to vector<16xi32>
    %ge3A_3 = arith.cmpi sge, %iota3A, %ge3A_2 : vector<16xi32>
    %lt3A = arith.constant 12 : i32
    %lt3A_4 = vector.broadcast %lt3A : i32 to vector<16xi32>
    %lt3A_5 = arith.cmpi slt, %iota3A, %lt3A_4 : vector<16xi32>
    %and3A = arith.andi %ge3A_3, %lt3A_5 : vector<16xi1>
    %scan3A = arith.constant 0 : i32
    %scan3A_6 = arith.constant 0 : i32
    %scan3A_7 = arith.constant 64 : i32
    %scan3A_8 = arith.addi %scan3A_6, %scan3A_7 : i32
    %scan3A_9 = arith.constant 1 : i32
    scf.for %scan3A_114 = %scan3A_6 to %scan3A_8 step %scan3A_9  : i32 {
      %swap3A = arith.index_cast %scan3A_114 : i32 to index
      %swap3A_115 = arith.constant 0 : index
      %swap3A_116 = tpu.vector_load %arg20[%swap3A, %swap3A_115] {strides = array<i32>} : memref<64x136xf32, #tpu.memory_space<vmem>>, vector<1x16xf32>,
      %swap3A_117 = vector.shape_cast %swap3A_116 : vector<1x16xf32> to vector<16xf32>
      %swap3A_118 = vector.shape_cast %broadcast_in_dim3A_1 : vector<16xf32> to vector<1x16xf32>
      tpu.vector_store %arg20[%swap3A, %swap3A_115], %swap3A_118 {strides = array<i32>} : memref<64x136xf32, #tpu.memory_space<vmem>>, vector<1x16xf32>,
      %swap3A_119 = arith.index_cast %scan3A_114 : i32 to index
      %swap3A_120 = arith.constant 0 : index
      %swap3A_121 = tpu.vector_load %arg21[%swap3A_119, %swap3A_120] {strides = array<i32>} : memref<64x136xf32, #tpu.memory_space<vmem>>, vector<1x16xf32>,
      %swap3A_122 = vector.shape_cast %swap3A_121 : vector<1x16xf32> to vector<16xf32>
      %swap3A_123 = vector.shape_cast %broadcast_in_dim3A_1 : vector<16xf32> to vector<1x16xf32>
      tpu.vector_store %arg21[%swap3A_119, %swap3A_120], %swap3A_123 {strides = array<i32>} : memref<64x136xf32, #tpu.memory_space<vmem>>, vector<1x16xf32>,
      %swap3A_124 = arith.index_cast %scan3A_114 : i32 to index
      %swap3A_125 = arith.constant 16 : index
      %swap3A_126 = tpu.vector_load %arg20[%swap3A_124, %swap3A_125] {strides = array<i32>} : memref<64x136xf32, #tpu.memory_space<vmem>>, vector<1x16xf32>,
      %swap3A_127 = vector.shape_cast %swap3A_126 : vector<1x16xf32> to vector<16xf32>
      %swap3A_128 = vector.shape_cast %broadcast_in_dim3A_1 : vector<16xf32> to vector<1x16xf32>
      tpu.vector_store %arg20[%swap3A_124, %swap3A_125], %swap3A_128 {strides = array<i32>} : memref<64x136xf32, #tpu.memory_space<vmem>>, vector<1x16xf32>,
      %swap3A_129 = arith.index_cast %scan3A_114 : i32 to index
      %swap3A_130 = arith.constant 16 : index
      %swap3A_131 = tpu.vector_load %arg21[%swap3A_129, %swap3A_130] {strides = array<i32>} : memref<64x136xf32, #tpu.memory_space<vmem>>, vector<1x16xf32>,
      %swap3A_132 = vector.shape_cast %swap3A_131 : vector<1x16xf32> to vector<16xf32>
      %swap3A_133 = vector.shape_cast %broadcast_in_dim3A_1 : vector<16xf32> to vector<1x16xf32>
      tpu.vector_store %arg21[%swap3A_129, %swap3A_130], %swap3A_133 {strides = array<i32>} : memref<64x136xf32, #tpu.memory_space<vmem>>, vector<1x16xf32>,
      %swap3A_134 = arith.index_cast %scan3A_114 : i32 to index
      %swap3A_135 = arith.constant 32 : index
      %swap3A_136 = tpu.vector_load %arg20[%swap3A_134, %swap3A_135] {strides = array<i32>} : memref<64x136xf32, #tpu.memory_space<vmem>>, vector<1x16xf32>,
      %swap3A_137 = vector.shape_cast %swap3A_136 : vector<1x16xf32> to vector<16xf32>
      %swap3A_138 = vector.shape_cast %broadcast_in_dim3A_1 : vector<16xf32> to vector<1x16xf32>
      tpu.vector_store %arg20[%swap3A_134, %swap3A_135], %swap3A_138 {strides = array<i32>} : memref<64x136xf32, #tpu.memory_space<vmem>>, vector<1x16xf32>,
      %swap3A_139 = arith.index_cast %scan3A_114 : i32 to index
      %swap3A_140 = arith.constant 32 : index
      %swap3A_141 = tpu.vector_load %arg21[%swap3A_139, %swap3A_140] {strides = array<i32>} : memref<64x136xf32, #tpu.memory_space<vmem>>, vector<1x16xf32>,
      %swap3A_142 = vector.shape_cast %swap3A_141 : vector<1x16xf32> to vector<16xf32>
      %swap3A_143 = vector.shape_cast %broadcast_in_dim3A_1 : vector<16xf32> to vector<1x16xf32>
      tpu.vector_store %arg21[%swap3A_139, %swap3A_140], %swap3A_143 {strides = array<i32>} : memref<64x136xf32, #tpu.memory_space<vmem>>, vector<1x16xf32>,
      %swap3A_144 = arith.index_cast %scan3A_114 : i32 to index
      %swap3A_145 = arith.constant 48 : index
      %swap3A_146 = tpu.vector_load %arg20[%swap3A_144, %swap3A_145] {strides = array<i32>} : memref<64x136xf32, #tpu.memory_space<vmem>>, vector<1x16xf32>,
      %swap3A_147 = vector.shape_cast %swap3A_146 : vector<1x16xf32> to vector<16xf32>
      %swap3A_148 = vector.shape_cast %broadcast_in_dim3A_1 : vector<16xf32> to vector<1x16xf32>
      tpu.vector_store %arg20[%swap3A_144, %swap3A_145], %swap3A_148 {strides = array<i32>} : memref<64x136xf32, #tpu.memory_space<vmem>>, vector<1x16xf32>,
      %swap3A_149 = arith.index_cast %scan3A_114 : i32 to index
      %swap3A_150 = arith.constant 48 : index
      %swap3A_151 = tpu.vector_load %arg21[%swap3A_149, %swap3A_150] {strides = array<i32>} : memref<64x136xf32, #tpu.memory_space<vmem>>, vector<1x16xf32>,
      %swap3A_152 = vector.shape_cast %swap3A_151 : vector<1x16xf32> to vector<16xf32>
      %swap3A_153 = vector.shape_cast %broadcast_in_dim3A_1 : vector<16xf32> to vector<1x16xf32>
      tpu.vector_store %arg21[%swap3A_149, %swap3A_150], %swap3A_153 {strides = array<i32>} : memref<64x136xf32, #tpu.memory_space<vmem>>, vector<1x16xf32>,
      %swap3A_154 = arith.index_cast %scan3A_114 : i32 to index
      %swap3A_155 = arith.constant 64 : index
      %swap3A_156 = tpu.vector_load %arg20[%swap3A_154, %swap3A_155] {strides = array<i32>} : memref<64x136xf32, #tpu.memory_space<vmem>>, vector<1x16xf32>,
      %swap3A_157 = vector.shape_cast %swap3A_156 : vector<1x16xf32> to vector<16xf32>
      %swap3A_158 = vector.shape_cast %broadcast_in_dim3A_1 : vector<16xf32> to vector<1x16xf32>
      tpu.vector_store %arg20[%swap3A_154, %swap3A_155], %swap3A_158 {strides = array<i32>} : memref<64x136xf32, #tpu.memory_space<vmem>>, vector<1x16xf32>,
      %swap3A_159 = arith.index_cast %scan3A_114 : i32 to index
      %swap3A_160 = arith.constant 64 : index
      %swap3A_161 = tpu.vector_load %arg21[%swap3A_159, %swap3A_160] {strides = array<i32>} : memref<64x136xf32, #tpu.memory_space<vmem>>, vector<1x16xf32>,
      %swap3A_162 = vector.shape_cast %swap3A_161 : vector<1x16xf32> to vector<16xf32>
      %swap3A_163 = vector.shape_cast %broadcast_in_dim3A_1 : vector<16xf32> to vector<1x16xf32>
      tpu.vector_store %arg21[%swap3A_159, %swap3A_160], %swap3A_163 {strides = array<i32>} : memref<64x136xf32, #tpu.memory_space<vmem>>, vector<1x16xf32>,
      %swap3A_164 = arith.index_cast %scan3A_114 : i32 to index
      %swap3A_165 = arith.constant 80 : index
      %swap3A_166 = tpu.vector_load %arg20[%swap3A_164, %swap3A_165] {strides = array<i32>} : memref<64x136xf32, #tpu.memory_space<vmem>>, vector<1x16xf32>,
      %swap3A_167 = vector.shape_cast %swap3A_166 : vector<1x16xf32> to vector<16xf32>
      %swap3A_168 = vector.shape_cast %broadcast_in_dim3A_1 : vector<16xf32> to vector<1x16xf32>
      tpu.vector_store %arg20[%swap3A_164, %swap3A_165], %swap3A_168 {strides = array<i32>} : memref<64x136xf32, #tpu.memory_space<vmem>>, vector<1x16xf32>,
      %swap3A_169 = arith.index_cast %scan3A_114 : i32 to index
      %swap3A_170 = arith.constant 80 : index
      %swap3A_171 = tpu.vector_load %arg21[%swap3A_169, %swap3A_170] {strides = array<i32>} : memref<64x136xf32, #tpu.memory_space<vmem>>, vector<1x16xf32>,
      %swap3A_172 = vector.shape_cast %swap3A_171 : vector<1x16xf32> to vector<16xf32>
      %swap3A_173 = vector.shape_cast %broadcast_in_dim3A_1 : vector<16xf32> to vector<1x16xf32>
      tpu.vector_store %arg21[%swap3A_169, %swap3A_170], %swap3A_173 {strides = array<i32>} : memref<64x136xf32, #tpu.memory_space<vmem>>, vector<1x16xf32>,
      %swap3A_174 = arith.index_cast %scan3A_114 : i32 to index
      %swap3A_175 = arith.constant 96 : index
      %swap3A_176 = tpu.vector_load %arg20[%swap3A_174, %swap3A_175] {strides = array<i32>} : memref<64x136xf32, #tpu.memory_space<vmem>>, vector<1x16xf32>,
      %swap3A_177 = vector.shape_cast %swap3A_176 : vector<1x16xf32> to vector<16xf32>
      %swap3A_178 = vector.shape_cast %broadcast_in_dim3A_1 : vector<16xf32> to vector<1x16xf32>
      tpu.vector_store %arg20[%swap3A_174, %swap3A_175], %swap3A_178 {strides = array<i32>} : memref<64x136xf32, #tpu.memory_space<vmem>>, vector<1x16xf32>,
      %swap3A_179 = arith.index_cast %scan3A_114 : i32 to index
      %swap3A_180 = arith.constant 96 : index
      %swap3A_181 = tpu.vector_load %arg21[%swap3A_179, %swap3A_180] {strides = array<i32>} : memref<64x136xf32, #tpu.memory_space<vmem>>, vector<1x16xf32>,
      %swap3A_182 = vector.shape_cast %swap3A_181 : vector<1x16xf32> to vector<16xf32>
      %swap3A_183 = vector.shape_cast %broadcast_in_dim3A_1 : vector<16xf32> to vector<1x16xf32>
      tpu.vector_store %arg21[%swap3A_179, %swap3A_180], %swap3A_183 {strides = array<i32>} : memref<64x136xf32, #tpu.memory_space<vmem>>, vector<1x16xf32>,
      %swap3A_184 = arith.index_cast %scan3A_114 : i32 to index
      %swap3A_185 = arith.constant 112 : index
      %swap3A_186 = tpu.vector_load %arg20[%swap3A_184, %swap3A_185] {strides = array<i32>} : memref<64x136xf32, #tpu.memory_space<vmem>>, vector<1x16xf32>,
      %swap3A_187 = vector.shape_cast %swap3A_186 : vector<1x16xf32> to vector<16xf32>
      %swap3A_188 = vector.shape_cast %broadcast_in_dim3A_1 : vector<16xf32> to vector<1x16xf32>
      tpu.vector_store %arg20[%swap3A_184, %swap3A_185], %swap3A_188 {strides = array<i32>} : memref<64x136xf32, #tpu.memory_space<vmem>>, vector<1x16xf32>,
      %swap3A_189 = arith.index_cast %scan3A_114 : i32 to index
      %swap3A_190 = arith.constant 112 : index
      %swap3A_191 = tpu.vector_load %arg21[%swap3A_189, %swap3A_190] {strides = array<i32>} : memref<64x136xf32, #tpu.memory_space<vmem>>, vector<1x16xf32>,
      %swap3A_192 = vector.shape_cast %swap3A_191 : vector<1x16xf32> to vector<16xf32>
      %swap3A_193 = vector.shape_cast %broadcast_in_dim3A_1 : vector<16xf32> to vector<1x16xf32>
      tpu.vector_store %arg21[%swap3A_189, %swap3A_190], %swap3A_193 {strides = array<i32>} : memref<64x136xf32, #tpu.memory_space<vmem>>, vector<1x16xf32>,
      %swap3A_194 = arith.index_cast %scan3A_114 : i32 to index
      %swap3A_195 = arith.constant 120 : index
      %swap3A_196 = tpu.vector_load %arg20[%swap3A_194, %swap3A_195] {strides = array<i32>} : memref<64x136xf32, #tpu.memory_space<vmem>>, vector<1x16xf32>,
      %swap3A_197 = vector.shape_cast %swap3A_196 : vector<1x16xf32> to vector<16xf32>
      %swap3A_198 = vector.shape_cast %broadcast_in_dim3A_1 : vector<16xf32> to vector<1x16xf32>
      tpu.vector_store %arg20[%swap3A_194, %swap3A_195], %swap3A_198 {strides = array<i32>} : memref<64x136xf32, #tpu.memory_space<vmem>>, vector<1x16xf32>,
      %swap3A_199 = arith.index_cast %scan3A_114 : i32 to index
      %swap3A_200 = arith.constant 120 : index
      %swap3A_201 = tpu.vector_load %arg21[%swap3A_199, %swap3A_200] {strides = array<i32>} : memref<64x136xf32, #tpu.memory_space<vmem>>, vector<1x16xf32>,
      %swap3A_202 = vector.shape_cast %swap3A_201 : vector<1x16xf32> to vector<16xf32>
      %swap3A_203 = vector.shape_cast %broadcast_in_dim3A_1 : vector<16xf32> to vector<1x16xf32>
      tpu.vector_store %arg21[%swap3A_199, %swap3A_200], %swap3A_203 {strides = array<i32>} : memref<64x136xf32, #tpu.memory_space<vmem>>, vector<1x16xf32>,
    }
    %scan3A_10 = arith.constant 64 : i32
    %mul3A_11 = arith.constant 640 : i32
    %mul3A_12 = arith.muli %arg1, %mul3A_11 : i32
    %add3A_13 = arith.constant 0 : i32
    %add3A_14 = arith.addi %mul3A_12, %add3A_13 : i32
    "tpu.region"() ({
      %run_scoped3A = tpu.sem_alloc : memref<!tpu.dma_semaphore, #tpu.memory_space<semaphore_mem>>
      %dma_start3A_114 = arith.constant 0 : i32
      %dma_start3A_115 = tpu.memref_slice %arg22[%add3A_14, %dma_start3A_114] : memref<10240x136xf32, #tpu.memory_space<vmem_shared>> -> memref<64x136xf32, #tpu.memory_space<vmem_shared>>
      %dma_start3A_116 = arith.constant 0 : i32
      %dma_start3A_117 = tpu.memref_slice %arg22[%add3A_14, %dma_start3A_116] : memref<10240x136xf32, #tpu.memory_space<vmem_shared>> -> memref<64x136xf32, #tpu.memory_space<vmem_shared>>
      tpu.enqueue_dma source(%arg20 : memref<64x136xf32, #tpu.memory_space<vmem>>) target(%dma_start3A_117 : memref<64x136xf32, #tpu.memory_space<vmem_shared>>) target_semaphore(%run_scoped3A : memref<!tpu.dma_semaphore, #tpu.memory_space<semaphore_mem>>)
      %dma_wait3A_118 = arith.constant 0 : i32
      %dma_wait3A_119 = tpu.memref_slice %arg22[%add3A_14, %dma_wait3A_118] : memref<10240x136xf32, #tpu.memory_space<vmem_shared>> -> memref<64x136xf32, #tpu.memory_space<vmem_shared>>
      %dma_wait3A_120 = arith.constant 0 : i32
      %dma_wait3A_121 = tpu.memref_slice %arg22[%add3A_14, %dma_wait3A_120] : memref<10240x136xf32, #tpu.memory_space<vmem_shared>> -> memref<64x136xf32, #tpu.memory_space<vmem_shared>>
      tpu.wait_dma2 semaphore(%run_scoped3A : memref<!tpu.dma_semaphore, #tpu.memory_space<semaphore_mem>>) src(%arg20 : memref<64x136xf32, #tpu.memory_space<vmem>>) dst(%dma_wait3A_121 : memref<64x136xf32, #tpu.memory_space<vmem_shared>>)
      tpu.yield
    }) : () -> ()
    %mul3A_15 = arith.constant 640 : i32
    %mul3A_16 = arith.muli %arg1, %mul3A_15 : i32
    %add3A_17 = arith.constant 64 : i32
    %add3A_18 = arith.addi %mul3A_16, %add3A_17 : i32
    "tpu.region"() ({
      %run_scoped3A = tpu.sem_alloc : memref<!tpu.dma_semaphore, #tpu.memory_space<semaphore_mem>>
      %dma_start3A_114 = arith.constant 0 : i32
      %dma_start3A_115 = tpu.memref_slice %arg22[%add3A_18, %dma_start3A_114] : memref<10240x136xf32, #tpu.memory_space<vmem_shared>> -> memref<64x136xf32, #tpu.memory_space<vmem_shared>>
      %dma_start3A_116 = arith.constant 0 : i32
      %dma_start3A_117 = tpu.memref_slice %arg22[%add3A_18, %dma_start3A_116] : memref<10240x136xf32, #tpu.memory_space<vmem_shared>> -> memref<64x136xf32, #tpu.memory_space<vmem_shared>>
      tpu.enqueue_dma source(%arg20 : memref<64x136xf32, #tpu.memory_space<vmem>>) target(%dma_start3A_117 : memref<64x136xf32, #tpu.memory_space<vmem_shared>>) target_semaphore(%run_scoped3A : memref<!tpu.dma_semaphore, #tpu.memory_space<semaphore_mem>>)
      %dma_wait3A_118 = arith.constant 0 : i32
      %dma_wait3A_119 = tpu.memref_slice %arg22[%add3A_18, %dma_wait3A_118] : memref<10240x136xf32, #tpu.memory_space<vmem_shared>> -> memref<64x136xf32, #tpu.memory_space<vmem_shared>>
      %dma_wait3A_120 = arith.constant 0 : i32
      %dma_wait3A_121 = tpu.memref_slice %arg22[%add3A_18, %dma_wait3A_120] : memref<10240x136xf32, #tpu.memory_space<vmem_shared>> -> memref<64x136xf32, #tpu.memory_space<vmem_shared>>
      tpu.wait_dma2 semaphore(%run_scoped3A : memref<!tpu.dma_semaphore, #tpu.memory_space<semaphore_mem>>) src(%arg20 : memref<64x136xf32, #tpu.memory_space<vmem>>) dst(%dma_wait3A_121 : memref<64x136xf32, #tpu.memory_space<vmem_shared>>)
      tpu.yield
    }) : () -> ()
    %mul3A_19 = arith.constant 640 : i32
    %mul3A_20 = arith.muli %arg1, %mul3A_19 : i32
    %add3A_21 = arith.constant 128 : i32
    %add3A_22 = arith.addi %mul3A_20, %add3A_21 : i32
    "tpu.region"() ({
      %run_scoped3A = tpu.sem_alloc : memref<!tpu.dma_semaphore, #tpu.memory_space<semaphore_mem>>
      %dma_start3A_114 = arith.constant 0 : i32
      %dma_start3A_115 = tpu.memref_slice %arg22[%add3A_22, %dma_start3A_114] : memref<10240x136xf32, #tpu.memory_space<vmem_shared>> -> memref<64x136xf32, #tpu.memory_space<vmem_shared>>
      %dma_start3A_116 = arith.constant 0 : i32
      %dma_start3A_117 = tpu.memref_slice %arg22[%add3A_22, %dma_start3A_116] : memref<10240x136xf32, #tpu.memory_space<vmem_shared>> -> memref<64x136xf32, #tpu.memory_space<vmem_shared>>
      tpu.enqueue_dma source(%arg20 : memref<64x136xf32, #tpu.memory_space<vmem>>) target(%dma_start3A_117 : memref<64x136xf32, #tpu.memory_space<vmem_shared>>) target_semaphore(%run_scoped3A : memref<!tpu.dma_semaphore, #tpu.memory_space<semaphore_mem>>)
      %dma_wait3A_118 = arith.constant 0 : i32
      %dma_wait3A_119 = tpu.memref_slice %arg22[%add3A_22, %dma_wait3A_118] : memref<10240x136xf32, #tpu.memory_space<vmem_shared>> -> memref<64x136xf32, #tpu.memory_space<vmem_shared>>
      %dma_wait3A_120 = arith.constant 0 : i32
      %dma_wait3A_121 = tpu.memref_slice %arg22[%add3A_22, %dma_wait3A_120] : memref<10240x136xf32, #tpu.memory_space<vmem_shared>> -> memref<64x136xf32, #tpu.memory_space<vmem_shared>>
      tpu.wait_dma2 semaphore(%run_scoped3A : memref<!tpu.dma_semaphore, #tpu.memory_space<semaphore_mem>>) src(%arg20 : memref<64x136xf32, #tpu.memory_space<vmem>>) dst(%dma_wait3A_121 : memref<64x136xf32, #tpu.memory_space<vmem_shared>>)
      tpu.yield
    }) : () -> ()
    %mul3A_23 = arith.constant 640 : i32
    %mul3A_24 = arith.muli %arg1, %mul3A_23 : i32
    %add3A_25 = arith.constant 192 : i32
    %add3A_26 = arith.addi %mul3A_24, %add3A_25 : i32
    "tpu.region"() ({
      %run_scoped3A = tpu.sem_alloc : memref<!tpu.dma_semaphore, #tpu.memory_space<semaphore_mem>>
      %dma_start3A_114 = arith.constant 0 : i32
      %dma_start3A_115 = tpu.memref_slice %arg22[%add3A_26, %dma_start3A_114] : memref<10240x136xf32, #tpu.memory_space<vmem_shared>> -> memref<64x136xf32, #tpu.memory_space<vmem_shared>>
      %dma_start3A_116 = arith.constant 0 : i32
      %dma_start3A_117 = tpu.memref_slice %arg22[%add3A_26, %dma_start3A_116] : memref<10240x136xf32, #tpu.memory_space<vmem_shared>> -> memref<64x136xf32, #tpu.memory_space<vmem_shared>>
      tpu.enqueue_dma source(%arg20 : memref<64x136xf32, #tpu.memory_space<vmem>>) target(%dma_start3A_117 : memref<64x136xf32, #tpu.memory_space<vmem_shared>>) target_semaphore(%run_scoped3A : memref<!tpu.dma_semaphore, #tpu.memory_space<semaphore_mem>>)
      %dma_wait3A_118 = arith.constant 0 : i32
      %dma_wait3A_119 = tpu.memref_slice %arg22[%add3A_26, %dma_wait3A_118] : memref<10240x136xf32, #tpu.memory_space<vmem_shared>> -> memref<64x136xf32, #tpu.memory_space<vmem_shared>>
      %dma_wait3A_120 = arith.constant 0 : i32
      %dma_wait3A_121 = tpu.memref_slice %arg22[%add3A_26, %dma_wait3A_120] : memref<10240x136xf32, #tpu.memory_space<vmem_shared>> -> memref<64x136xf32, #tpu.memory_space<vmem_shared>>
      tpu.wait_dma2 semaphore(%run_scoped3A : memref<!tpu.dma_semaphore, #tpu.memory_space<semaphore_mem>>) src(%arg20 : memref<64x136xf32, #tpu.memory_space<vmem>>) dst(%dma_wait3A_121 : memref<64x136xf32, #tpu.memory_space<vmem_shared>>)
      tpu.yield
    }) : () -> ()
    %mul3A_27 = arith.constant 640 : i32
    %mul3A_28 = arith.muli %arg1, %mul3A_27 : i32
    %add3A_29 = arith.constant 256 : i32
    %add3A_30 = arith.addi %mul3A_28, %add3A_29 : i32
    "tpu.region"() ({
      %run_scoped3A = tpu.sem_alloc : memref<!tpu.dma_semaphore, #tpu.memory_space<semaphore_mem>>
      %dma_start3A_114 = arith.constant 0 : i32
      %dma_start3A_115 = tpu.memref_slice %arg22[%add3A_30, %dma_start3A_114] : memref<10240x136xf32, #tpu.memory_space<vmem_shared>> -> memref<64x136xf32, #tpu.memory_space<vmem_shared>>
      %dma_start3A_116 = arith.constant 0 : i32
      %dma_start3A_117 = tpu.memref_slice %arg22[%add3A_30, %dma_start3A_116] : memref<10240x136xf32, #tpu.memory_space<vmem_shared>> -> memref<64x136xf32, #tpu.memory_space<vmem_shared>>
      tpu.enqueue_dma source(%arg20 : memref<64x136xf32, #tpu.memory_space<vmem>>) target(%dma_start3A_117 : memref<64x136xf32, #tpu.memory_space<vmem_shared>>) target_semaphore(%run_scoped3A : memref<!tpu.dma_semaphore, #tpu.memory_space<semaphore_mem>>)
      %dma_wait3A_118 = arith.constant 0 : i32
      %dma_wait3A_119 = tpu.memref_slice %arg22[%add3A_30, %dma_wait3A_118] : memref<10240x136xf32, #tpu.memory_space<vmem_shared>> -> memref<64x136xf32, #tpu.memory_space<vmem_shared>>
      %dma_wait3A_120 = arith.constant 0 : i32
      %dma_wait3A_121 = tpu.memref_slice %arg22[%add3A_30, %dma_wait3A_120] : memref<10240x136xf32, #tpu.memory_space<vmem_shared>> -> memref<64x136xf32, #tpu.memory_space<vmem_shared>>
      tpu.wait_dma2 semaphore(%run_scoped3A : memref<!tpu.dma_semaphore, #tpu.memory_space<semaphore_mem>>) src(%arg20 : memref<64x136xf32, #tpu.memory_space<vmem>>) dst(%dma_wait3A_121 : memref<64x136xf32, #tpu.memory_space<vmem_shared>>)
      tpu.yield
    }) : () -> ()
    %mul3A_31 = arith.constant 640 : i32
    %mul3A_32 = arith.muli %arg1, %mul3A_31 : i32
    %add3A_33 = arith.constant 320 : i32
    %add3A_34 = arith.addi %mul3A_32, %add3A_33 : i32
    "tpu.region"() ({
      %run_scoped3A = tpu.sem_alloc : memref<!tpu.dma_semaphore, #tpu.memory_space<semaphore_mem>>
      %dma_start3A_114 = arith.constant 0 : i32
      %dma_start3A_115 = tpu.memref_slice %arg22[%add3A_34, %dma_start3A_114] : memref<10240x136xf32, #tpu.memory_space<vmem_shared>> -> memref<64x136xf32, #tpu.memory_space<vmem_shared>>
      %dma_start3A_116 = arith.constant 0 : i32
      %dma_start3A_117 = tpu.memref_slice %arg22[%add3A_34, %dma_start3A_116] : memref<10240x136xf32, #tpu.memory_space<vmem_shared>> -> memref<64x136xf32, #tpu.memory_space<vmem_shared>>
      tpu.enqueue_dma source(%arg20 : memref<64x136xf32, #tpu.memory_space<vmem>>) target(%dma_start3A_117 : memref<64x136xf32, #tpu.memory_space<vmem_shared>>) target_semaphore(%run_scoped3A : memref<!tpu.dma_semaphore, #tpu.memory_space<semaphore_mem>>)
      %dma_wait3A_118 = arith.constant 0 : i32
      %dma_wait3A_119 = tpu.memref_slice %arg22[%add3A_34, %dma_wait3A_118] : memref<10240x136xf32, #tpu.memory_space<vmem_shared>> -> memref<64x136xf32, #tpu.memory_space<vmem_shared>>
      %dma_wait3A_120 = arith.constant 0 : i32
      %dma_wait3A_121 = tpu.memref_slice %arg22[%add3A_34, %dma_wait3A_120] : memref<10240x136xf32, #tpu.memory_space<vmem_shared>> -> memref<64x136xf32, #tpu.memory_space<vmem_shared>>
      tpu.wait_dma2 semaphore(%run_scoped3A : memref<!tpu.dma_semaphore, #tpu.memory_space<semaphore_mem>>) src(%arg20 : memref<64x136xf32, #tpu.memory_space<vmem>>) dst(%dma_wait3A_121 : memref<64x136xf32, #tpu.memory_space<vmem_shared>>)
      tpu.yield
    }) : () -> ()
    %mul3A_35 = arith.constant 640 : i32
    %mul3A_36 = arith.muli %arg1, %mul3A_35 : i32
    %add3A_37 = arith.constant 384 : i32
    %add3A_38 = arith.addi %mul3A_36, %add3A_37 : i32
    "tpu.region"() ({
      %run_scoped3A = tpu.sem_alloc : memref<!tpu.dma_semaphore, #tpu.memory_space<semaphore_mem>>
      %dma_start3A_114 = arith.constant 0 : i32
      %dma_start3A_115 = tpu.memref_slice %arg22[%add3A_38, %dma_start3A_114] : memref<10240x136xf32, #tpu.memory_space<vmem_shared>> -> memref<64x136xf32, #tpu.memory_space<vmem_shared>>
      %dma_start3A_116 = arith.constant 0 : i32
      %dma_start3A_117 = tpu.memref_slice %arg22[%add3A_38, %dma_start3A_116] : memref<10240x136xf32, #tpu.memory_space<vmem_shared>> -> memref<64x136xf32, #tpu.memory_space<vmem_shared>>
      tpu.enqueue_dma source(%arg20 : memref<64x136xf32, #tpu.memory_space<vmem>>) target(%dma_start3A_117 : memref<64x136xf32, #tpu.memory_space<vmem_shared>>) target_semaphore(%run_scoped3A : memref<!tpu.dma_semaphore, #tpu.memory_space<semaphore_mem>>)
      %dma_wait3A_118 = arith.constant 0 : i32
      %dma_wait3A_119 = tpu.memref_slice %arg22[%add3A_38, %dma_wait3A_118] : memref<10240x136xf32, #tpu.memory_space<vmem_shared>> -> memref<64x136xf32, #tpu.memory_space<vmem_shared>>
      %dma_wait3A_120 = arith.constant 0 : i32
      %dma_wait3A_121 = tpu.memref_slice %arg22[%add3A_38, %dma_wait3A_120] : memref<10240x136xf32, #tpu.memory_space<vmem_shared>> -> memref<64x136xf32, #tpu.memory_space<vmem_shared>>
      tpu.wait_dma2 semaphore(%run_scoped3A : memref<!tpu.dma_semaphore, #tpu.memory_space<semaphore_mem>>) src(%arg20 : memref<64x136xf32, #tpu.memory_space<vmem>>) dst(%dma_wait3A_121 : memref<64x136xf32, #tpu.memory_space<vmem_shared>>)
      tpu.yield
    }) : () -> ()
    %mul3A_39 = arith.constant 640 : i32
    %mul3A_40 = arith.muli %arg1, %mul3A_39 : i32
    %add3A_41 = arith.constant 448 : i32
    %add3A_42 = arith.addi %mul3A_40, %add3A_41 : i32
    "tpu.region"() ({
      %run_scoped3A = tpu.sem_alloc : memref<!tpu.dma_semaphore, #tpu.memory_space<semaphore_mem>>
      %dma_start3A_114 = arith.constant 0 : i32
      %dma_start3A_115 = tpu.memref_slice %arg22[%add3A_42, %dma_start3A_114] : memref<10240x136xf32, #tpu.memory_space<vmem_shared>> -> memref<64x136xf32, #tpu.memory_space<vmem_shared>>
      %dma_start3A_116 = arith.constant 0 : i32
      %dma_start3A_117 = tpu.memref_slice %arg22[%add3A_42, %dma_start3A_116] : memref<10240x136xf32, #tpu.memory_space<vmem_shared>> -> memref<64x136xf32, #tpu.memory_space<vmem_shared>>
      tpu.enqueue_dma source(%arg20 : memref<64x136xf32, #tpu.memory_space<vmem>>) target(%dma_start3A_117 : memref<64x136xf32, #tpu.memory_space<vmem_shared>>) target_semaphore(%run_scoped3A : memref<!tpu.dma_semaphore, #tpu.memory_space<semaphore_mem>>)
      %dma_wait3A_118 = arith.constant 0 : i32
      %dma_wait3A_119 = tpu.memref_slice %arg22[%add3A_42, %dma_wait3A_118] : memref<10240x136xf32, #tpu.memory_space<vmem_shared>> -> memref<64x136xf32, #tpu.memory_space<vmem_shared>>
      %dma_wait3A_120 = arith.constant 0 : i32
      %dma_wait3A_121 = tpu.memref_slice %arg22[%add3A_42, %dma_wait3A_120] : memref<10240x136xf32, #tpu.memory_space<vmem_shared>> -> memref<64x136xf32, #tpu.memory_space<vmem_shared>>
      tpu.wait_dma2 semaphore(%run_scoped3A : memref<!tpu.dma_semaphore, #tpu.memory_space<semaphore_mem>>) src(%arg20 : memref<64x136xf32, #tpu.memory_space<vmem>>) dst(%dma_wait3A_121 : memref<64x136xf32, #tpu.memory_space<vmem_shared>>)
      tpu.yield
    }) : () -> ()
    %mul3A_43 = arith.constant 640 : i32
    %mul3A_44 = arith.muli %arg1, %mul3A_43 : i32
    %add3A_45 = arith.constant 512 : i32
    %add3A_46 = arith.addi %mul3A_44, %add3A_45 : i32
    "tpu.region"() ({
      %run_scoped3A = tpu.sem_alloc : memref<!tpu.dma_semaphore, #tpu.memory_space<semaphore_mem>>
      %dma_start3A_114 = arith.constant 0 : i32
      %dma_start3A_115 = tpu.memref_slice %arg22[%add3A_46, %dma_start3A_114] : memref<10240x136xf32, #tpu.memory_space<vmem_shared>> -> memref<64x136xf32, #tpu.memory_space<vmem_shared>>
      %dma_start3A_116 = arith.constant 0 : i32
      %dma_start3A_117 = tpu.memref_slice %arg22[%add3A_46, %dma_start3A_116] : memref<10240x136xf32, #tpu.memory_space<vmem_shared>> -> memref<64x136xf32, #tpu.memory_space<vmem_shared>>
      tpu.enqueue_dma source(%arg20 : memref<64x136xf32, #tpu.memory_space<vmem>>) target(%dma_start3A_117 : memref<64x136xf32, #tpu.memory_space<vmem_shared>>) target_semaphore(%run_scoped3A : memref<!tpu.dma_semaphore, #tpu.memory_space<semaphore_mem>>)
      %dma_wait3A_118 = arith.constant 0 : i32
      %dma_wait3A_119 = tpu.memref_slice %arg22[%add3A_46, %dma_wait3A_118] : memref<10240x136xf32, #tpu.memory_space<vmem_shared>> -> memref<64x136xf32, #tpu.memory_space<vmem_shared>>
      %dma_wait3A_120 = arith.constant 0 : i32
      %dma_wait3A_121 = tpu.memref_slice %arg22[%add3A_46, %dma_wait3A_120] : memref<10240x136xf32, #tpu.memory_space<vmem_shared>> -> memref<64x136xf32, #tpu.memory_space<vmem_shared>>
      tpu.wait_dma2 semaphore(%run_scoped3A : memref<!tpu.dma_semaphore, #tpu.memory_space<semaphore_mem>>) src(%arg20 : memref<64x136xf32, #tpu.memory_space<vmem>>) dst(%dma_wait3A_121 : memref<64x136xf32, #tpu.memory_space<vmem_shared>>)
      tpu.yield
    }) : () -> ()
    %mul3A_47 = arith.constant 640 : i32
    %mul3A_48 = arith.muli %arg1, %mul3A_47 : i32
    %add3A_49 = arith.constant 576 : i32
    %add3A_50 = arith.addi %mul3A_48, %add3A_49 : i32
    "tpu.region"() ({
      %run_scoped3A = tpu.sem_alloc : memref<!tpu.dma_semaphore, #tpu.memory_space<semaphore_mem>>
      %dma_start3A_114 = arith.constant 0 : i32
      %dma_start3A_115 = tpu.memref_slice %arg22[%add3A_50, %dma_start3A_114] : memref<10240x136xf32, #tpu.memory_space<vmem_shared>> -> memref<64x136xf32, #tpu.memory_space<vmem_shared>>
      %dma_start3A_116 = arith.constant 0 : i32
      %dma_start3A_117 = tpu.memref_slice %arg22[%add3A_50, %dma_start3A_116] : memref<10240x136xf32, #tpu.memory_space<vmem_shared>> -> memref<64x136xf32, #tpu.memory_space<vmem_shared>>
      tpu.enqueue_dma source(%arg20 : memref<64x136xf32, #tpu.memory_space<vmem>>) target(%dma_start3A_117 : memref<64x136xf32, #tpu.memory_space<vmem_shared>>) target_semaphore(%run_scoped3A : memref<!tpu.dma_semaphore, #tpu.memory_space<semaphore_mem>>)
      %dma_wait3A_118 = arith.constant 0 : i32
      %dma_wait3A_119 = tpu.memref_slice %arg22[%add3A_50, %dma_wait3A_118] : memref<10240x136xf32, #tpu.memory_space<vmem_shared>> -> memref<64x136xf32, #tpu.memory_space<vmem_shared>>
      %dma_wait3A_120 = arith.constant 0 : i32
      %dma_wait3A_121 = tpu.memref_slice %arg22[%add3A_50, %dma_wait3A_120] : memref<10240x136xf32, #tpu.memory_space<vmem_shared>> -> memref<64x136xf32, #tpu.memory_space<vmem_shared>>
      tpu.wait_dma2 semaphore(%run_scoped3A : memref<!tpu.dma_semaphore, #tpu.memory_space<semaphore_mem>>) src(%arg20 : memref<64x136xf32, #tpu.memory_space<vmem>>) dst(%dma_wait3A_121 : memref<64x136xf32, #tpu.memory_space<vmem_shared>>)
      tpu.yield
    }) : () -> ()
    %barrier3A = arith.constant 0 : index
    tpu.barrier barrier_id(%barrier3A)
    %add3A_51 = arith.constant 0 : i32
    %add3A_52 = arith.addi %add3A, %add3A_51 : i32
    %mul3A_53 = arith.constant 64 : i32
    %mul3A_54 = arith.muli %add3A_52, %mul3A_53 : i32
    "tpu.region"() ({
      %run_scoped3A = tpu.sem_alloc : memref<!tpu.dma_semaphore, #tpu.memory_space<semaphore_mem>>
      %dma_start3A_114 = tpu.memref_slice %arg5[%mul3A_54] : memref<320000xi32, #tpu.memory_space<hbm>> -> memref<64xi32, #tpu.memory_space<hbm>>
      %dma_start3A_115 = tpu.memref_slice %arg5[%mul3A_54] : memref<320000xi32, #tpu.memory_space<hbm>> -> memref<64xi32, #tpu.memory_space<hbm>>
      tpu.enqueue_dma source(%dma_start3A_115 : memref<64xi32, #tpu.memory_space<hbm>>) target(%arg8 : memref<64xi32, #tpu.memory_space<vmem>>) target_semaphore(%run_scoped3A : memref<!tpu.dma_semaphore, #tpu.memory_space<semaphore_mem>>)
      %dma_wait3A_116 = tpu.memref_slice %arg5[%mul3A_54] : memref<320000xi32, #tpu.memory_space<hbm>> -> memref<64xi32, #tpu.memory_space<hbm>>
      %dma_wait3A_117 = tpu.memref_slice %arg5[%mul3A_54] : memref<320000xi32, #tpu.memory_space<hbm>> -> memref<64xi32, #tpu.memory_space<hbm>>
      tpu.wait_dma2 semaphore(%run_scoped3A : memref<!tpu.dma_semaphore, #tpu.memory_space<semaphore_mem>>) src(%dma_wait3A_117 : memref<64xi32, #tpu.memory_space<hbm>>) dst(%arg8 : memref<64xi32, #tpu.memory_space<vmem>>)
      tpu.yield
    }) : () -> ()
    %add3A_55 = arith.constant 0 : i32
    %add3A_56 = arith.addi %add3A, %add3A_55 : i32
    %mul3A_57 = arith.constant 64 : i32
    %mul3A_58 = arith.muli %add3A_56, %mul3A_57 : i32
    "tpu.region"() ({
      %run_scoped3A = tpu.sem_alloc : memref<!tpu.dma_semaphore, #tpu.memory_space<semaphore_mem>>
      %dma_start3A_114 = tpu.memref_slice %arg6[%mul3A_58] : memref<320000xi32, #tpu.memory_space<hbm>> -> memref<64xi32, #tpu.memory_space<hbm>>
      %dma_start3A_115 = tpu.memref_slice %arg6[%mul3A_58] : memref<320000xi32, #tpu.memory_space<hbm>> -> memref<64xi32, #tpu.memory_space<hbm>>
      tpu.enqueue_dma source(%dma_start3A_115 : memref<64xi32, #tpu.memory_space<hbm>>) target(%arg10 : memref<64xi32, #tpu.memory_space<vmem>>) target_semaphore(%run_scoped3A : memref<!tpu.dma_semaphore, #tpu.memory_space<semaphore_mem>>)
      %dma_wait3A_116 = tpu.memref_slice %arg6[%mul3A_58] : memref<320000xi32, #tpu.memory_space<hbm>> -> memref<64xi32, #tpu.memory_space<hbm>>
      %dma_wait3A_117 = tpu.memref_slice %arg6[%mul3A_58] : memref<320000xi32, #tpu.memory_space<hbm>> -> memref<64xi32, #tpu.memory_space<hbm>>
      tpu.wait_dma2 semaphore(%run_scoped3A : memref<!tpu.dma_semaphore, #tpu.memory_space<semaphore_mem>>) src(%dma_wait3A_117 : memref<64xi32, #tpu.memory_space<hbm>>) dst(%arg10 : memref<64xi32, #tpu.memory_space<vmem>>)
      tpu.yield
    }) : () -> ()
    %dma_start3A = arith.constant 0 : i32
    %dma_start3A_59 = arith.constant 0 : i32
    %dma_start3A_60 = tpu.memref_slice %arg2[%dma_start3A, %dma_start3A_59] : memref<10000x128xf32, #tpu.memory_space<hbm>> -> memref<10000x128xf32, #tpu.memory_space<hbm>>
    tpu.enqueue_indirect_dma source(%dma_start3A_60 : memref<10000x128xf32, #tpu.memory_space<hbm>>) target(%arg14 : memref<64x128xf32, #tpu.memory_space<vmem>>) offsets(%arg8 : memref<64xi32, #tpu.memory_space<vmem>>) semaphore(%arg24 : memref<!tpu.dma_semaphore, #tpu.memory_space<semaphore_mem>>)
    %dma_start3A_61 = arith.constant 0 : i32
    %dma_start3A_62 = arith.constant 0 : i32
    %dma_start3A_63 = tpu.memref_slice %arg3[%dma_start3A_61, %dma_start3A_62] : memref<10000x16xf32, #tpu.memory_space<hbm>> -> memref<10000x16xf32, #tpu.memory_space<hbm>>
    tpu.enqueue_indirect_dma source(%dma_start3A_63 : memref<10000x16xf32, #tpu.memory_space<hbm>>) target(%arg16 : memref<64x16xf32, #tpu.memory_space<vmem>>) offsets(%arg8 : memref<64xi32, #tpu.memory_space<vmem>>) semaphore(%arg25 : memref<!tpu.dma_semaphore, #tpu.memory_space<semaphore_mem>>)
    %dma_start3A_64 = arith.constant 0 : i32
    %dma_start3A_65 = arith.constant 0 : i32
    %dma_start3A_66 = tpu.memref_slice %arg4[%dma_start3A_64, %dma_start3A_65] : memref<10000x16xf32, #tpu.memory_space<hbm>> -> memref<10000x16xf32, #tpu.memory_space<hbm>>
    tpu.enqueue_indirect_dma source(%dma_start3A_66 : memref<10000x16xf32, #tpu.memory_space<hbm>>) target(%arg18 : memref<64x16xf32, #tpu.memory_space<vmem>>) offsets(%arg10 : memref<64xi32, #tpu.memory_space<vmem>>) semaphore(%arg26 : memref<!tpu.dma_semaphore, #tpu.memory_space<semaphore_mem>>)
    %add3A_67 = arith.constant 32 : i32
    %add3A_68 = arith.addi %add3A, %add3A_67 : i32
    %mul3A_69 = arith.constant 64 : i32
    %mul3A_70 = arith.muli %add3A_68, %mul3A_69 : i32
    %dma_start3A_71 = tpu.memref_slice %arg5[%mul3A_70] : memref<320000xi32, #tpu.memory_space<hbm>> -> memref<64xi32, #tpu.memory_space<hbm>>
    %dma_start3A_72 = tpu.memref_slice %arg5[%mul3A_70] : memref<320000xi32, #tpu.memory_space<hbm>> -> memref<64xi32, #tpu.memory_space<hbm>>
    tpu.enqueue_dma source(%dma_start3A_72 : memref<64xi32, #tpu.memory_space<hbm>>) target(%arg9 : memref<64xi32, #tpu.memory_space<vmem>>) target_semaphore(%arg23 : memref<!tpu.dma_semaphore, #tpu.memory_space<semaphore_mem>>)
    %add3A_73 = arith.constant 32 : i32
    %add3A_74 = arith.addi %add3A, %add3A_73 : i32
    %mul3A_75 = arith.constant 64 : i32
    %mul3A_76 = arith.muli %add3A_74, %mul3A_75 : i32
    %dma_start3A_77 = tpu.memref_slice %arg6[%mul3A_76] : memref<320000xi32, #tpu.memory_space<hbm>> -> memref<64xi32, #tpu.memory_space<hbm>>
    %dma_start3A_78 = tpu.memref_slice %arg6[%mul3A_76] : memref<320000xi32, #tpu.memory_space<hbm>> -> memref<64xi32, #tpu.memory_space<hbm>>
    tpu.enqueue_dma source(%dma_start3A_78 : memref<64xi32, #tpu.memory_space<hbm>>) target(%arg11 : memref<64xi32, #tpu.memory_space<vmem>>) target_semaphore(%arg23 : memref<!tpu.dma_semaphore, #tpu.memory_space<semaphore_mem>>)
    %scan3A_79 = arith.constant 0 : i32
    %scan3A_80 = arith.constant 0 : i32
    %scan3A_81 = arith.constant 78 : i32
    %scan3A_82 = arith.addi %scan3A_80, %scan3A_81 : i32
    %scan3A_83 = arith.constant 1 : i32
    scf.for %scan3A_114 = %scan3A_80 to %scan3A_82 step %scan3A_83  : i32 {
      %mul3A_115 = arith.constant 2 : i32
      %mul3A_116 = arith.muli %mul3A_115, %scan3A_114 : i32
      %add3A_117 = arith.constant 0 : i32
      %add3A_118 = arith.addi %mul3A_116, %add3A_117 : i32
      %add3A_119 = arith.constant 1 : i32
      %add3A_120 = arith.addi %add3A_118, %add3A_119 : i32
      %lt3A_121 = arith.constant 156 : i32
      %lt3A_122 = arith.cmpi slt, %add3A_120, %lt3A_121 : i32
      %convert_element_type3A_123 = arith.extui %lt3A_122 : i1 to i32
      %cond3A_124 = arith.constant 0 : i32
      %cond3A_125 = arith.cmpi ne, %convert_element_type3A_123, %cond3A_124 : i32
      scf.if %cond3A_125 {
        %add3A_244 = arith.constant 1 : i32
        %add3A_245 = arith.addi %add3A_118, %add3A_244 : i32
        %mul3A_246 = arith.constant 32 : i32
        %mul3A_247 = arith.muli %mul3A_246, %add3A_245 : i32
        %add3A_248 = arith.addi %add3A, %mul3A_247 : i32
        %mul3A_249 = arith.constant 64 : i32
        %mul3A_250 = arith.muli %add3A_248, %mul3A_249 : i32
        %dma_wait3A_251 = tpu.memref_slice %arg5[%mul3A_250] : memref<320000xi32, #tpu.memory_space<hbm>> -> memref<64xi32, #tpu.memory_space<hbm>>
        %dma_wait3A_252 = tpu.memref_slice %arg5[%mul3A_250] : memref<320000xi32, #tpu.memory_space<hbm>> -> memref<64xi32, #tpu.memory_space<hbm>>
        tpu.wait_dma2 semaphore(%arg23 : memref<!tpu.dma_semaphore, #tpu.memory_space<semaphore_mem>>) src(%dma_wait3A_252 : memref<64xi32, #tpu.memory_space<hbm>>) dst(%arg9 : memref<64xi32, #tpu.memory_space<vmem>>)
        %dma_wait3A_253 = tpu.memref_slice %arg6[%mul3A_250] : memref<320000xi32, #tpu.memory_space<hbm>> -> memref<64xi32, #tpu.memory_space<hbm>>
        %dma_wait3A_254 = tpu.memref_slice %arg6[%mul3A_250] : memref<320000xi32, #tpu.memory_space<hbm>> -> memref<64xi32, #tpu.memory_space<hbm>>
        tpu.wait_dma2 semaphore(%arg23 : memref<!tpu.dma_semaphore, #tpu.memory_space<semaphore_mem>>) src(%dma_wait3A_254 : memref<64xi32, #tpu.memory_space<hbm>>) dst(%arg11 : memref<64xi32, #tpu.memory_space<vmem>>)
        %dma_start3A_255 = arith.constant 0 : i32
        %dma_start3A_256 = arith.constant 0 : i32
        %dma_start3A_257 = tpu.memref_slice %arg2[%dma_start3A_255, %dma_start3A_256] : memref<10000x128xf32, #tpu.memory_space<hbm>> -> memref<10000x128xf32, #tpu.memory_space<hbm>>
        tpu.enqueue_indirect_dma source(%dma_start3A_257 : memref<10000x128xf32, #tpu.memory_space<hbm>>) target(%arg15 : memref<64x128xf32, #tpu.memory_space<vmem>>) offsets(%arg9 : memref<64xi32, #tpu.memory_space<vmem>>) semaphore(%arg24 : memref<!tpu.dma_semaphore, #tpu.memory_space<semaphore_mem>>)
        %dma_start3A_258 = arith.constant 0 : i32
        %dma_start3A_259 = arith.constant 0 : i32
        %dma_start3A_260 = tpu.memref_slice %arg3[%dma_start3A_258, %dma_start3A_259] : memref<10000x16xf32, #tpu.memory_space<hbm>> -> memref<10000x16xf32, #tpu.memory_space<hbm>>
        tpu.enqueue_indirect_dma source(%dma_start3A_260 : memref<10000x16xf32, #tpu.memory_space<hbm>>) target(%arg17 : memref<64x16xf32, #tpu.memory_space<vmem>>) offsets(%arg9 : memref<64xi32, #tpu.memory_space<vmem>>) semaphore(%arg25 : memref<!tpu.dma_semaphore, #tpu.memory_space<semaphore_mem>>)
        %dma_start3A_261 = arith.constant 0 : i32
        %dma_start3A_262 = arith.constant 0 : i32
        %dma_start3A_263 = tpu.memref_slice %arg4[%dma_start3A_261, %dma_start3A_262] : memref<10000x16xf32, #tpu.memory_space<hbm>> -> memref<10000x16xf32, #tpu.memory_space<hbm>>
        tpu.enqueue_indirect_dma source(%dma_start3A_263 : memref<10000x16xf32, #tpu.memory_space<hbm>>) target(%arg19 : memref<64x16xf32, #tpu.memory_space<vmem>>) offsets(%arg11 : memref<64xi32, #tpu.memory_space<vmem>>) semaphore(%arg26 : memref<!tpu.dma_semaphore, #tpu.memory_space<semaphore_mem>>)
      } else {
      }
      %ge3A_126 = arith.constant 2 : i32
      %ge3A_127 = arith.cmpi sge, %add3A_118, %ge3A_126 : i32
      %convert_element_type3A_128 = arith.extui %ge3A_127 : i1 to i32
      %cond3A_129 = arith.constant 0 : i32
      %cond3A_130 = arith.cmpi ne, %convert_element_type3A_128, %cond3A_129 : i32
      scf.if %cond3A_130 {
        %dma_wait3A_244 = arith.constant 0 : i32
        %dma_wait3A_245 = arith.constant 0 : i32
        %dma_wait3A_246 = tpu.memref_slice %arg22[%dma_wait3A_244, %dma_wait3A_245] : memref<10240x136xf32, #tpu.memory_space<vmem_shared>> -> memref<10240x136xf32, #tpu.memory_space<vmem_shared>>
        tpu.wait_indirect_dma semaphore(%arg27 : memref<!tpu.dma_semaphore, #tpu.memory_space<semaphore_mem>>) src(%arg20 : memref<64x136xf32, #tpu.memory_space<vmem>>) dst(%dma_wait3A_246 : memref<10240x136xf32, #tpu.memory_space<vmem_shared>>)
      } else {
      }
      %dma_wait3A_131 = arith.constant 0 : i32
      %dma_wait3A_132 = arith.constant 0 : i32
      %dma_wait3A_133 = tpu.memref_slice %arg2[%dma_wait3A_131, %dma_wait3A_132] : memref<10000x128xf32, #tpu.memory_space<hbm>> -> memref<10000x128xf32, #tpu.memory_space<hbm>>
      tpu.wait_indirect_dma semaphore(%arg24 : memref<!tpu.dma_semaphore, #tpu.memory_space<semaphore_mem>>) src(%dma_wait3A_133 : memref<10000x128xf32, #tpu.memory_space<hbm>>) dst(%arg14 : memref<64x128xf32, #tpu.memory_space<vmem>>)
      %dma_wait3A_134 = arith.constant 0 : i32
      %dma_wait3A_135 = arith.constant 0 : i32
      %dma_wait3A_136 = tpu.memref_slice %arg3[%dma_wait3A_134, %dma_wait3A_135] : memref<10000x16xf32, #tpu.memory_space<hbm>> -> memref<10000x16xf32, #tpu.memory_space<hbm>>
      tpu.wait_indirect_dma semaphore(%arg25 : memref<!tpu.dma_semaphore, #tpu.memory_space<semaphore_mem>>) src(%dma_wait3A_136 : memref<10000x16xf32, #tpu.memory_space<hbm>>) dst(%arg16 : memref<64x16xf32, #tpu.memory_space<vmem>>)
      %dma_wait3A_137 = arith.constant 0 : i32
      %dma_wait3A_138 = arith.constant 0 : i32
      %dma_wait3A_139 = tpu.memref_slice %arg4[%dma_wait3A_137, %dma_wait3A_138] : memref<10000x16xf32, #tpu.memory_space<hbm>> -> memref<10000x16xf32, #tpu.memory_space<hbm>>
      tpu.wait_indirect_dma semaphore(%arg26 : memref<!tpu.dma_semaphore, #tpu.memory_space<semaphore_mem>>) src(%dma_wait3A_139 : memref<10000x16xf32, #tpu.memory_space<hbm>>) dst(%arg18 : memref<64x16xf32, #tpu.memory_space<vmem>>)
      %get3A = arith.constant 0 : index
      %get3A_140 = tpu.vector_load %arg10[%get3A] {strides = array<i32>} : memref<64xi32, #tpu.memory_space<vmem>>, vector<16xi32>,
      %get3A_141 = vector.shape_cast %get3A_140 : vector<16xi32> to vector<16xi32>
      %swap3A = arith.constant 0 : index
      %swap3A_142 = tpu.vector_load %arg12[%swap3A] {strides = array<i32>} : memref<64xi32, #tpu.memory_space<vmem>>, vector<16xi32>,
      %swap3A_143 = vector.shape_cast %swap3A_142 : vector<16xi32> to vector<16xi32>
      %swap3A_144 = vector.shape_cast %get3A_141 : vector<16xi32> to vector<16xi32>
      tpu.vector_store %arg12[%swap3A], %swap3A_144 {strides = array<i32>} : memref<64xi32, #tpu.memory_space<vmem>>, vector<16xi32>,
      %get3A_145 = arith.constant 16 : index
      %get3A_146 = tpu.vector_load %arg10[%get3A_145] {strides = array<i32>} : memref<64xi32, #tpu.memory_space<vmem>>, vector<16xi32>,
      %get3A_147 = vector.shape_cast %get3A_146 : vector<16xi32> to vector<16xi32>
      %swap3A_148 = arith.constant 16 : index
      %swap3A_149 = tpu.vector_load %arg12[%swap3A_148] {strides = array<i32>} : memref<64xi32, #tpu.memory_space<vmem>>, vector<16xi32>,
      %swap3A_150 = vector.shape_cast %swap3A_149 : vector<16xi32> to vector<16xi32>
      %swap3A_151 = vector.shape_cast %get3A_147 : vector<16xi32> to vector<16xi32>
      tpu.vector_store %arg12[%swap3A_148], %swap3A_151 {strides = array<i32>} : memref<64xi32, #tpu.memory_space<vmem>>, vector<16xi32>,
      %get3A_152 = arith.constant 32 : index
      %get3A_153 = tpu.vector_load %arg10[%get3A_152] {strides = array<i32>} : memref<64xi32, #tpu.memory_space<vmem>>, vector<16xi32>,
      %get3A_154 = vector.shape_cast %get3A_153 : vector<16xi32> to vector<16xi32>
      %swap3A_155 = arith.constant 32 : index
      %swap3A_156 = tpu.vector_load %arg12[%swap3A_155] {strides = array<i32>} : memref<64xi32, #tpu.memory_space<vmem>>, vector<16xi32>,
      %swap3A_157 = vector.shape_cast %swap3A_156 : vector<16xi32> to vector<16xi32>
      %swap3A_158 = vector.shape_cast %get3A_154 : vector<16xi32> to vector<16xi32>
      tpu.vector_store %arg12[%swap3A_155], %swap3A_158 {strides = array<i32>} : memref<64xi32, #tpu.memory_space<vmem>>, vector<16xi32>,
      %get3A_159 = arith.constant 48 : index
      %get3A_160 = tpu.vector_load %arg10[%get3A_159] {strides = array<i32>} : memref<64xi32, #tpu.memory_space<vmem>>, vector<16xi32>,
      %get3A_161 = vector.shape_cast %get3A_160 : vector<16xi32> to vector<16xi32>
      %swap3A_162 = arith.constant 48 : index
      %swap3A_163 = tpu.vector_load %arg12[%swap3A_162] {strides = array<i32>} : memref<64xi32, #tpu.memory_space<vmem>>, vector<16xi32>,
      %swap3A_164 = vector.shape_cast %swap3A_163 : vector<16xi32> to vector<16xi32>
      %swap3A_165 = vector.shape_cast %get3A_161 : vector<16xi32> to vector<16xi32>
      tpu.vector_store %arg12[%swap3A_162], %swap3A_165 {strides = array<i32>} : memref<64xi32, #tpu.memory_space<vmem>>, vector<16xi32>,
      %add3A_166 = arith.constant 2 : i32
      %add3A_167 = arith.addi %add3A_118, %add3A_166 : i32
      %lt3A_168 = arith.constant 156 : i32
      %lt3A_169 = arith.cmpi slt, %add3A_167, %lt3A_168 : i32
      %convert_element_type3A_170 = arith.extui %lt3A_169 : i1 to i32
      %cond3A_171 = arith.constant 0 : i32
      %cond3A_172 = arith.cmpi ne, %convert_element_type3A_170, %cond3A_171 : i32
      scf.if %cond3A_172 {
        %add3A_244 = arith.constant 2 : i32
        %add3A_245 = arith.addi %add3A_118, %add3A_244 : i32
        %mul3A_246 = arith.constant 32 : i32
        %mul3A_247 = arith.muli %mul3A_246, %add3A_245 : i32
        %add3A_248 = arith.addi %add3A, %mul3A_247 : i32
        %mul3A_249 = arith.constant 64 : i32
        %mul3A_250 = arith.muli %add3A_248, %mul3A_249 : i32
        %dma_start3A_251 = tpu.memref_slice %arg5[%mul3A_250] : memref<320000xi32, #tpu.memory_space<hbm>> -> memref<64xi32, #tpu.memory_space<hbm>>
        %dma_start3A_252 = tpu.memref_slice %arg5[%mul3A_250] : memref<320000xi32, #tpu.memory_space<hbm>> -> memref<64xi32, #tpu.memory_space<hbm>>
        tpu.enqueue_dma source(%dma_start3A_252 : memref<64xi32, #tpu.memory_space<hbm>>) target(%arg8 : memref<64xi32, #tpu.memory_space<vmem>>) target_semaphore(%arg23 : memref<!tpu.dma_semaphore, #tpu.memory_space<semaphore_mem>>)
        %dma_start3A_253 = tpu.memref_slice %arg6[%mul3A_250] : memref<320000xi32, #tpu.memory_space<hbm>> -> memref<64xi32, #tpu.memory_space<hbm>>
        %dma_start3A_254 = tpu.memref_slice %arg6[%mul3A_250] : memref<320000xi32, #tpu.memory_space<hbm>> -> memref<64xi32, #tpu.memory_space<hbm>>
        tpu.enqueue_dma source(%dma_start3A_254 : memref<64xi32, #tpu.memory_space<hbm>>) target(%arg10 : memref<64xi32, #tpu.memory_space<vmem>>) target_semaphore(%arg23 : memref<!tpu.dma_semaphore, #tpu.memory_space<semaphore_mem>>)
      } else {
      }
      %parallel_loop3A = arith.constant 0 : i32
      %parallel_loop3A_173 = arith.constant 64 : i32
      %parallel_loop3A_174 = arith.constant 1 : i32
      scf.for %parallel_loop3A_244 = %parallel_loop3A to %parallel_loop3A_173 step %parallel_loop3A_174  : i32 {
        %parallel_loop3A_245 = arith.index_cast %parallel_loop3A_244 : i32 to index
        %parallel_loop3A_246 = arith.constant 0 : index
        %parallel_loop3A_247 = tpu.vector_load %arg16[%parallel_loop3A_245, %parallel_loop3A_246] {strides = array<i32>} : memref<64x16xf32, #tpu.memory_space<vmem>>, vector<1x16xf32>,
        %parallel_loop3A_248 = vector.shape_cast %parallel_loop3A_247 : vector<1x16xf32> to vector<16xf32>
        %parallel_loop3A_249 = arith.index_cast %parallel_loop3A_244 : i32 to index
        %parallel_loop3A_250 = arith.constant 0 : index
        %parallel_loop3A_251 = tpu.vector_load %arg18[%parallel_loop3A_249, %parallel_loop3A_250] {strides = array<i32>} : memref<64x16xf32, #tpu.memory_space<vmem>>, vector<1x16xf32>,
        %parallel_loop3A_252 = vector.shape_cast %parallel_loop3A_251 : vector<1x16xf32> to vector<16xf32>
        %parallel_loop3A_253 = arith.addf %parallel_loop3A_248, %parallel_loop3A_252 : vector<16xf32>
        %parallel_loop3A_254 = arith.constant 2.000000e-01 : f32
        %parallel_loop3A_255 = vector.broadcast %parallel_loop3A_254 : f32 to vector<16xf32>
        %parallel_loop3A_256 = arith.mulf %parallel_loop3A_253, %parallel_loop3A_255 : vector<16xf32>
        %parallel_loop3A_257 = arith.maximumf %parallel_loop3A_253, %parallel_loop3A_256 : vector<16xf32>
        %parallel_loop3A_258 = math.exp %parallel_loop3A_257 : vector<16xf32>
        %parallel_loop3A_259 = arith.constant 0.000000e+00 : f32
        %parallel_loop3A_260 = vector.broadcast %parallel_loop3A_259 : f32 to vector<16xf32>
        %parallel_loop3A_261 = arith.select %and3A, %parallel_loop3A_258, %parallel_loop3A_260 : vector<16xi1>, vector<16xf32>
        %parallel_loop3A_262 = arith.index_cast %parallel_loop3A_244 : i32 to index
        %parallel_loop3A_263 = arith.constant 120 : index
        %parallel_loop3A_264 = tpu.vector_load %arg20[%parallel_loop3A_262, %parallel_loop3A_263] {strides = array<i32>} : memref<64x136xf32, #tpu.memory_space<vmem>>, vector<1x16xf32>,
        %parallel_loop3A_265 = vector.shape_cast %parallel_loop3A_264 : vector<1x16xf32> to vector<16xf32>
        %parallel_loop3A_266 = vector.shape_cast %parallel_loop3A_261 : vector<16xf32> to vector<1x16xf32>
        tpu.vector_store %arg20[%parallel_loop3A_262, %parallel_loop3A_263], %parallel_loop3A_266 {strides = array<i32>} : memref<64x136xf32, #tpu.memory_space<vmem>>, vector<1x16xf32>,
        %parallel_loop3A_267 = vector.extract_strided_slice %parallel_loop3A_258 {offsets = [8], sizes = [1], strides = [1]} : vector<16xf32> to vector<1xf32>
        %parallel_loop3A_268 = vector.extract %parallel_loop3A_267[0] : f32 from vector<1xf32>
        %parallel_loop3A_269 = vector.extract_strided_slice %parallel_loop3A_258 {offsets = [9], sizes = [1], strides = [1]} : vector<16xf32> to vector<1xf32>
        %parallel_loop3A_270 = vector.extract %parallel_loop3A_269[0] : f32 from vector<1xf32>
        %parallel_loop3A_271 = vector.extract_strided_slice %parallel_loop3A_258 {offsets = [10], sizes = [1], strides = [1]} : vector<16xf32> to vector<1xf32>
        %parallel_loop3A_272 = vector.extract %parallel_loop3A_271[0] : f32 from vector<1xf32>
        %parallel_loop3A_273 = vector.extract_strided_slice %parallel_loop3A_258 {offsets = [11], sizes = [1], strides = [1]} : vector<16xf32> to vector<1xf32>
        %parallel_loop3A_274 = vector.extract %parallel_loop3A_273[0] : f32 from vector<1xf32>
        %parallel_loop3A_275 = arith.index_cast %parallel_loop3A_244 : i32 to index
        %parallel_loop3A_276 = arith.constant 0 : index
        %parallel_loop3A_277 = tpu.vector_load %arg14[%parallel_loop3A_275, %parallel_loop3A_276] {strides = array<i32>} : memref<64x128xf32, #tpu.memory_space<vmem>>, vector<1x16xf32>,
        %parallel_loop3A_278 = vector.shape_cast %parallel_loop3A_277 : vector<1x16xf32> to vector<16xf32>
        %parallel_loop3A_279 = vector.broadcast %parallel_loop3A_268 : f32 to vector<16xf32>
        %parallel_loop3A_280 = arith.mulf %parallel_loop3A_278, %parallel_loop3A_279 : vector<16xf32>
        %parallel_loop3A_281 = arith.index_cast %parallel_loop3A_244 : i32 to index
        %parallel_loop3A_282 = arith.constant 0 : index
        %parallel_loop3A_283 = tpu.vector_load %arg20[%parallel_loop3A_281, %parallel_loop3A_282] {strides = array<i32>} : memref<64x136xf32, #tpu.memory_space<vmem>>, vector<1x16xf32>,
        %parallel_loop3A_284 = vector.shape_cast %parallel_loop3A_283 : vector<1x16xf32> to vector<16xf32>
        %parallel_loop3A_285 = vector.shape_cast %parallel_loop3A_280 : vector<16xf32> to vector<1x16xf32>
        tpu.vector_store %arg20[%parallel_loop3A_281, %parallel_loop3A_282], %parallel_loop3A_285 {strides = array<i32>} : memref<64x136xf32, #tpu.memory_space<vmem>>, vector<1x16xf32>,
        %parallel_loop3A_286 = arith.index_cast %parallel_loop3A_244 : i32 to index
        %parallel_loop3A_287 = arith.constant 16 : index
        %parallel_loop3A_288 = tpu.vector_load %arg14[%parallel_loop3A_286, %parallel_loop3A_287] {strides = array<i32>} : memref<64x128xf32, #tpu.memory_space<vmem>>, vector<1x16xf32>,
        %parallel_loop3A_289 = vector.shape_cast %parallel_loop3A_288 : vector<1x16xf32> to vector<16xf32>
        %parallel_loop3A_290 = vector.broadcast %parallel_loop3A_268 : f32 to vector<16xf32>
        %parallel_loop3A_291 = arith.mulf %parallel_loop3A_289, %parallel_loop3A_290 : vector<16xf32>
        %parallel_loop3A_292 = arith.index_cast %parallel_loop3A_244 : i32 to index
        %parallel_loop3A_293 = arith.constant 16 : index
        %parallel_loop3A_294 = tpu.vector_load %arg20[%parallel_loop3A_292, %parallel_loop3A_293] {strides = array<i32>} : memref<64x136xf32, #tpu.memory_space<vmem>>, vector<1x16xf32>,
        %parallel_loop3A_295 = vector.shape_cast %parallel_loop3A_294 : vector<1x16xf32> to vector<16xf32>
        %parallel_loop3A_296 = vector.shape_cast %parallel_loop3A_291 : vector<16xf32> to vector<1x16xf32>
        tpu.vector_store %arg20[%parallel_loop3A_292, %parallel_loop3A_293], %parallel_loop3A_296 {strides = array<i32>} : memref<64x136xf32, #tpu.memory_space<vmem>>, vector<1x16xf32>,
        %parallel_loop3A_297 = arith.index_cast %parallel_loop3A_244 : i32 to index
        %parallel_loop3A_298 = arith.constant 32 : index
        %parallel_loop3A_299 = tpu.vector_load %arg14[%parallel_loop3A_297, %parallel_loop3A_298] {strides = array<i32>} : memref<64x128xf32, #tpu.memory_space<vmem>>, vector<1x16xf32>,
        %parallel_loop3A_300 = vector.shape_cast %parallel_loop3A_299 : vector<1x16xf32> to vector<16xf32>
        %parallel_loop3A_301 = vector.broadcast %parallel_loop3A_270 : f32 to vector<16xf32>
        %parallel_loop3A_302 = arith.mulf %parallel_loop3A_300, %parallel_loop3A_301 : vector<16xf32>
        %parallel_loop3A_303 = arith.index_cast %parallel_loop3A_244 : i32 to index
        %parallel_loop3A_304 = arith.constant 32 : index
        %parallel_loop3A_305 = tpu.vector_load %arg20[%parallel_loop3A_303, %parallel_loop3A_304] {strides = array<i32>} : memref<64x136xf32, #tpu.memory_space<vmem>>, vector<1x16xf32>,
        %parallel_loop3A_306 = vector.shape_cast %parallel_loop3A_305 : vector<1x16xf32> to vector<16xf32>
        %parallel_loop3A_307 = vector.shape_cast %parallel_loop3A_302 : vector<16xf32> to vector<1x16xf32>
        tpu.vector_store %arg20[%parallel_loop3A_303, %parallel_loop3A_304], %parallel_loop3A_307 {strides = array<i32>} : memref<64x136xf32, #tpu.memory_space<vmem>>, vector<1x16xf32>,
        %parallel_loop3A_308 = arith.index_cast %parallel_loop3A_244 : i32 to index
        %parallel_loop3A_309 = arith.constant 48 : index
        %parallel_loop3A_310 = tpu.vector_load %arg14[%parallel_loop3A_308, %parallel_loop3A_309] {strides = array<i32>} : memref<64x128xf32, #tpu.memory_space<vmem>>, vector<1x16xf32>,
        %parallel_loop3A_311 = vector.shape_cast %parallel_loop3A_310 : vector<1x16xf32> to vector<16xf32>
        %parallel_loop3A_312 = vector.broadcast %parallel_loop3A_270 : f32 to vector<16xf32>
        %parallel_loop3A_313 = arith.mulf %parallel_loop3A_311, %parallel_loop3A_312 : vector<16xf32>
        %parallel_loop3A_314 = arith.index_cast %parallel_loop3A_244 : i32 to index
        %parallel_loop3A_315 = arith.constant 48 : index
        %parallel_loop3A_316 = tpu.vector_load %arg20[%parallel_loop3A_314, %parallel_loop3A_315] {strides = array<i32>} : memref<64x136xf32, #tpu.memory_space<vmem>>, vector<1x16xf32>,
        %parallel_loop3A_317 = vector.shape_cast %parallel_loop3A_316 : vector<1x16xf32> to vector<16xf32>
        %parallel_loop3A_318 = vector.shape_cast %parallel_loop3A_313 : vector<16xf32> to vector<1x16xf32>
        tpu.vector_store %arg20[%parallel_loop3A_314, %parallel_loop3A_315], %parallel_loop3A_318 {strides = array<i32>} : memref<64x136xf32, #tpu.memory_space<vmem>>, vector<1x16xf32>,
        %parallel_loop3A_319 = arith.index_cast %parallel_loop3A_244 : i32 to index
        %parallel_loop3A_320 = arith.constant 64 : index
        %parallel_loop3A_321 = tpu.vector_load %arg14[%parallel_loop3A_319, %parallel_loop3A_320] {strides = array<i32>} : memref<64x128xf32, #tpu.memory_space<vmem>>, vector<1x16xf32>,
        %parallel_loop3A_322 = vector.shape_cast %parallel_loop3A_321 : vector<1x16xf32> to vector<16xf32>
        %parallel_loop3A_323 = vector.broadcast %parallel_loop3A_272 : f32 to vector<16xf32>
        %parallel_loop3A_324 = arith.mulf %parallel_loop3A_322, %parallel_loop3A_323 : vector<16xf32>
        %parallel_loop3A_325 = arith.index_cast %parallel_loop3A_244 : i32 to index
        %parallel_loop3A_326 = arith.constant 64 : index
        %parallel_loop3A_327 = tpu.vector_load %arg20[%parallel_loop3A_325, %parallel_loop3A_326] {strides = array<i32>} : memref<64x136xf32, #tpu.memory_space<vmem>>, vector<1x16xf32>,
        %parallel_loop3A_328 = vector.shape_cast %parallel_loop3A_327 : vector<1x16xf32> to vector<16xf32>
        %parallel_loop3A_329 = vector.shape_cast %parallel_loop3A_324 : vector<16xf32> to vector<1x16xf32>
        tpu.vector_store %arg20[%parallel_loop3A_325, %parallel_loop3A_326], %parallel_loop3A_329 {strides = array<i32>} : memref<64x136xf32, #tpu.memory_space<vmem>>, vector<1x16xf32>,
        %parallel_loop3A_330 = arith.index_cast %parallel_loop3A_244 : i32 to index
        %parallel_loop3A_331 = arith.constant 80 : index
        %parallel_loop3A_332 = tpu.vector_load %arg14[%parallel_loop3A_330, %parallel_loop3A_331] {strides = array<i32>} : memref<64x128xf32, #tpu.memory_space<vmem>>, vector<1x16xf32>,
        %parallel_loop3A_333 = vector.shape_cast %parallel_loop3A_332 : vector<1x16xf32> to vector<16xf32>
        %parallel_loop3A_334 = vector.broadcast %parallel_loop3A_272 : f32 to vector<16xf32>
        %parallel_loop3A_335 = arith.mulf %parallel_loop3A_333, %parallel_loop3A_334 : vector<16xf32>
        %parallel_loop3A_336 = arith.index_cast %parallel_loop3A_244 : i32 to index
        %parallel_loop3A_337 = arith.constant 80 : index
        %parallel_loop3A_338 = tpu.vector_load %arg20[%parallel_loop3A_336, %parallel_loop3A_337] {strides = array<i32>} : memref<64x136xf32, #tpu.memory_space<vmem>>, vector<1x16xf32>,
        %parallel_loop3A_339 = vector.shape_cast %parallel_loop3A_338 : vector<1x16xf32> to vector<16xf32>
        %parallel_loop3A_340 = vector.shape_cast %parallel_loop3A_335 : vector<16xf32> to vector<1x16xf32>
        tpu.vector_store %arg20[%parallel_loop3A_336, %parallel_loop3A_337], %parallel_loop3A_340 {strides = array<i32>} : memref<64x136xf32, #tpu.memory_space<vmem>>, vector<1x16xf32>,
        %parallel_loop3A_341 = arith.index_cast %parallel_loop3A_244 : i32 to index
        %parallel_loop3A_342 = arith.constant 96 : index
        %parallel_loop3A_343 = tpu.vector_load %arg14[%parallel_loop3A_341, %parallel_loop3A_342] {strides = array<i32>} : memref<64x128xf32, #tpu.memory_space<vmem>>, vector<1x16xf32>,
        %parallel_loop3A_344 = vector.shape_cast %parallel_loop3A_343 : vector<1x16xf32> to vector<16xf32>
        %parallel_loop3A_345 = vector.broadcast %parallel_loop3A_274 : f32 to vector<16xf32>
        %parallel_loop3A_346 = arith.mulf %parallel_loop3A_344, %parallel_loop3A_345 : vector<16xf32>
        %parallel_loop3A_347 = arith.index_cast %parallel_loop3A_244 : i32 to index
        %parallel_loop3A_348 = arith.constant 96 : index
        %parallel_loop3A_349 = tpu.vector_load %arg20[%parallel_loop3A_347, %parallel_loop3A_348] {strides = array<i32>} : memref<64x136xf32, #tpu.memory_space<vmem>>, vector<1x16xf32>,
        %parallel_loop3A_350 = vector.shape_cast %parallel_loop3A_349 : vector<1x16xf32> to vector<16xf32>
        %parallel_loop3A_351 = vector.shape_cast %parallel_loop3A_346 : vector<16xf32> to vector<1x16xf32>
        tpu.vector_store %arg20[%parallel_loop3A_347, %parallel_loop3A_348], %parallel_loop3A_351 {strides = array<i32>} : memref<64x136xf32, #tpu.memory_space<vmem>>, vector<1x16xf32>,
        %parallel_loop3A_352 = arith.index_cast %parallel_loop3A_244 : i32 to index
        %parallel_loop3A_353 = arith.constant 112 : index
        %parallel_loop3A_354 = tpu.vector_load %arg14[%parallel_loop3A_352, %parallel_loop3A_353] {strides = array<i32>} : memref<64x128xf32, #tpu.memory_space<vmem>>, vector<1x16xf32>,
        %parallel_loop3A_355 = vector.shape_cast %parallel_loop3A_354 : vector<1x16xf32> to vector<16xf32>
        %parallel_loop3A_356 = vector.broadcast %parallel_loop3A_274 : f32 to vector<16xf32>
        %parallel_loop3A_357 = arith.mulf %parallel_loop3A_355, %parallel_loop3A_356 : vector<16xf32>
        %parallel_loop3A_358 = arith.index_cast %parallel_loop3A_244 : i32 to index
        %parallel_loop3A_359 = arith.constant 112 : index
        %parallel_loop3A_360 = tpu.vector_load %arg20[%parallel_loop3A_358, %parallel_loop3A_359] {strides = array<i32>} : memref<64x136xf32, #tpu.memory_space<vmem>>, vector<1x16xf32>,
        %parallel_loop3A_361 = vector.shape_cast %parallel_loop3A_360 : vector<1x16xf32> to vector<16xf32>
        %parallel_loop3A_362 = vector.shape_cast %parallel_loop3A_357 : vector<16xf32> to vector<1x16xf32>
        tpu.vector_store %arg20[%parallel_loop3A_358, %parallel_loop3A_359], %parallel_loop3A_362 {strides = array<i32>} : memref<64x136xf32, #tpu.memory_space<vmem>>, vector<1x16xf32>,
      } {sc.loop_unroll_factor = 4 : i64, sc.parallel_access}
      %dma_start3A_175 = arith.constant 0 : i32
      %dma_start3A_176 = arith.constant 0 : i32
      %dma_start3A_177 = tpu.memref_slice %arg22[%dma_start3A_175, %dma_start3A_176] : memref<10240x136xf32, #tpu.memory_space<vmem_shared>> -> memref<10240x136xf32, #tpu.memory_space<vmem_shared>>
      tpu.enqueue_indirect_dma source(%arg20 : memref<64x136xf32, #tpu.memory_space<vmem>>) target(%dma_start3A_177 : memref<10240x136xf32, #tpu.memory_space<vmem_shared>>) offsets(%arg12 : memref<64xi32, #tpu.memory_space<vmem>>) semaphore(%arg27 : memref<!tpu.dma_semaphore, #tpu.memory_space<semaphore_mem>>) {add = true}
      %mul3A_178 = arith.constant 2 : i32
      %mul3A_179 = arith.muli %mul3A_178, %scan3A_114 : i32
      %add3A_180 = arith.constant 1 : i32
      %add3A_181 = arith.addi %mul3A_179, %add3A_180 : i32
      %add3A_182 = arith.constant 1 : i32
      %add3A_183 = arith.addi %add3A_181, %add3A_182 : i32
      %lt3A_184 = arith.constant 156 : i32
      %lt3A_185 = arith.cmpi slt, %add3A_183, %lt3A_184 : i32
      %convert_element_type3A_186 = arith.extui %lt3A_185 : i1 to i32
      %cond3A_187 = arith.constant 0 : i32
      %cond3A_188 = arith.cmpi ne, %convert_element_type3A_186, %cond3A_187 : i32
      scf.if %cond3A_188 {
        %add3A_244 = arith.constant 1 : i32
        %add3A_245 = arith.addi %add3A_181, %add3A_244 : i32
        %mul3A_246 = arith.constant 32 : i32
        %mul3A_247 = arith.muli %mul3A_246, %add3A_245 : i32
        %add3A_248 = arith.addi %add3A, %mul3A_247 : i32
        %mul3A_249 = arith.constant 64 : i32
        %mul3A_250 = arith.muli %add3A_248, %mul3A_249 : i32
        %dma_wait3A_251 = tpu.memref_slice %arg5[%mul3A_250] : memref<320000xi32, #tpu.memory_space<hbm>> -> memref<64xi32, #tpu.memory_space<hbm>>
        %dma_wait3A_252 = tpu.memref_slice %arg5[%mul3A_250] : memref<320000xi32, #tpu.memory_space<hbm>> -> memref<64xi32, #tpu.memory_space<hbm>>
        tpu.wait_dma2 semaphore(%arg23 : memref<!tpu.dma_semaphore, #tpu.memory_space<semaphore_mem>>) src(%dma_wait3A_252 : memref<64xi32, #tpu.memory_space<hbm>>) dst(%arg8 : memref<64xi32, #tpu.memory_space<vmem>>)
        %dma_wait3A_253 = tpu.memref_slice %arg6[%mul3A_250] : memref<320000xi32, #tpu.memory_space<hbm>> -> memref<64xi32, #tpu.memory_space<hbm>>
        %dma_wait3A_254 = tpu.memref_slice %arg6[%mul3A_250] : memref<320000xi32, #tpu.memory_space<hbm>> -> memref<64xi32, #tpu.memory_space<hbm>>
        tpu.wait_dma2 semaphore(%arg23 : memref<!tpu.dma_semaphore, #tpu.memory_space<semaphore_mem>>) src(%dma_wait3A_254 : memref<64xi32, #tpu.memory_space<hbm>>) dst(%arg10 : memref<64xi32, #tpu.memory_space<vmem>>)
        %dma_start3A_255 = arith.constant 0 : i32
        %dma_start3A_256 = arith.constant 0 : i32
        %dma_start3A_257 = tpu.memref_slice %arg2[%dma_start3A_255, %dma_start3A_256] : memref<10000x128xf32, #tpu.memory_space<hbm>> -> memref<10000x128xf32, #tpu.memory_space<hbm>>
        tpu.enqueue_indirect_dma source(%dma_start3A_257 : memref<10000x128xf32, #tpu.memory_space<hbm>>) target(%arg14 : memref<64x128xf32, #tpu.memory_space<vmem>>) offsets(%arg8 : memref<64xi32, #tpu.memory_space<vmem>>) semaphore(%arg24 : memref<!tpu.dma_semaphore, #tpu.memory_space<semaphore_mem>>)
        %dma_start3A_258 = arith.constant 0 : i32
        %dma_start3A_259 = arith.constant 0 : i32
        %dma_start3A_260 = tpu.memref_slice %arg3[%dma_start3A_258, %dma_start3A_259] : memref<10000x16xf32, #tpu.memory_space<hbm>> -> memref<10000x16xf32, #tpu.memory_space<hbm>>
        tpu.enqueue_indirect_dma source(%dma_start3A_260 : memref<10000x16xf32, #tpu.memory_space<hbm>>) target(%arg16 : memref<64x16xf32, #tpu.memory_space<vmem>>) offsets(%arg8 : memref<64xi32, #tpu.memory_space<vmem>>) semaphore(%arg25 : memref<!tpu.dma_semaphore, #tpu.memory_space<semaphore_mem>>)
        %dma_start3A_261 = arith.constant 0 : i32
        %dma_start3A_262 = arith.constant 0 : i32
        %dma_start3A_263 = tpu.memref_slice %arg4[%dma_start3A_261, %dma_start3A_262] : memref<10000x16xf32, #tpu.memory_space<hbm>> -> memref<10000x16xf32, #tpu.memory_space<hbm>>
        tpu.enqueue_indirect_dma source(%dma_start3A_263 : memref<10000x16xf32, #tpu.memory_space<hbm>>) target(%arg18 : memref<64x16xf32, #tpu.memory_space<vmem>>) offsets(%arg10 : memref<64xi32, #tpu.memory_space<vmem>>) semaphore(%arg26 : memref<!tpu.dma_semaphore, #tpu.memory_space<semaphore_mem>>)
      } else {
      }
      %ge3A_189 = arith.constant 2 : i32
      %ge3A_190 = arith.cmpi sge, %add3A_181, %ge3A_189 : i32
      %convert_element_type3A_191 = arith.extui %ge3A_190 : i1 to i32
      %cond3A_192 = arith.constant 0 : i32
      %cond3A_193 = arith.cmpi ne, %convert_element_type3A_191, %cond3A_192 : i32
      scf.if %cond3A_193 {
        %dma_wait3A_244 = arith.constant 0 : i32
        %dma_wait3A_245 = arith.constant 0 : i32
        %dma_wait3A_246 = tpu.memref_slice %arg22[%dma_wait3A_244, %dma_wait3A_245] : memref<10240x136xf32, #tpu.memory_space<vmem_shared>> -> memref<10240x136xf32, #tpu.memory_space<vmem_shared>>
        tpu.wait_indirect_dma semaphore(%arg27 : memref<!tpu.dma_semaphore, #tpu.memory_space<semaphore_mem>>) src(%arg21 : memref<64x136xf32, #tpu.memory_space<vmem>>) dst(%dma_wait3A_246 : memref<10240x136xf32, #tpu.memory_space<vmem_shared>>)
      } else {
      }
      %dma_wait3A_194 = arith.constant 0 : i32
      %dma_wait3A_195 = arith.constant 0 : i32
      %dma_wait3A_196 = tpu.memref_slice %arg2[%dma_wait3A_194, %dma_wait3A_195] : memref<10000x128xf32, #tpu.memory_space<hbm>> -> memref<10000x128xf32, #tpu.memory_space<hbm>>
      tpu.wait_indirect_dma semaphore(%arg24 : memref<!tpu.dma_semaphore, #tpu.memory_space<semaphore_mem>>) src(%dma_wait3A_196 : memref<10000x128xf32, #tpu.memory_space<hbm>>) dst(%arg15 : memref<64x128xf32, #tpu.memory_space<vmem>>)
      %dma_wait3A_197 = arith.constant 0 : i32
      %dma_wait3A_198 = arith.constant 0 : i32
      %dma_wait3A_199 = tpu.memref_slice %arg3[%dma_wait3A_197, %dma_wait3A_198] : memref<10000x16xf32, #tpu.memory_space<hbm>> -> memref<10000x16xf32, #tpu.memory_space<hbm>>
      tpu.wait_indirect_dma semaphore(%arg25 : memref<!tpu.dma_semaphore, #tpu.memory_space<semaphore_mem>>) src(%dma_wait3A_199 : memref<10000x16xf32, #tpu.memory_space<hbm>>) dst(%arg17 : memref<64x16xf32, #tpu.memory_space<vmem>>)
      %dma_wait3A_200 = arith.constant 0 : i32
      %dma_wait3A_201 = arith.constant 0 : i32
      %dma_wait3A_202 = tpu.memref_slice %arg4[%dma_wait3A_200, %dma_wait3A_201] : memref<10000x16xf32, #tpu.memory_space<hbm>> -> memref<10000x16xf32, #tpu.memory_space<hbm>>
      tpu.wait_indirect_dma semaphore(%arg26 : memref<!tpu.dma_semaphore, #tpu.memory_space<semaphore_mem>>) src(%dma_wait3A_202 : memref<10000x16xf32, #tpu.memory_space<hbm>>) dst(%arg19 : memref<64x16xf32, #tpu.memory_space<vmem>>)
      %get3A_203 = arith.constant 0 : index
      %get3A_204 = tpu.vector_load %arg11[%get3A_203] {strides = array<i32>} : memref<64xi32, #tpu.memory_space<vmem>>, vector<16xi32>,
      %get3A_205 = vector.shape_cast %get3A_204 : vector<16xi32> to vector<16xi32>
      %swap3A_206 = arith.constant 0 : index
      %swap3A_207 = tpu.vector_load %arg13[%swap3A_206] {strides = array<i32>} : memref<64xi32, #tpu.memory_space<vmem>>, vector<16xi32>,
      %swap3A_208 = vector.shape_cast %swap3A_207 : vector<16xi32> to vector<16xi32>
      %swap3A_209 = vector.shape_cast %get3A_205 : vector<16xi32> to vector<16xi32>
      tpu.vector_store %arg13[%swap3A_206], %swap3A_209 {strides = array<i32>} : memref<64xi32, #tpu.memory_space<vmem>>, vector<16xi32>,
      %get3A_210 = arith.constant 16 : index
      %get3A_211 = tpu.vector_load %arg11[%get3A_210] {strides = array<i32>} : memref<64xi32, #tpu.memory_space<vmem>>, vector<16xi32>,
      %get3A_212 = vector.shape_cast %get3A_211 : vector<16xi32> to vector<16xi32>
      %swap3A_213 = arith.constant 16 : index
      %swap3A_214 = tpu.vector_load %arg13[%swap3A_213] {strides = array<i32>} : memref<64xi32, #tpu.memory_space<vmem>>, vector<16xi32>,
      %swap3A_215 = vector.shape_cast %swap3A_214 : vector<16xi32> to vector<16xi32>
      %swap3A_216 = vector.shape_cast %get3A_212 : vector<16xi32> to vector<16xi32>
      tpu.vector_store %arg13[%swap3A_213], %swap3A_216 {strides = array<i32>} : memref<64xi32, #tpu.memory_space<vmem>>, vector<16xi32>,
      %get3A_217 = arith.constant 32 : index
      %get3A_218 = tpu.vector_load %arg11[%get3A_217] {strides = array<i32>} : memref<64xi32, #tpu.memory_space<vmem>>, vector<16xi32>,
      %get3A_219 = vector.shape_cast %get3A_218 : vector<16xi32> to vector<16xi32>
      %swap3A_220 = arith.constant 32 : index
      %swap3A_221 = tpu.vector_load %arg13[%swap3A_220] {strides = array<i32>} : memref<64xi32, #tpu.memory_space<vmem>>, vector<16xi32>,
      %swap3A_222 = vector.shape_cast %swap3A_221 : vector<16xi32> to vector<16xi32>
      %swap3A_223 = vector.shape_cast %get3A_219 : vector<16xi32> to vector<16xi32>
      tpu.vector_store %arg13[%swap3A_220], %swap3A_223 {strides = array<i32>} : memref<64xi32, #tpu.memory_space<vmem>>, vector<16xi32>,
      %get3A_224 = arith.constant 48 : index
      %get3A_225 = tpu.vector_load %arg11[%get3A_224] {strides = array<i32>} : memref<64xi32, #tpu.memory_space<vmem>>, vector<16xi32>,
      %get3A_226 = vector.shape_cast %get3A_225 : vector<16xi32> to vector<16xi32>
      %swap3A_227 = arith.constant 48 : index
      %swap3A_228 = tpu.vector_load %arg13[%swap3A_227] {strides = array<i32>} : memref<64xi32, #tpu.memory_space<vmem>>, vector<16xi32>,
      %swap3A_229 = vector.shape_cast %swap3A_228 : vector<16xi32> to vector<16xi32>
      %swap3A_230 = vector.shape_cast %get3A_226 : vector<16xi32> to vector<16xi32>
      tpu.vector_store %arg13[%swap3A_227], %swap3A_230 {strides = array<i32>} : memref<64xi32, #tpu.memory_space<vmem>>, vector<16xi32>,
      %add3A_231 = arith.constant 2 : i32
      %add3A_232 = arith.addi %add3A_181, %add3A_231 : i32
      %lt3A_233 = arith.constant 156 : i32
      %lt3A_234 = arith.cmpi slt, %add3A_232, %lt3A_233 : i32
      %convert_element_type3A_235 = arith.extui %lt3A_234 : i1 to i32
      %cond3A_236 = arith.constant 0 : i32
      %cond3A_237 = arith.cmpi ne, %convert_element_type3A_235, %cond3A_236 : i32
      scf.if %cond3A_237 {
        %add3A_244 = arith.constant 2 : i32
        %add3A_245 = arith.addi %add3A_181, %add3A_244 : i32
        %mul3A_246 = arith.constant 32 : i32
        %mul3A_247 = arith.muli %mul3A_246, %add3A_245 : i32
        %add3A_248 = arith.addi %add3A, %mul3A_247 : i32
        %mul3A_249 = arith.constant 64 : i32
        %mul3A_250 = arith.muli %add3A_248, %mul3A_249 : i32
        %dma_start3A_251 = tpu.memref_slice %arg5[%mul3A_250] : memref<320000xi32, #tpu.memory_space<hbm>> -> memref<64xi32, #tpu.memory_space<hbm>>
        %dma_start3A_252 = tpu.memref_slice %arg5[%mul3A_250] : memref<320000xi32, #tpu.memory_space<hbm>> -> memref<64xi32, #tpu.memory_space<hbm>>
        tpu.enqueue_dma source(%dma_start3A_252 : memref<64xi32, #tpu.memory_space<hbm>>) target(%arg9 : memref<64xi32, #tpu.memory_space<vmem>>) target_semaphore(%arg23 : memref<!tpu.dma_semaphore, #tpu.memory_space<semaphore_mem>>)
        %dma_start3A_253 = tpu.memref_slice %arg6[%mul3A_250] : memref<320000xi32, #tpu.memory_space<hbm>> -> memref<64xi32, #tpu.memory_space<hbm>>
        %dma_start3A_254 = tpu.memref_slice %arg6[%mul3A_250] : memref<320000xi32, #tpu.memory_space<hbm>> -> memref<64xi32, #tpu.memory_space<hbm>>
        tpu.enqueue_dma source(%dma_start3A_254 : memref<64xi32, #tpu.memory_space<hbm>>) target(%arg11 : memref<64xi32, #tpu.memory_space<vmem>>) target_semaphore(%arg23 : memref<!tpu.dma_semaphore, #tpu.memory_space<semaphore_mem>>)
      } else {
      }
      %parallel_loop3A_238 = arith.constant 0 : i32
      %parallel_loop3A_239 = arith.constant 64 : i32
      %parallel_loop3A_240 = arith.constant 1 : i32
      scf.for %parallel_loop3A_244 = %parallel_loop3A_238 to %parallel_loop3A_239 step %parallel_loop3A_240  : i32 {
        %parallel_loop3A_245 = arith.index_cast %parallel_loop3A_244 : i32 to index
        %parallel_loop3A_246 = arith.constant 0 : index
        %parallel_loop3A_247 = tpu.vector_load %arg17[%parallel_loop3A_245, %parallel_loop3A_246] {strides = array<i32>} : memref<64x16xf32, #tpu.memory_space<vmem>>, vector<1x16xf32>,
        %parallel_loop3A_248 = vector.shape_cast %parallel_loop3A_247 : vector<1x16xf32> to vector<16xf32>
        %parallel_loop3A_249 = arith.index_cast %parallel_loop3A_244 : i32 to index
        %parallel_loop3A_250 = arith.constant 0 : index
        %parallel_loop3A_251 = tpu.vector_load %arg19[%parallel_loop3A_249, %parallel_loop3A_250] {strides = array<i32>} : memref<64x16xf32, #tpu.memory_space<vmem>>, vector<1x16xf32>,
        %parallel_loop3A_252 = vector.shape_cast %parallel_loop3A_251 : vector<1x16xf32> to vector<16xf32>
        %parallel_loop3A_253 = arith.addf %parallel_loop3A_248, %parallel_loop3A_252 : vector<16xf32>
        %parallel_loop3A_254 = arith.constant 2.000000e-01 : f32
        %parallel_loop3A_255 = vector.broadcast %parallel_loop3A_254 : f32 to vector<16xf32>
        %parallel_loop3A_256 = arith.mulf %parallel_loop3A_253, %parallel_loop3A_255 : vector<16xf32>
        %parallel_loop3A_257 = arith.maximumf %parallel_loop3A_253, %parallel_loop3A_256 : vector<16xf32>
        %parallel_loop3A_258 = math.exp %parallel_loop3A_257 : vector<16xf32>
        %parallel_loop3A_259 = arith.constant 0.000000e+00 : f32
        %parallel_loop3A_260 = vector.broadcast %parallel_loop3A_259 : f32 to vector<16xf32>
        %parallel_loop3A_261 = arith.select %and3A, %parallel_loop3A_258, %parallel_loop3A_260 : vector<16xi1>, vector<16xf32>
        %parallel_loop3A_262 = arith.index_cast %parallel_loop3A_244 : i32 to index
        %parallel_loop3A_263 = arith.constant 120 : index
        %parallel_loop3A_264 = tpu.vector_load %arg21[%parallel_loop3A_262, %parallel_loop3A_263] {strides = array<i32>} : memref<64x136xf32, #tpu.memory_space<vmem>>, vector<1x16xf32>,
        %parallel_loop3A_265 = vector.shape_cast %parallel_loop3A_264 : vector<1x16xf32> to vector<16xf32>
        %parallel_loop3A_266 = vector.shape_cast %parallel_loop3A_261 : vector<16xf32> to vector<1x16xf32>
        tpu.vector_store %arg21[%parallel_loop3A_262, %parallel_loop3A_263], %parallel_loop3A_266 {strides = array<i32>} : memref<64x136xf32, #tpu.memory_space<vmem>>, vector<1x16xf32>,
        %parallel_loop3A_267 = vector.extract_strided_slice %parallel_loop3A_258 {offsets = [8], sizes = [1], strides = [1]} : vector<16xf32> to vector<1xf32>
        %parallel_loop3A_268 = vector.extract %parallel_loop3A_267[0] : f32 from vector<1xf32>
        %parallel_loop3A_269 = vector.extract_strided_slice %parallel_loop3A_258 {offsets = [9], sizes = [1], strides = [1]} : vector<16xf32> to vector<1xf32>
        %parallel_loop3A_270 = vector.extract %parallel_loop3A_269[0] : f32 from vector<1xf32>
        %parallel_loop3A_271 = vector.extract_strided_slice %parallel_loop3A_258 {offsets = [10], sizes = [1], strides = [1]} : vector<16xf32> to vector<1xf32>
        %parallel_loop3A_272 = vector.extract %parallel_loop3A_271[0] : f32 from vector<1xf32>
        %parallel_loop3A_273 = vector.extract_strided_slice %parallel_loop3A_258 {offsets = [11], sizes = [1], strides = [1]} : vector<16xf32> to vector<1xf32>
        %parallel_loop3A_274 = vector.extract %parallel_loop3A_273[0] : f32 from vector<1xf32>
        %parallel_loop3A_275 = arith.index_cast %parallel_loop3A_244 : i32 to index
        %parallel_loop3A_276 = arith.constant 0 : index
        %parallel_loop3A_277 = tpu.vector_load %arg15[%parallel_loop3A_275, %parallel_loop3A_276] {strides = array<i32>} : memref<64x128xf32, #tpu.memory_space<vmem>>, vector<1x16xf32>,
        %parallel_loop3A_278 = vector.shape_cast %parallel_loop3A_277 : vector<1x16xf32> to vector<16xf32>
        %parallel_loop3A_279 = vector.broadcast %parallel_loop3A_268 : f32 to vector<16xf32>
        %parallel_loop3A_280 = arith.mulf %parallel_loop3A_278, %parallel_loop3A_279 : vector<16xf32>
        %parallel_loop3A_281 = arith.index_cast %parallel_loop3A_244 : i32 to index
        %parallel_loop3A_282 = arith.constant 0 : index
        %parallel_loop3A_283 = tpu.vector_load %arg21[%parallel_loop3A_281, %parallel_loop3A_282] {strides = array<i32>} : memref<64x136xf32, #tpu.memory_space<vmem>>, vector<1x16xf32>,
        %parallel_loop3A_284 = vector.shape_cast %parallel_loop3A_283 : vector<1x16xf32> to vector<16xf32>
        %parallel_loop3A_285 = vector.shape_cast %parallel_loop3A_280 : vector<16xf32> to vector<1x16xf32>
        tpu.vector_store %arg21[%parallel_loop3A_281, %parallel_loop3A_282], %parallel_loop3A_285 {strides = array<i32>} : memref<64x136xf32, #tpu.memory_space<vmem>>, vector<1x16xf32>,
        %parallel_loop3A_286 = arith.index_cast %parallel_loop3A_244 : i32 to index
        %parallel_loop3A_287 = arith.constant 16 : index
        %parallel_loop3A_288 = tpu.vector_load %arg15[%parallel_loop3A_286, %parallel_loop3A_287] {strides = array<i32>} : memref<64x128xf32, #tpu.memory_space<vmem>>, vector<1x16xf32>,
        %parallel_loop3A_289 = vector.shape_cast %parallel_loop3A_288 : vector<1x16xf32> to vector<16xf32>
        %parallel_loop3A_290 = vector.broadcast %parallel_loop3A_268 : f32 to vector<16xf32>
        %parallel_loop3A_291 = arith.mulf %parallel_loop3A_289, %parallel_loop3A_290 : vector<16xf32>
        %parallel_loop3A_292 = arith.index_cast %parallel_loop3A_244 : i32 to index
        %parallel_loop3A_293 = arith.constant 16 : index
        %parallel_loop3A_294 = tpu.vector_load %arg21[%parallel_loop3A_292, %parallel_loop3A_293] {strides = array<i32>} : memref<64x136xf32, #tpu.memory_space<vmem>>, vector<1x16xf32>,
        %parallel_loop3A_295 = vector.shape_cast %parallel_loop3A_294 : vector<1x16xf32> to vector<16xf32>
        %parallel_loop3A_296 = vector.shape_cast %parallel_loop3A_291 : vector<16xf32> to vector<1x16xf32>
        tpu.vector_store %arg21[%parallel_loop3A_292, %parallel_loop3A_293], %parallel_loop3A_296 {strides = array<i32>} : memref<64x136xf32, #tpu.memory_space<vmem>>, vector<1x16xf32>,
        %parallel_loop3A_297 = arith.index_cast %parallel_loop3A_244 : i32 to index
        %parallel_loop3A_298 = arith.constant 32 : index
        %parallel_loop3A_299 = tpu.vector_load %arg15[%parallel_loop3A_297, %parallel_loop3A_298] {strides = array<i32>} : memref<64x128xf32, #tpu.memory_space<vmem>>, vector<1x16xf32>,
        %parallel_loop3A_300 = vector.shape_cast %parallel_loop3A_299 : vector<1x16xf32> to vector<16xf32>
        %parallel_loop3A_301 = vector.broadcast %parallel_loop3A_270 : f32 to vector<16xf32>
        %parallel_loop3A_302 = arith.mulf %parallel_loop3A_300, %parallel_loop3A_301 : vector<16xf32>
        %parallel_loop3A_303 = arith.index_cast %parallel_loop3A_244 : i32 to index
        %parallel_loop3A_304 = arith.constant 32 : index
        %parallel_loop3A_305 = tpu.vector_load %arg21[%parallel_loop3A_303, %parallel_loop3A_304] {strides = array<i32>} : memref<64x136xf32, #tpu.memory_space<vmem>>, vector<1x16xf32>,
        %parallel_loop3A_306 = vector.shape_cast %parallel_loop3A_305 : vector<1x16xf32> to vector<16xf32>
        %parallel_loop3A_307 = vector.shape_cast %parallel_loop3A_302 : vector<16xf32> to vector<1x16xf32>
        tpu.vector_store %arg21[%parallel_loop3A_303, %parallel_loop3A_304], %parallel_loop3A_307 {strides = array<i32>} : memref<64x136xf32, #tpu.memory_space<vmem>>, vector<1x16xf32>,
        %parallel_loop3A_308 = arith.index_cast %parallel_loop3A_244 : i32 to index
        %parallel_loop3A_309 = arith.constant 48 : index
        %parallel_loop3A_310 = tpu.vector_load %arg15[%parallel_loop3A_308, %parallel_loop3A_309] {strides = array<i32>} : memref<64x128xf32, #tpu.memory_space<vmem>>, vector<1x16xf32>,
        %parallel_loop3A_311 = vector.shape_cast %parallel_loop3A_310 : vector<1x16xf32> to vector<16xf32>
        %parallel_loop3A_312 = vector.broadcast %parallel_loop3A_270 : f32 to vector<16xf32>
        %parallel_loop3A_313 = arith.mulf %parallel_loop3A_311, %parallel_loop3A_312 : vector<16xf32>
        %parallel_loop3A_314 = arith.index_cast %parallel_loop3A_244 : i32 to index
        %parallel_loop3A_315 = arith.constant 48 : index
        %parallel_loop3A_316 = tpu.vector_load %arg21[%parallel_loop3A_314, %parallel_loop3A_315] {strides = array<i32>} : memref<64x136xf32, #tpu.memory_space<vmem>>, vector<1x16xf32>,
        %parallel_loop3A_317 = vector.shape_cast %parallel_loop3A_316 : vector<1x16xf32> to vector<16xf32>
        %parallel_loop3A_318 = vector.shape_cast %parallel_loop3A_313 : vector<16xf32> to vector<1x16xf32>
        tpu.vector_store %arg21[%parallel_loop3A_314, %parallel_loop3A_315], %parallel_loop3A_318 {strides = array<i32>} : memref<64x136xf32, #tpu.memory_space<vmem>>, vector<1x16xf32>,
        %parallel_loop3A_319 = arith.index_cast %parallel_loop3A_244 : i32 to index
        %parallel_loop3A_320 = arith.constant 64 : index
        %parallel_loop3A_321 = tpu.vector_load %arg15[%parallel_loop3A_319, %parallel_loop3A_320] {strides = array<i32>} : memref<64x128xf32, #tpu.memory_space<vmem>>, vector<1x16xf32>,
        %parallel_loop3A_322 = vector.shape_cast %parallel_loop3A_321 : vector<1x16xf32> to vector<16xf32>
        %parallel_loop3A_323 = vector.broadcast %parallel_loop3A_272 : f32 to vector<16xf32>
        %parallel_loop3A_324 = arith.mulf %parallel_loop3A_322, %parallel_loop3A_323 : vector<16xf32>
        %parallel_loop3A_325 = arith.index_cast %parallel_loop3A_244 : i32 to index
        %parallel_loop3A_326 = arith.constant 64 : index
        %parallel_loop3A_327 = tpu.vector_load %arg21[%parallel_loop3A_325, %parallel_loop3A_326] {strides = array<i32>} : memref<64x136xf32, #tpu.memory_space<vmem>>, vector<1x16xf32>,
        %parallel_loop3A_328 = vector.shape_cast %parallel_loop3A_327 : vector<1x16xf32> to vector<16xf32>
        %parallel_loop3A_329 = vector.shape_cast %parallel_loop3A_324 : vector<16xf32> to vector<1x16xf32>
        tpu.vector_store %arg21[%parallel_loop3A_325, %parallel_loop3A_326], %parallel_loop3A_329 {strides = array<i32>} : memref<64x136xf32, #tpu.memory_space<vmem>>, vector<1x16xf32>,
        %parallel_loop3A_330 = arith.index_cast %parallel_loop3A_244 : i32 to index
        %parallel_loop3A_331 = arith.constant 80 : index
        %parallel_loop3A_332 = tpu.vector_load %arg15[%parallel_loop3A_330, %parallel_loop3A_331] {strides = array<i32>} : memref<64x128xf32, #tpu.memory_space<vmem>>, vector<1x16xf32>,
        %parallel_loop3A_333 = vector.shape_cast %parallel_loop3A_332 : vector<1x16xf32> to vector<16xf32>
        %parallel_loop3A_334 = vector.broadcast %parallel_loop3A_272 : f32 to vector<16xf32>
        %parallel_loop3A_335 = arith.mulf %parallel_loop3A_333, %parallel_loop3A_334 : vector<16xf32>
        %parallel_loop3A_336 = arith.index_cast %parallel_loop3A_244 : i32 to index
        %parallel_loop3A_337 = arith.constant 80 : index
        %parallel_loop3A_338 = tpu.vector_load %arg21[%parallel_loop3A_336, %parallel_loop3A_337] {strides = array<i32>} : memref<64x136xf32, #tpu.memory_space<vmem>>, vector<1x16xf32>,
        %parallel_loop3A_339 = vector.shape_cast %parallel_loop3A_338 : vector<1x16xf32> to vector<16xf32>
        %parallel_loop3A_340 = vector.shape_cast %parallel_loop3A_335 : vector<16xf32> to vector<1x16xf32>
        tpu.vector_store %arg21[%parallel_loop3A_336, %parallel_loop3A_337], %parallel_loop3A_340 {strides = array<i32>} : memref<64x136xf32, #tpu.memory_space<vmem>>, vector<1x16xf32>,
        %parallel_loop3A_341 = arith.index_cast %parallel_loop3A_244 : i32 to index
        %parallel_loop3A_342 = arith.constant 96 : index
        %parallel_loop3A_343 = tpu.vector_load %arg15[%parallel_loop3A_341, %parallel_loop3A_342] {strides = array<i32>} : memref<64x128xf32, #tpu.memory_space<vmem>>, vector<1x16xf32>,
        %parallel_loop3A_344 = vector.shape_cast %parallel_loop3A_343 : vector<1x16xf32> to vector<16xf32>
        %parallel_loop3A_345 = vector.broadcast %parallel_loop3A_274 : f32 to vector<16xf32>
        %parallel_loop3A_346 = arith.mulf %parallel_loop3A_344, %parallel_loop3A_345 : vector<16xf32>
        %parallel_loop3A_347 = arith.index_cast %parallel_loop3A_244 : i32 to index
        %parallel_loop3A_348 = arith.constant 96 : index
        %parallel_loop3A_349 = tpu.vector_load %arg21[%parallel_loop3A_347, %parallel_loop3A_348] {strides = array<i32>} : memref<64x136xf32, #tpu.memory_space<vmem>>, vector<1x16xf32>,
        %parallel_loop3A_350 = vector.shape_cast %parallel_loop3A_349 : vector<1x16xf32> to vector<16xf32>
        %parallel_loop3A_351 = vector.shape_cast %parallel_loop3A_346 : vector<16xf32> to vector<1x16xf32>
        tpu.vector_store %arg21[%parallel_loop3A_347, %parallel_loop3A_348], %parallel_loop3A_351 {strides = array<i32>} : memref<64x136xf32, #tpu.memory_space<vmem>>, vector<1x16xf32>,
        %parallel_loop3A_352 = arith.index_cast %parallel_loop3A_244 : i32 to index
        %parallel_loop3A_353 = arith.constant 112 : index
        %parallel_loop3A_354 = tpu.vector_load %arg15[%parallel_loop3A_352, %parallel_loop3A_353] {strides = array<i32>} : memref<64x128xf32, #tpu.memory_space<vmem>>, vector<1x16xf32>,
        %parallel_loop3A_355 = vector.shape_cast %parallel_loop3A_354 : vector<1x16xf32> to vector<16xf32>
        %parallel_loop3A_356 = vector.broadcast %parallel_loop3A_274 : f32 to vector<16xf32>
        %parallel_loop3A_357 = arith.mulf %parallel_loop3A_355, %parallel_loop3A_356 : vector<16xf32>
        %parallel_loop3A_358 = arith.index_cast %parallel_loop3A_244 : i32 to index
        %parallel_loop3A_359 = arith.constant 112 : index
        %parallel_loop3A_360 = tpu.vector_load %arg21[%parallel_loop3A_358, %parallel_loop3A_359] {strides = array<i32>} : memref<64x136xf32, #tpu.memory_space<vmem>>, vector<1x16xf32>,
        %parallel_loop3A_361 = vector.shape_cast %parallel_loop3A_360 : vector<1x16xf32> to vector<16xf32>
        %parallel_loop3A_362 = vector.shape_cast %parallel_loop3A_357 : vector<16xf32> to vector<1x16xf32>
        tpu.vector_store %arg21[%parallel_loop3A_358, %parallel_loop3A_359], %parallel_loop3A_362 {strides = array<i32>} : memref<64x136xf32, #tpu.memory_space<vmem>>, vector<1x16xf32>,
      } {sc.loop_unroll_factor = 4 : i64, sc.parallel_access}
      %dma_start3A_241 = arith.constant 0 : i32
      %dma_start3A_242 = arith.constant 0 : i32
      %dma_start3A_243 = tpu.memref_slice %arg22[%dma_start3A_241, %dma_start3A_242] : memref<10240x136xf32, #tpu.memory_space<vmem_shared>> -> memref<10240x136xf32, #tpu.memory_space<vmem_shared>>
      tpu.enqueue_indirect_dma source(%arg21 : memref<64x136xf32, #tpu.memory_space<vmem>>) target(%dma_start3A_243 : memref<10240x136xf32, #tpu.memory_space<vmem_shared>>) offsets(%arg13 : memref<64xi32, #tpu.memory_space<vmem>>) semaphore(%arg27 : memref<!tpu.dma_semaphore, #tpu.memory_space<semaphore_mem>>) {add = true}
    }
    %scan3A_84 = arith.constant 78 : i32
    %dma_wait3A = arith.constant 0 : i32
    %dma_wait3A_85 = arith.constant 0 : i32
    %dma_wait3A_86 = tpu.memref_slice %arg22[%dma_wait3A, %dma_wait3A_85] : memref<10240x136xf32, #tpu.memory_space<vmem_shared>> -> memref<10240x136xf32, #tpu.memory_space<vmem_shared>>
    tpu.wait_indirect_dma semaphore(%arg27 : memref<!tpu.dma_semaphore, #tpu.memory_space<semaphore_mem>>) src(%arg20 : memref<64x136xf32, #tpu.memory_space<vmem>>) dst(%dma_wait3A_86 : memref<10240x136xf32, #tpu.memory_space<vmem_shared>>)
    %dma_wait3A_87 = arith.constant 0 : i32
    %dma_wait3A_88 = arith.constant 0 : i32
    %dma_wait3A_89 = tpu.memref_slice %arg22[%dma_wait3A_87, %dma_wait3A_88] : memref<10240x136xf32, #tpu.memory_space<vmem_shared>> -> memref<10240x136xf32, #tpu.memory_space<vmem_shared>>
    tpu.wait_indirect_dma semaphore(%arg27 : memref<!tpu.dma_semaphore, #tpu.memory_space<semaphore_mem>>) src(%arg21 : memref<64x136xf32, #tpu.memory_space<vmem>>) dst(%dma_wait3A_89 : memref<10240x136xf32, #tpu.memory_space<vmem_shared>>)
    %lt3A_90 = arith.constant 8 : i32
    %lt3A_91 = arith.cmpi slt, %add3A, %lt3A_90 : i32
    %convert_element_type3A = arith.extui %lt3A_91 : i1 to i32
    %cond3A = arith.constant 0 : i32
    %cond3A_92 = arith.cmpi ne, %convert_element_type3A, %cond3A : i32
    scf.if %cond3A_92 {
      %add3A_114 = arith.constant 4992 : i32
      %add3A_115 = arith.addi %add3A_114, %add3A : i32
      %mul3A_116 = arith.constant 64 : i32
      %mul3A_117 = arith.muli %add3A_115, %mul3A_116 : i32
      "tpu.region"() ({
        %run_scoped3A = tpu.sem_alloc : memref<!tpu.dma_semaphore, #tpu.memory_space<semaphore_mem>>
        %dma_start3A_138 = tpu.memref_slice %arg5[%mul3A_117] : memref<320000xi32, #tpu.memory_space<hbm>> -> memref<64xi32, #tpu.memory_space<hbm>>
        %dma_start3A_139 = tpu.memref_slice %arg5[%mul3A_117] : memref<320000xi32, #tpu.memory_space<hbm>> -> memref<64xi32, #tpu.memory_space<hbm>>
        tpu.enqueue_dma source(%dma_start3A_139 : memref<64xi32, #tpu.memory_space<hbm>>) target(%arg8 : memref<64xi32, #tpu.memory_space<vmem>>) target_semaphore(%run_scoped3A : memref<!tpu.dma_semaphore, #tpu.memory_space<semaphore_mem>>)
        %dma_wait3A_140 = tpu.memref_slice %arg5[%mul3A_117] : memref<320000xi32, #tpu.memory_space<hbm>> -> memref<64xi32, #tpu.memory_space<hbm>>
        %dma_wait3A_141 = tpu.memref_slice %arg5[%mul3A_117] : memref<320000xi32, #tpu.memory_space<hbm>> -> memref<64xi32, #tpu.memory_space<hbm>>
        tpu.wait_dma2 semaphore(%run_scoped3A : memref<!tpu.dma_semaphore, #tpu.memory_space<semaphore_mem>>) src(%dma_wait3A_141 : memref<64xi32, #tpu.memory_space<hbm>>) dst(%arg8 : memref<64xi32, #tpu.memory_space<vmem>>)
        tpu.yield
      }) : () -> ()
      "tpu.region"() ({
        %run_scoped3A = tpu.sem_alloc : memref<!tpu.dma_semaphore, #tpu.memory_space<semaphore_mem>>
        %dma_start3A_138 = tpu.memref_slice %arg6[%mul3A_117] : memref<320000xi32, #tpu.memory_space<hbm>> -> memref<64xi32, #tpu.memory_space<hbm>>
        %dma_start3A_139 = tpu.memref_slice %arg6[%mul3A_117] : memref<320000xi32, #tpu.memory_space<hbm>> -> memref<64xi32, #tpu.memory_space<hbm>>
        tpu.enqueue_dma source(%dma_start3A_139 : memref<64xi32, #tpu.memory_space<hbm>>) target(%arg10 : memref<64xi32, #tpu.memory_space<vmem>>) target_semaphore(%run_scoped3A : memref<!tpu.dma_semaphore, #tpu.memory_space<semaphore_mem>>)
        %dma_wait3A_140 = tpu.memref_slice %arg6[%mul3A_117] : memref<320000xi32, #tpu.memory_space<hbm>> -> memref<64xi32, #tpu.memory_space<hbm>>
        %dma_wait3A_141 = tpu.memref_slice %arg6[%mul3A_117] : memref<320000xi32, #tpu.memory_space<hbm>> -> memref<64xi32, #tpu.memory_space<hbm>>
        tpu.wait_dma2 semaphore(%run_scoped3A : memref<!tpu.dma_semaphore, #tpu.memory_space<semaphore_mem>>) src(%dma_wait3A_141 : memref<64xi32, #tpu.memory_space<hbm>>) dst(%arg10 : memref<64xi32, #tpu.memory_space<vmem>>)
        tpu.yield
      }) : () -> ()
      %dma_start3A_118 = arith.constant 0 : i32
      %dma_start3A_119 = arith.constant 0 : i32
      %dma_start3A_120 = tpu.memref_slice %arg2[%dma_start3A_118, %dma_start3A_119] : memref<10000x128xf32, #tpu.memory_space<hbm>> -> memref<10000x128xf32, #tpu.memory_space<hbm>>
      tpu.enqueue_indirect_dma source(%dma_start3A_120 : memref<10000x128xf32, #tpu.memory_space<hbm>>) target(%arg14 : memref<64x128xf32, #tpu.memory_space<vmem>>) offsets(%arg8 : memref<64xi32, #tpu.memory_space<vmem>>) semaphore(%arg24 : memref<!tpu.dma_semaphore, #tpu.memory_space<semaphore_mem>>)
      %dma_start3A_121 = arith.constant 0 : i32
      %dma_start3A_122 = arith.constant 0 : i32
      %dma_start3A_123 = tpu.memref_slice %arg3[%dma_start3A_121, %dma_start3A_122] : memref<10000x16xf32, #tpu.memory_space<hbm>> -> memref<10000x16xf32, #tpu.memory_space<hbm>>
      tpu.enqueue_indirect_dma source(%dma_start3A_123 : memref<10000x16xf32, #tpu.memory_space<hbm>>) target(%arg16 : memref<64x16xf32, #tpu.memory_space<vmem>>) offsets(%arg8 : memref<64xi32, #tpu.memory_space<vmem>>) semaphore(%arg25 : memref<!tpu.dma_semaphore, #tpu.memory_space<semaphore_mem>>)
      %dma_start3A_124 = arith.constant 0 : i32
      %dma_start3A_125 = arith.constant 0 : i32
      %dma_start3A_126 = tpu.memref_slice %arg4[%dma_start3A_124, %dma_start3A_125] : memref<10000x16xf32, #tpu.memory_space<hbm>> -> memref<10000x16xf32, #tpu.memory_space<hbm>>
      tpu.enqueue_indirect_dma source(%dma_start3A_126 : memref<10000x16xf32, #tpu.memory_space<hbm>>) target(%arg18 : memref<64x16xf32, #tpu.memory_space<vmem>>) offsets(%arg10 : memref<64xi32, #tpu.memory_space<vmem>>) semaphore(%arg26 : memref<!tpu.dma_semaphore, #tpu.memory_space<semaphore_mem>>)
      %dma_wait3A_127 = arith.constant 0 : i32
      %dma_wait3A_128 = arith.constant 0 : i32
      %dma_wait3A_129 = tpu.memref_slice %arg2[%dma_wait3A_127, %dma_wait3A_128] : memref<10000x128xf32, #tpu.memory_space<hbm>> -> memref<10000x128xf32, #tpu.memory_space<hbm>>
      tpu.wait_indirect_dma semaphore(%arg24 : memref<!tpu.dma_semaphore, #tpu.memory_space<semaphore_mem>>) src(%dma_wait3A_129 : memref<10000x128xf32, #tpu.memory_space<hbm>>) dst(%arg14 : memref<64x128xf32, #tpu.memory_space<vmem>>)
      %dma_wait3A_130 = arith.constant 0 : i32
      %dma_wait3A_131 = arith.constant 0 : i32
      %dma_wait3A_132 = tpu.memref_slice %arg3[%dma_wait3A_130, %dma_wait3A_131] : memref<10000x16xf32, #tpu.memory_space<hbm>> -> memref<10000x16xf32, #tpu.memory_space<hbm>>
      tpu.wait_indirect_dma semaphore(%arg25 : memref<!tpu.dma_semaphore, #tpu.memory_space<semaphore_mem>>) src(%dma_wait3A_132 : memref<10000x16xf32, #tpu.memory_space<hbm>>) dst(%arg16 : memref<64x16xf32, #tpu.memory_space<vmem>>)
      %dma_wait3A_133 = arith.constant 0 : i32
      %dma_wait3A_134 = arith.constant 0 : i32
      %dma_wait3A_135 = tpu.memref_slice %arg4[%dma_wait3A_133, %dma_wait3A_134] : memref<10000x16xf32, #tpu.memory_space<hbm>> -> memref<10000x16xf32, #tpu.memory_space<hbm>>
      tpu.wait_indirect_dma semaphore(%arg26 : memref<!tpu.dma_semaphore, #tpu.memory_space<semaphore_mem>>) src(%dma_wait3A_135 : memref<10000x16xf32, #tpu.memory_space<hbm>>) dst(%arg18 : memref<64x16xf32, #tpu.memory_space<vmem>>)
      %parallel_loop3A = arith.constant 0 : i32
      %parallel_loop3A_136 = arith.constant 64 : i32
      %parallel_loop3A_137 = arith.constant 1 : i32
      scf.for %parallel_loop3A_138 = %parallel_loop3A to %parallel_loop3A_136 step %parallel_loop3A_137  : i32 {
        %parallel_loop3A_139 = arith.index_cast %parallel_loop3A_138 : i32 to index
        %parallel_loop3A_140 = arith.constant 0 : index
        %parallel_loop3A_141 = tpu.vector_load %arg16[%parallel_loop3A_139, %parallel_loop3A_140] {strides = array<i32>} : memref<64x16xf32, #tpu.memory_space<vmem>>, vector<1x16xf32>,
        %parallel_loop3A_142 = vector.shape_cast %parallel_loop3A_141 : vector<1x16xf32> to vector<16xf32>
        %parallel_loop3A_143 = arith.index_cast %parallel_loop3A_138 : i32 to index
        %parallel_loop3A_144 = arith.constant 0 : index
        %parallel_loop3A_145 = tpu.vector_load %arg18[%parallel_loop3A_143, %parallel_loop3A_144] {strides = array<i32>} : memref<64x16xf32, #tpu.memory_space<vmem>>, vector<1x16xf32>,
        %parallel_loop3A_146 = vector.shape_cast %parallel_loop3A_145 : vector<1x16xf32> to vector<16xf32>
        %parallel_loop3A_147 = arith.addf %parallel_loop3A_142, %parallel_loop3A_146 : vector<16xf32>
        %parallel_loop3A_148 = arith.constant 2.000000e-01 : f32
        %parallel_loop3A_149 = vector.broadcast %parallel_loop3A_148 : f32 to vector<16xf32>
        %parallel_loop3A_150 = arith.mulf %parallel_loop3A_147, %parallel_loop3A_149 : vector<16xf32>
        %parallel_loop3A_151 = arith.maximumf %parallel_loop3A_147, %parallel_loop3A_150 : vector<16xf32>
        %parallel_loop3A_152 = math.exp %parallel_loop3A_151 : vector<16xf32>
        %parallel_loop3A_153 = arith.constant 0.000000e+00 : f32
        %parallel_loop3A_154 = vector.broadcast %parallel_loop3A_153 : f32 to vector<16xf32>
        %parallel_loop3A_155 = arith.select %and3A, %parallel_loop3A_152, %parallel_loop3A_154 : vector<16xi1>, vector<16xf32>
        %parallel_loop3A_156 = arith.index_cast %parallel_loop3A_138 : i32 to index
        %parallel_loop3A_157 = arith.constant 120 : index
        %parallel_loop3A_158 = tpu.vector_load %arg20[%parallel_loop3A_156, %parallel_loop3A_157] {strides = array<i32>} : memref<64x136xf32, #tpu.memory_space<vmem>>, vector<1x16xf32>,
        %parallel_loop3A_159 = vector.shape_cast %parallel_loop3A_158 : vector<1x16xf32> to vector<16xf32>
        %parallel_loop3A_160 = vector.shape_cast %parallel_loop3A_155 : vector<16xf32> to vector<1x16xf32>
        tpu.vector_store %arg20[%parallel_loop3A_156, %parallel_loop3A_157], %parallel_loop3A_160 {strides = array<i32>} : memref<64x136xf32, #tpu.memory_space<vmem>>, vector<1x16xf32>,
        %parallel_loop3A_161 = vector.extract_strided_slice %parallel_loop3A_152 {offsets = [8], sizes = [1], strides = [1]} : vector<16xf32> to vector<1xf32>
        %parallel_loop3A_162 = vector.extract %parallel_loop3A_161[0] : f32 from vector<1xf32>
        %parallel_loop3A_163 = vector.extract_strided_slice %parallel_loop3A_152 {offsets = [9], sizes = [1], strides = [1]} : vector<16xf32> to vector<1xf32>
        %parallel_loop3A_164 = vector.extract %parallel_loop3A_163[0] : f32 from vector<1xf32>
        %parallel_loop3A_165 = vector.extract_strided_slice %parallel_loop3A_152 {offsets = [10], sizes = [1], strides = [1]} : vector<16xf32> to vector<1xf32>
        %parallel_loop3A_166 = vector.extract %parallel_loop3A_165[0] : f32 from vector<1xf32>
        %parallel_loop3A_167 = vector.extract_strided_slice %parallel_loop3A_152 {offsets = [11], sizes = [1], strides = [1]} : vector<16xf32> to vector<1xf32>
        %parallel_loop3A_168 = vector.extract %parallel_loop3A_167[0] : f32 from vector<1xf32>
        %parallel_loop3A_169 = arith.index_cast %parallel_loop3A_138 : i32 to index
        %parallel_loop3A_170 = arith.constant 0 : index
        %parallel_loop3A_171 = tpu.vector_load %arg14[%parallel_loop3A_169, %parallel_loop3A_170] {strides = array<i32>} : memref<64x128xf32, #tpu.memory_space<vmem>>, vector<1x16xf32>,
        %parallel_loop3A_172 = vector.shape_cast %parallel_loop3A_171 : vector<1x16xf32> to vector<16xf32>
        %parallel_loop3A_173 = vector.broadcast %parallel_loop3A_162 : f32 to vector<16xf32>
        %parallel_loop3A_174 = arith.mulf %parallel_loop3A_172, %parallel_loop3A_173 : vector<16xf32>
        %parallel_loop3A_175 = arith.index_cast %parallel_loop3A_138 : i32 to index
        %parallel_loop3A_176 = arith.constant 0 : index
        %parallel_loop3A_177 = tpu.vector_load %arg20[%parallel_loop3A_175, %parallel_loop3A_176] {strides = array<i32>} : memref<64x136xf32, #tpu.memory_space<vmem>>, vector<1x16xf32>,
        %parallel_loop3A_178 = vector.shape_cast %parallel_loop3A_177 : vector<1x16xf32> to vector<16xf32>
        %parallel_loop3A_179 = vector.shape_cast %parallel_loop3A_174 : vector<16xf32> to vector<1x16xf32>
        tpu.vector_store %arg20[%parallel_loop3A_175, %parallel_loop3A_176], %parallel_loop3A_179 {strides = array<i32>} : memref<64x136xf32, #tpu.memory_space<vmem>>, vector<1x16xf32>,
        %parallel_loop3A_180 = arith.index_cast %parallel_loop3A_138 : i32 to index
        %parallel_loop3A_181 = arith.constant 16 : index
        %parallel_loop3A_182 = tpu.vector_load %arg14[%parallel_loop3A_180, %parallel_loop3A_181] {strides = array<i32>} : memref<64x128xf32, #tpu.memory_space<vmem>>, vector<1x16xf32>,
        %parallel_loop3A_183 = vector.shape_cast %parallel_loop3A_182 : vector<1x16xf32> to vector<16xf32>
        %parallel_loop3A_184 = vector.broadcast %parallel_loop3A_162 : f32 to vector<16xf32>
        %parallel_loop3A_185 = arith.mulf %parallel_loop3A_183, %parallel_loop3A_184 : vector<16xf32>
        %parallel_loop3A_186 = arith.index_cast %parallel_loop3A_138 : i32 to index
        %parallel_loop3A_187 = arith.constant 16 : index
        %parallel_loop3A_188 = tpu.vector_load %arg20[%parallel_loop3A_186, %parallel_loop3A_187] {strides = array<i32>} : memref<64x136xf32, #tpu.memory_space<vmem>>, vector<1x16xf32>,
        %parallel_loop3A_189 = vector.shape_cast %parallel_loop3A_188 : vector<1x16xf32> to vector<16xf32>
        %parallel_loop3A_190 = vector.shape_cast %parallel_loop3A_185 : vector<16xf32> to vector<1x16xf32>
        tpu.vector_store %arg20[%parallel_loop3A_186, %parallel_loop3A_187], %parallel_loop3A_190 {strides = array<i32>} : memref<64x136xf32, #tpu.memory_space<vmem>>, vector<1x16xf32>,
        %parallel_loop3A_191 = arith.index_cast %parallel_loop3A_138 : i32 to index
        %parallel_loop3A_192 = arith.constant 32 : index
        %parallel_loop3A_193 = tpu.vector_load %arg14[%parallel_loop3A_191, %parallel_loop3A_192] {strides = array<i32>} : memref<64x128xf32, #tpu.memory_space<vmem>>, vector<1x16xf32>,
        %parallel_loop3A_194 = vector.shape_cast %parallel_loop3A_193 : vector<1x16xf32> to vector<16xf32>
        %parallel_loop3A_195 = vector.broadcast %parallel_loop3A_164 : f32 to vector<16xf32>
        %parallel_loop3A_196 = arith.mulf %parallel_loop3A_194, %parallel_loop3A_195 : vector<16xf32>
        %parallel_loop3A_197 = arith.index_cast %parallel_loop3A_138 : i32 to index
        %parallel_loop3A_198 = arith.constant 32 : index
        %parallel_loop3A_199 = tpu.vector_load %arg20[%parallel_loop3A_197, %parallel_loop3A_198] {strides = array<i32>} : memref<64x136xf32, #tpu.memory_space<vmem>>, vector<1x16xf32>,
        %parallel_loop3A_200 = vector.shape_cast %parallel_loop3A_199 : vector<1x16xf32> to vector<16xf32>
        %parallel_loop3A_201 = vector.shape_cast %parallel_loop3A_196 : vector<16xf32> to vector<1x16xf32>
        tpu.vector_store %arg20[%parallel_loop3A_197, %parallel_loop3A_198], %parallel_loop3A_201 {strides = array<i32>} : memref<64x136xf32, #tpu.memory_space<vmem>>, vector<1x16xf32>,
        %parallel_loop3A_202 = arith.index_cast %parallel_loop3A_138 : i32 to index
        %parallel_loop3A_203 = arith.constant 48 : index
        %parallel_loop3A_204 = tpu.vector_load %arg14[%parallel_loop3A_202, %parallel_loop3A_203] {strides = array<i32>} : memref<64x128xf32, #tpu.memory_space<vmem>>, vector<1x16xf32>,
        %parallel_loop3A_205 = vector.shape_cast %parallel_loop3A_204 : vector<1x16xf32> to vector<16xf32>
        %parallel_loop3A_206 = vector.broadcast %parallel_loop3A_164 : f32 to vector<16xf32>
        %parallel_loop3A_207 = arith.mulf %parallel_loop3A_205, %parallel_loop3A_206 : vector<16xf32>
        %parallel_loop3A_208 = arith.index_cast %parallel_loop3A_138 : i32 to index
        %parallel_loop3A_209 = arith.constant 48 : index
        %parallel_loop3A_210 = tpu.vector_load %arg20[%parallel_loop3A_208, %parallel_loop3A_209] {strides = array<i32>} : memref<64x136xf32, #tpu.memory_space<vmem>>, vector<1x16xf32>,
        %parallel_loop3A_211 = vector.shape_cast %parallel_loop3A_210 : vector<1x16xf32> to vector<16xf32>
        %parallel_loop3A_212 = vector.shape_cast %parallel_loop3A_207 : vector<16xf32> to vector<1x16xf32>
        tpu.vector_store %arg20[%parallel_loop3A_208, %parallel_loop3A_209], %parallel_loop3A_212 {strides = array<i32>} : memref<64x136xf32, #tpu.memory_space<vmem>>, vector<1x16xf32>,
        %parallel_loop3A_213 = arith.index_cast %parallel_loop3A_138 : i32 to index
        %parallel_loop3A_214 = arith.constant 64 : index
        %parallel_loop3A_215 = tpu.vector_load %arg14[%parallel_loop3A_213, %parallel_loop3A_214] {strides = array<i32>} : memref<64x128xf32, #tpu.memory_space<vmem>>, vector<1x16xf32>,
        %parallel_loop3A_216 = vector.shape_cast %parallel_loop3A_215 : vector<1x16xf32> to vector<16xf32>
        %parallel_loop3A_217 = vector.broadcast %parallel_loop3A_166 : f32 to vector<16xf32>
        %parallel_loop3A_218 = arith.mulf %parallel_loop3A_216, %parallel_loop3A_217 : vector<16xf32>
        %parallel_loop3A_219 = arith.index_cast %parallel_loop3A_138 : i32 to index
        %parallel_loop3A_220 = arith.constant 64 : index
        %parallel_loop3A_221 = tpu.vector_load %arg20[%parallel_loop3A_219, %parallel_loop3A_220] {strides = array<i32>} : memref<64x136xf32, #tpu.memory_space<vmem>>, vector<1x16xf32>,
        %parallel_loop3A_222 = vector.shape_cast %parallel_loop3A_221 : vector<1x16xf32> to vector<16xf32>
        %parallel_loop3A_223 = vector.shape_cast %parallel_loop3A_218 : vector<16xf32> to vector<1x16xf32>
        tpu.vector_store %arg20[%parallel_loop3A_219, %parallel_loop3A_220], %parallel_loop3A_223 {strides = array<i32>} : memref<64x136xf32, #tpu.memory_space<vmem>>, vector<1x16xf32>,
        %parallel_loop3A_224 = arith.index_cast %parallel_loop3A_138 : i32 to index
        %parallel_loop3A_225 = arith.constant 80 : index
        %parallel_loop3A_226 = tpu.vector_load %arg14[%parallel_loop3A_224, %parallel_loop3A_225] {strides = array<i32>} : memref<64x128xf32, #tpu.memory_space<vmem>>, vector<1x16xf32>,
        %parallel_loop3A_227 = vector.shape_cast %parallel_loop3A_226 : vector<1x16xf32> to vector<16xf32>
        %parallel_loop3A_228 = vector.broadcast %parallel_loop3A_166 : f32 to vector<16xf32>
        %parallel_loop3A_229 = arith.mulf %parallel_loop3A_227, %parallel_loop3A_228 : vector<16xf32>
        %parallel_loop3A_230 = arith.index_cast %parallel_loop3A_138 : i32 to index
        %parallel_loop3A_231 = arith.constant 80 : index
        %parallel_loop3A_232 = tpu.vector_load %arg20[%parallel_loop3A_230, %parallel_loop3A_231] {strides = array<i32>} : memref<64x136xf32, #tpu.memory_space<vmem>>, vector<1x16xf32>,
        %parallel_loop3A_233 = vector.shape_cast %parallel_loop3A_232 : vector<1x16xf32> to vector<16xf32>
        %parallel_loop3A_234 = vector.shape_cast %parallel_loop3A_229 : vector<16xf32> to vector<1x16xf32>
        tpu.vector_store %arg20[%parallel_loop3A_230, %parallel_loop3A_231], %parallel_loop3A_234 {strides = array<i32>} : memref<64x136xf32, #tpu.memory_space<vmem>>, vector<1x16xf32>,
        %parallel_loop3A_235 = arith.index_cast %parallel_loop3A_138 : i32 to index
        %parallel_loop3A_236 = arith.constant 96 : index
        %parallel_loop3A_237 = tpu.vector_load %arg14[%parallel_loop3A_235, %parallel_loop3A_236] {strides = array<i32>} : memref<64x128xf32, #tpu.memory_space<vmem>>, vector<1x16xf32>,
        %parallel_loop3A_238 = vector.shape_cast %parallel_loop3A_237 : vector<1x16xf32> to vector<16xf32>
        %parallel_loop3A_239 = vector.broadcast %parallel_loop3A_168 : f32 to vector<16xf32>
        %parallel_loop3A_240 = arith.mulf %parallel_loop3A_238, %parallel_loop3A_239 : vector<16xf32>
        %parallel_loop3A_241 = arith.index_cast %parallel_loop3A_138 : i32 to index
        %parallel_loop3A_242 = arith.constant 96 : index
        %parallel_loop3A_243 = tpu.vector_load %arg20[%parallel_loop3A_241, %parallel_loop3A_242] {strides = array<i32>} : memref<64x136xf32, #tpu.memory_space<vmem>>, vector<1x16xf32>,
        %parallel_loop3A_244 = vector.shape_cast %parallel_loop3A_243 : vector<1x16xf32> to vector<16xf32>
        %parallel_loop3A_245 = vector.shape_cast %parallel_loop3A_240 : vector<16xf32> to vector<1x16xf32>
        tpu.vector_store %arg20[%parallel_loop3A_241, %parallel_loop3A_242], %parallel_loop3A_245 {strides = array<i32>} : memref<64x136xf32, #tpu.memory_space<vmem>>, vector<1x16xf32>,
        %parallel_loop3A_246 = arith.index_cast %parallel_loop3A_138 : i32 to index
        %parallel_loop3A_247 = arith.constant 112 : index
        %parallel_loop3A_248 = tpu.vector_load %arg14[%parallel_loop3A_246, %parallel_loop3A_247] {strides = array<i32>} : memref<64x128xf32, #tpu.memory_space<vmem>>, vector<1x16xf32>,
        %parallel_loop3A_249 = vector.shape_cast %parallel_loop3A_248 : vector<1x16xf32> to vector<16xf32>
        %parallel_loop3A_250 = vector.broadcast %parallel_loop3A_168 : f32 to vector<16xf32>
        %parallel_loop3A_251 = arith.mulf %parallel_loop3A_249, %parallel_loop3A_250 : vector<16xf32>
        %parallel_loop3A_252 = arith.index_cast %parallel_loop3A_138 : i32 to index
        %parallel_loop3A_253 = arith.constant 112 : index
        %parallel_loop3A_254 = tpu.vector_load %arg20[%parallel_loop3A_252, %parallel_loop3A_253] {strides = array<i32>} : memref<64x136xf32, #tpu.memory_space<vmem>>, vector<1x16xf32>,
        %parallel_loop3A_255 = vector.shape_cast %parallel_loop3A_254 : vector<1x16xf32> to vector<16xf32>
        %parallel_loop3A_256 = vector.shape_cast %parallel_loop3A_251 : vector<16xf32> to vector<1x16xf32>
        tpu.vector_store %arg20[%parallel_loop3A_252, %parallel_loop3A_253], %parallel_loop3A_256 {strides = array<i32>} : memref<64x136xf32, #tpu.memory_space<vmem>>, vector<1x16xf32>,
      } {sc.loop_unroll_factor = 4 : i64, sc.parallel_access}
      "tpu.region"() ({
        %run_scoped3A = tpu.sem_alloc : memref<!tpu.dma_semaphore, #tpu.memory_space<semaphore_mem>>
        %dma_start3A_138 = arith.constant 0 : i32
        %dma_start3A_139 = arith.constant 0 : i32
        %dma_start3A_140 = tpu.memref_slice %arg22[%dma_start3A_138, %dma_start3A_139] : memref<10240x136xf32, #tpu.memory_space<vmem_shared>> -> memref<10240x136xf32, #tpu.memory_space<vmem_shared>>
        tpu.enqueue_indirect_dma source(%arg20 : memref<64x136xf32, #tpu.memory_space<vmem>>) target(%dma_start3A_140 : memref<10240x136xf32, #tpu.memory_space<vmem_shared>>) offsets(%arg10 : memref<64xi32, #tpu.memory_space<vmem>>) semaphore(%run_scoped3A : memref<!tpu.dma_semaphore, #tpu.memory_space<semaphore_mem>>) {add = true}
        %dma_wait3A_141 = arith.constant 0 : i32
        %dma_wait3A_142 = arith.constant 0 : i32
        %dma_wait3A_143 = tpu.memref_slice %arg22[%dma_wait3A_141, %dma_wait3A_142] : memref<10240x136xf32, #tpu.memory_space<vmem_shared>> -> memref<10240x136xf32, #tpu.memory_space<vmem_shared>>
        tpu.wait_indirect_dma semaphore(%run_scoped3A : memref<!tpu.dma_semaphore, #tpu.memory_space<semaphore_mem>>) src(%arg20 : memref<64x136xf32, #tpu.memory_space<vmem>>) dst(%dma_wait3A_143 : memref<10240x136xf32, #tpu.memory_space<vmem_shared>>)
        tpu.yield
      }) : () -> ()
    } else {
    }
    %barrier3A_93 = arith.constant 0 : index
    tpu.barrier barrier_id(%barrier3A_93)
    %mul3A_94 = arith.constant 640 : i32
    %mul3A_95 = arith.muli %arg1, %mul3A_94 : i32
    %add3A_96 = arith.constant 0 : i32
    %add3A_97 = arith.addi %mul3A_95, %add3A_96 : i32
    "tpu.region"() ({
      %run_scoped3A = tpu.sem_alloc : memref<!tpu.dma_semaphore, #tpu.memory_space<semaphore_mem>>
      %dma_start3A_114 = arith.constant 0 : i32
      %dma_start3A_115 = arith.constant 0 : i32
      %dma_start3A_116 = tpu.memref_slice %arg7[%arg0, %dma_start3A_114, %dma_start3A_115] : memref<2x10240x136xf32, #tpu.memory_space<hbm>> -> memref<1x10240x136xf32, #tpu.memory_space<hbm>>
      %dma_start3A_117 = tpu.memref_squeeze %dma_start3A_116 : memref<1x10240x136xf32, #tpu.memory_space<hbm>> -> memref<10240x136xf32, #tpu.memory_space<hbm>>
      %dma_start3A_118 = arith.constant 0 : i32
      %dma_start3A_119 = tpu.memref_slice %dma_start3A_117[%add3A_97, %dma_start3A_118] : memref<10240x136xf32, #tpu.memory_space<hbm>> -> memref<128x136xf32, #tpu.memory_space<hbm>>
      %dma_start3A_120 = arith.constant 0 : i32
      %dma_start3A_121 = tpu.memref_slice %arg22[%add3A_97, %dma_start3A_120] : memref<10240x136xf32, #tpu.memory_space<vmem_shared>> -> memref<128x136xf32, #tpu.memory_space<vmem_shared>>
      tpu.enqueue_dma source(%dma_start3A_121 : memref<128x136xf32, #tpu.memory_space<vmem_shared>>) target(%dma_start3A_119 : memref<128x136xf32, #tpu.memory_space<hbm>>) target_semaphore(%run_scoped3A : memref<!tpu.dma_semaphore, #tpu.memory_space<semaphore_mem>>)
      %dma_wait3A_122 = arith.constant 0 : i32
      %dma_wait3A_123 = arith.constant 0 : i32
      %dma_wait3A_124 = tpu.memref_slice %arg7[%arg0, %dma_wait3A_122, %dma_wait3A_123] : memref<2x10240x136xf32, #tpu.memory_space<hbm>> -> memref<1x10240x136xf32, #tpu.memory_space<hbm>>
      %dma_wait3A_125 = tpu.memref_squeeze %dma_wait3A_124 : memref<1x10240x136xf32, #tpu.memory_space<hbm>> -> memref<10240x136xf32, #tpu.memory_space<hbm>>
      %dma_wait3A_126 = arith.constant 0 : i32
      %dma_wait3A_127 = tpu.memref_slice %dma_wait3A_125[%add3A_97, %dma_wait3A_126] : memref<10240x136xf32, #tpu.memory_space<hbm>> -> memref<128x136xf32, #tpu.memory_space<hbm>>
      %dma_wait3A_128 = arith.constant 0 : i32
      %dma_wait3A_129 = tpu.memref_slice %arg22[%add3A_97, %dma_wait3A_128] : memref<10240x136xf32, #tpu.memory_space<vmem_shared>> -> memref<128x136xf32, #tpu.memory_space<vmem_shared>>
      tpu.wait_dma2 semaphore(%run_scoped3A : memref<!tpu.dma_semaphore, #tpu.memory_space<semaphore_mem>>) src(%dma_wait3A_129 : memref<128x136xf32, #tpu.memory_space<vmem_shared>>) dst(%dma_wait3A_127 : memref<128x136xf32, #tpu.memory_space<hbm>>)
      tpu.yield
    }) : () -> ()
    %mul3A_98 = arith.constant 640 : i32
    %mul3A_99 = arith.muli %arg1, %mul3A_98 : i32
    %add3A_100 = arith.constant 128 : i32
    %add3A_101 = arith.addi %mul3A_99, %add3A_100 : i32
    "tpu.region"() ({
      %run_scoped3A = tpu.sem_alloc : memref<!tpu.dma_semaphore, #tpu.memory_space<semaphore_mem>>
      %dma_start3A_114 = arith.constant 0 : i32
      %dma_start3A_115 = arith.constant 0 : i32
      %dma_start3A_116 = tpu.memref_slice %arg7[%arg0, %dma_start3A_114, %dma_start3A_115] : memref<2x10240x136xf32, #tpu.memory_space<hbm>> -> memref<1x10240x136xf32, #tpu.memory_space<hbm>>
      %dma_start3A_117 = tpu.memref_squeeze %dma_start3A_116 : memref<1x10240x136xf32, #tpu.memory_space<hbm>> -> memref<10240x136xf32, #tpu.memory_space<hbm>>
      %dma_start3A_118 = arith.constant 0 : i32
      %dma_start3A_119 = tpu.memref_slice %dma_start3A_117[%add3A_101, %dma_start3A_118] : memref<10240x136xf32, #tpu.memory_space<hbm>> -> memref<128x136xf32, #tpu.memory_space<hbm>>
      %dma_start3A_120 = arith.constant 0 : i32
      %dma_start3A_121 = tpu.memref_slice %arg22[%add3A_101, %dma_start3A_120] : memref<10240x136xf32, #tpu.memory_space<vmem_shared>> -> memref<128x136xf32, #tpu.memory_space<vmem_shared>>
      tpu.enqueue_dma source(%dma_start3A_121 : memref<128x136xf32, #tpu.memory_space<vmem_shared>>) target(%dma_start3A_119 : memref<128x136xf32, #tpu.memory_space<hbm>>) target_semaphore(%run_scoped3A : memref<!tpu.dma_semaphore, #tpu.memory_space<semaphore_mem>>)
      %dma_wait3A_122 = arith.constant 0 : i32
      %dma_wait3A_123 = arith.constant 0 : i32
      %dma_wait3A_124 = tpu.memref_slice %arg7[%arg0, %dma_wait3A_122, %dma_wait3A_123] : memref<2x10240x136xf32, #tpu.memory_space<hbm>> -> memref<1x10240x136xf32, #tpu.memory_space<hbm>>
      %dma_wait3A_125 = tpu.memref_squeeze %dma_wait3A_124 : memref<1x10240x136xf32, #tpu.memory_space<hbm>> -> memref<10240x136xf32, #tpu.memory_space<hbm>>
      %dma_wait3A_126 = arith.constant 0 : i32
      %dma_wait3A_127 = tpu.memref_slice %dma_wait3A_125[%add3A_101, %dma_wait3A_126] : memref<10240x136xf32, #tpu.memory_space<hbm>> -> memref<128x136xf32, #tpu.memory_space<hbm>>
      %dma_wait3A_128 = arith.constant 0 : i32
      %dma_wait3A_129 = tpu.memref_slice %arg22[%add3A_101, %dma_wait3A_128] : memref<10240x136xf32, #tpu.memory_space<vmem_shared>> -> memref<128x136xf32, #tpu.memory_space<vmem_shared>>
      tpu.wait_dma2 semaphore(%run_scoped3A : memref<!tpu.dma_semaphore, #tpu.memory_space<semaphore_mem>>) src(%dma_wait3A_129 : memref<128x136xf32, #tpu.memory_space<vmem_shared>>) dst(%dma_wait3A_127 : memref<128x136xf32, #tpu.memory_space<hbm>>)
      tpu.yield
    }) : () -> ()
    %mul3A_102 = arith.constant 640 : i32
    %mul3A_103 = arith.muli %arg1, %mul3A_102 : i32
    %add3A_104 = arith.constant 256 : i32
    %add3A_105 = arith.addi %mul3A_103, %add3A_104 : i32
    "tpu.region"() ({
      %run_scoped3A = tpu.sem_alloc : memref<!tpu.dma_semaphore, #tpu.memory_space<semaphore_mem>>
      %dma_start3A_114 = arith.constant 0 : i32
      %dma_start3A_115 = arith.constant 0 : i32
      %dma_start3A_116 = tpu.memref_slice %arg7[%arg0, %dma_start3A_114, %dma_start3A_115] : memref<2x10240x136xf32, #tpu.memory_space<hbm>> -> memref<1x10240x136xf32, #tpu.memory_space<hbm>>
      %dma_start3A_117 = tpu.memref_squeeze %dma_start3A_116 : memref<1x10240x136xf32, #tpu.memory_space<hbm>> -> memref<10240x136xf32, #tpu.memory_space<hbm>>
      %dma_start3A_118 = arith.constant 0 : i32
      %dma_start3A_119 = tpu.memref_slice %dma_start3A_117[%add3A_105, %dma_start3A_118] : memref<10240x136xf32, #tpu.memory_space<hbm>> -> memref<128x136xf32, #tpu.memory_space<hbm>>
      %dma_start3A_120 = arith.constant 0 : i32
      %dma_start3A_121 = tpu.memref_slice %arg22[%add3A_105, %dma_start3A_120] : memref<10240x136xf32, #tpu.memory_space<vmem_shared>> -> memref<128x136xf32, #tpu.memory_space<vmem_shared>>
      tpu.enqueue_dma source(%dma_start3A_121 : memref<128x136xf32, #tpu.memory_space<vmem_shared>>) target(%dma_start3A_119 : memref<128x136xf32, #tpu.memory_space<hbm>>) target_semaphore(%run_scoped3A : memref<!tpu.dma_semaphore, #tpu.memory_space<semaphore_mem>>)
      %dma_wait3A_122 = arith.constant 0 : i32
      %dma_wait3A_123 = arith.constant 0 : i32
      %dma_wait3A_124 = tpu.memref_slice %arg7[%arg0, %dma_wait3A_122, %dma_wait3A_123] : memref<2x10240x136xf32, #tpu.memory_space<hbm>> -> memref<1x10240x136xf32, #tpu.memory_space<hbm>>
      %dma_wait3A_125 = tpu.memref_squeeze %dma_wait3A_124 : memref<1x10240x136xf32, #tpu.memory_space<hbm>> -> memref<10240x136xf32, #tpu.memory_space<hbm>>
      %dma_wait3A_126 = arith.constant 0 : i32
      %dma_wait3A_127 = tpu.memref_slice %dma_wait3A_125[%add3A_105, %dma_wait3A_126] : memref<10240x136xf32, #tpu.memory_space<hbm>> -> memref<128x136xf32, #tpu.memory_space<hbm>>
      %dma_wait3A_128 = arith.constant 0 : i32
      %dma_wait3A_129 = tpu.memref_slice %arg22[%add3A_105, %dma_wait3A_128] : memref<10240x136xf32, #tpu.memory_space<vmem_shared>> -> memref<128x136xf32, #tpu.memory_space<vmem_shared>>
      tpu.wait_dma2 semaphore(%run_scoped3A : memref<!tpu.dma_semaphore, #tpu.memory_space<semaphore_mem>>) src(%dma_wait3A_129 : memref<128x136xf32, #tpu.memory_space<vmem_shared>>) dst(%dma_wait3A_127 : memref<128x136xf32, #tpu.memory_space<hbm>>)
      tpu.yield
    }) : () -> ()
    %mul3A_106 = arith.constant 640 : i32
    %mul3A_107 = arith.muli %arg1, %mul3A_106 : i32
    %add3A_108 = arith.constant 384 : i32
    %add3A_109 = arith.addi %mul3A_107, %add3A_108 : i32
    "tpu.region"() ({
      %run_scoped3A = tpu.sem_alloc : memref<!tpu.dma_semaphore, #tpu.memory_space<semaphore_mem>>
      %dma_start3A_114 = arith.constant 0 : i32
      %dma_start3A_115 = arith.constant 0 : i32
      %dma_start3A_116 = tpu.memref_slice %arg7[%arg0, %dma_start3A_114, %dma_start3A_115] : memref<2x10240x136xf32, #tpu.memory_space<hbm>> -> memref<1x10240x136xf32, #tpu.memory_space<hbm>>
      %dma_start3A_117 = tpu.memref_squeeze %dma_start3A_116 : memref<1x10240x136xf32, #tpu.memory_space<hbm>> -> memref<10240x136xf32, #tpu.memory_space<hbm>>
      %dma_start3A_118 = arith.constant 0 : i32
      %dma_start3A_119 = tpu.memref_slice %dma_start3A_117[%add3A_109, %dma_start3A_118] : memref<10240x136xf32, #tpu.memory_space<hbm>> -> memref<128x136xf32, #tpu.memory_space<hbm>>
      %dma_start3A_120 = arith.constant 0 : i32
      %dma_start3A_121 = tpu.memref_slice %arg22[%add3A_109, %dma_start3A_120] : memref<10240x136xf32, #tpu.memory_space<vmem_shared>> -> memref<128x136xf32, #tpu.memory_space<vmem_shared>>
      tpu.enqueue_dma source(%dma_start3A_121 : memref<128x136xf32, #tpu.memory_space<vmem_shared>>) target(%dma_start3A_119 : memref<128x136xf32, #tpu.memory_space<hbm>>) target_semaphore(%run_scoped3A : memref<!tpu.dma_semaphore, #tpu.memory_space<semaphore_mem>>)
      %dma_wait3A_122 = arith.constant 0 : i32
      %dma_wait3A_123 = arith.constant 0 : i32
      %dma_wait3A_124 = tpu.memref_slice %arg7[%arg0, %dma_wait3A_122, %dma_wait3A_123] : memref<2x10240x136xf32, #tpu.memory_space<hbm>> -> memref<1x10240x136xf32, #tpu.memory_space<hbm>>
      %dma_wait3A_125 = tpu.memref_squeeze %dma_wait3A_124 : memref<1x10240x136xf32, #tpu.memory_space<hbm>> -> memref<10240x136xf32, #tpu.memory_space<hbm>>
      %dma_wait3A_126 = arith.constant 0 : i32
      %dma_wait3A_127 = tpu.memref_slice %dma_wait3A_125[%add3A_109, %dma_wait3A_126] : memref<10240x136xf32, #tpu.memory_space<hbm>> -> memref<128x136xf32, #tpu.memory_space<hbm>>
      %dma_wait3A_128 = arith.constant 0 : i32
      %dma_wait3A_129 = tpu.memref_slice %arg22[%add3A_109, %dma_wait3A_128] : memref<10240x136xf32, #tpu.memory_space<vmem_shared>> -> memref<128x136xf32, #tpu.memory_space<vmem_shared>>
      tpu.wait_dma2 semaphore(%run_scoped3A : memref<!tpu.dma_semaphore, #tpu.memory_space<semaphore_mem>>) src(%dma_wait3A_129 : memref<128x136xf32, #tpu.memory_space<vmem_shared>>) dst(%dma_wait3A_127 : memref<128x136xf32, #tpu.memory_space<hbm>>)
      tpu.yield
    }) : () -> ()
    %mul3A_110 = arith.constant 640 : i32
    %mul3A_111 = arith.muli %arg1, %mul3A_110 : i32
    %add3A_112 = arith.constant 512 : i32
    %add3A_113 = arith.addi %mul3A_111, %add3A_112 : i32
    "tpu.region"() ({
      %run_scoped3A = tpu.sem_alloc : memref<!tpu.dma_semaphore, #tpu.memory_space<semaphore_mem>>
      %dma_start3A_114 = arith.constant 0 : i32
      %dma_start3A_115 = arith.constant 0 : i32
      %dma_start3A_116 = tpu.memref_slice %arg7[%arg0, %dma_start3A_114, %dma_start3A_115] : memref<2x10240x136xf32, #tpu.memory_space<hbm>> -> memref<1x10240x136xf32, #tpu.memory_space<hbm>>
      %dma_start3A_117 = tpu.memref_squeeze %dma_start3A_116 : memref<1x10240x136xf32, #tpu.memory_space<hbm>> -> memref<10240x136xf32, #tpu.memory_space<hbm>>
      %dma_start3A_118 = arith.constant 0 : i32
      %dma_start3A_119 = tpu.memref_slice %dma_start3A_117[%add3A_113, %dma_start3A_118] : memref<10240x136xf32, #tpu.memory_space<hbm>> -> memref<128x136xf32, #tpu.memory_space<hbm>>
      %dma_start3A_120 = arith.constant 0 : i32
      %dma_start3A_121 = tpu.memref_slice %arg22[%add3A_113, %dma_start3A_120] : memref<10240x136xf32, #tpu.memory_space<vmem_shared>> -> memref<128x136xf32, #tpu.memory_space<vmem_shared>>
      tpu.enqueue_dma source(%dma_start3A_121 : memref<128x136xf32, #tpu.memory_space<vmem_shared>>) target(%dma_start3A_119 : memref<128x136xf32, #tpu.memory_space<hbm>>) target_semaphore(%run_scoped3A : memref<!tpu.dma_semaphore, #tpu.memory_space<semaphore_mem>>)
      %dma_wait3A_122 = arith.constant 0 : i32
      %dma_wait3A_123 = arith.constant 0 : i32
      %dma_wait3A_124 = tpu.memref_slice %arg7[%arg0, %dma_wait3A_122, %dma_wait3A_123] : memref<2x10240x136xf32, #tpu.memory_space<hbm>> -> memref<1x10240x136xf32, #tpu.memory_space<hbm>>
      %dma_wait3A_125 = tpu.memref_squeeze %dma_wait3A_124 : memref<1x10240x136xf32, #tpu.memory_space<hbm>> -> memref<10240x136xf32, #tpu.memory_space<hbm>>
      %dma_wait3A_126 = arith.constant 0 : i32
      %dma_wait3A_127 = tpu.memref_slice %dma_wait3A_125[%add3A_113, %dma_wait3A_126] : memref<10240x136xf32, #tpu.memory_space<hbm>> -> memref<128x136xf32, #tpu.memory_space<hbm>>
      %dma_wait3A_128 = arith.constant 0 : i32
      %dma_wait3A_129 = tpu.memref_slice %arg22[%add3A_113, %dma_wait3A_128] : memref<10240x136xf32, #tpu.memory_space<vmem_shared>> -> memref<128x136xf32, #tpu.memory_space<vmem_shared>>
      tpu.wait_dma2 semaphore(%run_scoped3A : memref<!tpu.dma_semaphore, #tpu.memory_space<semaphore_mem>>) src(%dma_wait3A_129 : memref<128x136xf32, #tpu.memory_space<vmem_shared>>) dst(%dma_wait3A_127 : memref<128x136xf32, #tpu.memory_space<hbm>>)
      tpu.yield
    }) : () -> ()
    return
  }
}

module attributes {stable_mosaic.version = 14 : i64} {
  func.func @_pre_body(%arg0: i32, %arg1: memref<2000x128xf32, #tpu.memory_space<vmem>>, %arg2: memref<128x256xf32, #tpu.memory_space<vmem>>, %arg3: memref<128x32xf32, #tpu.memory_space<vmem>>, %arg4: memref<1x128xf32, #tpu.memory_space<vmem>>, %arg5: memref<2000x128xf32, #tpu.memory_space<vmem>>, %arg6: memref<2000x16xf32, #tpu.memory_space<vmem>>, %arg7: memref<2000x16xf32, #tpu.memory_space<vmem>>, %arg8: memref<2000x128xf32, #tpu.memory_space<vmem>>) attributes {dimension_semantics = [#tpu.dimension_semantics<arbitrary>], iteration_bounds = array<i64: 5>, scalar_prefetch = 0 : i64, scratch_operands = 0 : i64, tpu.core_type = #tpu.core_type<tc>, window_params = [{transform_indices = @transform_0, window_bounds = array<i64: 2000, 128>}, {pipeline_mode = #tpu.pipeline_mode<synchronous>, transform_indices = @transform_1, window_bounds = array<i64: 128, 256>}, {pipeline_mode = #tpu.pipeline_mode<synchronous>, transform_indices = @transform_2, window_bounds = array<i64: 128, 32>}, {pipeline_mode = #tpu.pipeline_mode<synchronous>, transform_indices = @transform_3, window_bounds = array<i64: 1, 128>}, {transform_indices = @transform_4, window_bounds = array<i64: 2000, 128>}, {transform_indices = @transform_5, window_bounds = array<i64: 2000, 16>}, {transform_indices = @transform_6, window_bounds = array<i64: 2000, 16>}, {transform_indices = @transform_7, window_bounds = array<i64: 2000, 128>}]} {
    %get3A = arith.constant 0 : index
    %get3A_0 = arith.constant 0 : index
    %get3A_1 = vector.load %arg1[%get3A, %get3A_0] : memref<2000x128xf32, #tpu.memory_space<vmem>>, vector<2000x128xf32>
    %get3A_2 = arith.constant 0 : index
    %get3A_3 = arith.constant 0 : index
    %get3A_4 = vector.load %arg2[%get3A_2, %get3A_3] : memref<128x256xf32, #tpu.memory_space<vmem>>, vector<128x256xf32>
    %dot_general3A = arith.constant dense<0.000000e+00> : vector<2000x256xf32>
    %dot_general3A_5 = tpu.matmul %get3A_1, %get3A_4, %dot_general3A {dimension_numbers = #tpu.dot_dimension_numbers<[1], [0], [0], [1], [0, 0, 1, 1], [], []>, transpose_lhs_hint = false} : vector<2000x128xf32>, vector<128x256xf32>, vector<2000x256xf32> -> vector<2000x256xf32>
    %slice3A = vector.extract_strided_slice %dot_general3A_5 {offsets = [0, 0], sizes = [2000, 128], strides = [1, 1]} : vector<2000x256xf32> to vector<2000x128xf32>
    %swap3A = arith.constant 0 : index
    %swap3A_6 = arith.constant 0 : index
    %swap3A_7 = vector.load %arg5[%swap3A, %swap3A_6] : memref<2000x128xf32, #tpu.memory_space<vmem>>, vector<2000x128xf32>
    tpu.vector_store %arg5[%swap3A, %swap3A_6], %slice3A {strides = array<i32>} : memref<2000x128xf32, #tpu.memory_space<vmem>>, vector<2000x128xf32>,
    %slice3A_8 = vector.extract_strided_slice %dot_general3A_5 {offsets = [0, 128], sizes = [2000, 128], strides = [1, 1]} : vector<2000x256xf32> to vector<2000x128xf32>
    %get3A_9 = arith.constant 0 : index
    %get3A_10 = arith.constant 0 : index
    %get3A_11 = vector.load %arg4[%get3A_9, %get3A_10] : memref<1x128xf32, #tpu.memory_space<vmem>>, vector<1x128xf32>
    %add3A = vector.broadcast %get3A_11 : vector<1x128xf32> to vector<2000x128xf32>
    %add3A_12 = arith.addf %slice3A_8, %add3A : vector<2000x128xf32>
    %swap3A_13 = arith.constant 0 : index
    %swap3A_14 = arith.constant 0 : index
    %swap3A_15 = vector.load %arg8[%swap3A_13, %swap3A_14] : memref<2000x128xf32, #tpu.memory_space<vmem>>, vector<2000x128xf32>
    tpu.vector_store %arg8[%swap3A_13, %swap3A_14], %add3A_12 {strides = array<i32>} : memref<2000x128xf32, #tpu.memory_space<vmem>>, vector<2000x128xf32>,
    %get3A_16 = arith.constant 0 : index
    %get3A_17 = arith.constant 0 : index
    %get3A_18 = vector.load %arg3[%get3A_16, %get3A_17] : memref<128x32xf32, #tpu.memory_space<vmem>>, vector<128x32xf32>
    %dot_general3A_19 = arith.constant dense<0.000000e+00> : vector<2000x32xf32>
    %dot_general3A_20 = tpu.matmul %slice3A, %get3A_18, %dot_general3A_19 {dimension_numbers = #tpu.dot_dimension_numbers<[1], [0], [0], [1], [0, 0, 1, 1], [], []>, transpose_lhs_hint = false} : vector<2000x128xf32>, vector<128x32xf32>, vector<2000x32xf32> -> vector<2000x32xf32>
    %slice3A_21 = vector.extract_strided_slice %dot_general3A_20 {offsets = [0, 0], sizes = [2000, 16], strides = [1, 1]} : vector<2000x32xf32> to vector<2000x16xf32>
    %swap3A_22 = arith.constant 0 : index
    %swap3A_23 = arith.constant 0 : index
    %swap3A_24 = vector.load %arg6[%swap3A_22, %swap3A_23] : memref<2000x16xf32, #tpu.memory_space<vmem>>, vector<2000x16xf32>
    tpu.vector_store %arg6[%swap3A_22, %swap3A_23], %slice3A_21 {strides = array<i32>} : memref<2000x16xf32, #tpu.memory_space<vmem>>, vector<2000x16xf32>,
    %slice3A_25 = vector.extract_strided_slice %dot_general3A_20 {offsets = [0, 16], sizes = [2000, 16], strides = [1, 1]} : vector<2000x32xf32> to vector<2000x16xf32>
    %swap3A_26 = arith.constant 0 : index
    %swap3A_27 = arith.constant 0 : index
    %swap3A_28 = vector.load %arg7[%swap3A_26, %swap3A_27] : memref<2000x16xf32, #tpu.memory_space<vmem>>, vector<2000x16xf32>
    tpu.vector_store %arg7[%swap3A_26, %swap3A_27], %slice3A_25 {strides = array<i32>} : memref<2000x16xf32, #tpu.memory_space<vmem>>, vector<2000x16xf32>,
    return
  }
  func.func @transform_0(%arg0: i32) -> (i32, i32) {
    %c0_i32 = arith.constant 0 : i32
    %c0_i32_0 = arith.constant 0 : i32
    return %arg0, %c0_i32 : i32, i32
  }
  func.func @transform_1(%arg0: i32) -> (i32, i32) {
    %c0_i32 = arith.constant 0 : i32
    %c0_i32_0 = arith.constant 0 : i32
    %c0_i32_1 = arith.constant 0 : i32
    return %c0_i32, %c0_i32_0 : i32, i32
  }
  func.func @transform_2(%arg0: i32) -> (i32, i32) {
    %c0_i32 = arith.constant 0 : i32
    %c0_i32_0 = arith.constant 0 : i32
    %c0_i32_1 = arith.constant 0 : i32
    return %c0_i32, %c0_i32_0 : i32, i32
  }
  func.func @transform_3(%arg0: i32) -> (i32, i32) {
    %c0_i32 = arith.constant 0 : i32
    %c0_i32_0 = arith.constant 0 : i32
    %c0_i32_1 = arith.constant 0 : i32
    return %c0_i32, %c0_i32_0 : i32, i32
  }
  func.func @transform_4(%arg0: i32) -> (i32, i32) {
    %c0_i32 = arith.constant 0 : i32
    %c0_i32_0 = arith.constant 0 : i32
    return %arg0, %c0_i32 : i32, i32
  }
  func.func @transform_5(%arg0: i32) -> (i32, i32) {
    %c0_i32 = arith.constant 0 : i32
    %c0_i32_0 = arith.constant 0 : i32
    return %arg0, %c0_i32 : i32, i32
  }
  func.func @transform_6(%arg0: i32) -> (i32, i32) {
    %c0_i32 = arith.constant 0 : i32
    %c0_i32_0 = arith.constant 0 : i32
    return %arg0, %c0_i32 : i32, i32
  }
  func.func @transform_7(%arg0: i32) -> (i32, i32) {
    %c0_i32 = arith.constant 0 : i32
    %c0_i32_0 = arith.constant 0 : i32
    return %arg0, %c0_i32 : i32, i32
  }
}

module attributes {stable_mosaic.version = 14 : i64} {
  func.func @_post_body(%arg0: i32, %arg1: memref<2000x136xf32, #tpu.memory_space<vmem>>, %arg2: memref<2000x136xf32, #tpu.memory_space<vmem>>, %arg3: memref<2000x128xf32, #tpu.memory_space<vmem>>, %arg4: memref<2000x16xf32, #tpu.memory_space<vmem>>, %arg5: memref<2000x16xf32, #tpu.memory_space<vmem>>, %arg6: memref<2000x128xf32, #tpu.memory_space<vmem>>, %arg7: memref<1x128xf32, #tpu.memory_space<vmem>>, %arg8: memref<2000x128xf32, #tpu.memory_space<vmem>>) attributes {dimension_semantics = [#tpu.dimension_semantics<arbitrary>], iteration_bounds = array<i64: 5>, scalar_prefetch = 0 : i64, scratch_operands = 0 : i64, tpu.core_type = #tpu.core_type<tc>, window_params = [{transform_indices = @transform_0, window_bounds = array<i64: 2000, 136>}, {transform_indices = @transform_1, window_bounds = array<i64: 2000, 136>}, {transform_indices = @transform_2, window_bounds = array<i64: 2000, 128>}, {transform_indices = @transform_3, window_bounds = array<i64: 2000, 16>}, {transform_indices = @transform_4, window_bounds = array<i64: 2000, 16>}, {transform_indices = @transform_5, window_bounds = array<i64: 2000, 128>}, {pipeline_mode = #tpu.pipeline_mode<synchronous>, transform_indices = @transform_6, window_bounds = array<i64: 1, 128>}, {transform_indices = @transform_7, window_bounds = array<i64: 2000, 128>}]} {
    %get3A = arith.constant 0 : index
    %get3A_0 = arith.constant 0 : index
    %get3A_1 = vector.load %arg1[%get3A, %get3A_0] : memref<2000x136xf32, #tpu.memory_space<vmem>>, vector<2000x136xf32>
    %get3A_2 = arith.constant 0 : index
    %get3A_3 = arith.constant 0 : index
    %get3A_4 = vector.load %arg2[%get3A_2, %get3A_3] : memref<2000x136xf32, #tpu.memory_space<vmem>>, vector<2000x136xf32>
    %add3A = arith.addf %get3A_1, %get3A_4 : vector<2000x136xf32>
    %get3A_5 = arith.constant 0 : index
    %get3A_6 = arith.constant 0 : index
    %get3A_7 = vector.load %arg4[%get3A_5, %get3A_6] : memref<2000x16xf32, #tpu.memory_space<vmem>>, vector<2000x16xf32>
    %slice3A = vector.extract_strided_slice %get3A_7 {offsets = [0, 8], sizes = [2000, 4], strides = [1, 1]} : vector<2000x16xf32> to vector<2000x4xf32>
    %get3A_8 = arith.constant 0 : index
    %get3A_9 = arith.constant 0 : index
    %get3A_10 = vector.load %arg5[%get3A_8, %get3A_9] : memref<2000x16xf32, #tpu.memory_space<vmem>>, vector<2000x16xf32>
    %slice3A_11 = vector.extract_strided_slice %get3A_10 {offsets = [0, 8], sizes = [2000, 4], strides = [1, 1]} : vector<2000x16xf32> to vector<2000x4xf32>
    %add3A_12 = arith.addf %slice3A, %slice3A_11 : vector<2000x4xf32>
    %lt3A = arith.constant 0.000000e+00 : f32
    %lt3A_13 = vector.broadcast %lt3A : f32 to vector<2000x4xf32>
    %lt3A_14 = arith.cmpf olt, %add3A_12, %lt3A_13 : vector<2000x4xf32>
    %mul3A = arith.constant 2.000000e-01 : f32
    %mul3A_15 = vector.broadcast %mul3A : f32 to vector<2000x4xf32>
    %mul3A_16 = arith.mulf %mul3A_15, %add3A_12 : vector<2000x4xf32>
    %select_n3A = arith.select %lt3A_14, %mul3A_16, %add3A_12 : vector<2000x4xi1>, vector<2000x4xf32>
    %exp3A = math.exp %select_n3A : vector<2000x4xf32>
    %slice3A_17 = vector.extract_strided_slice %add3A {offsets = [0, 128], sizes = [2000, 4], strides = [1, 1]} : vector<2000x136xf32> to vector<2000x4xf32>
    %add3A_18 = arith.addf %slice3A_17, %exp3A : vector<2000x4xf32>
    %slice3A_19 = vector.extract_strided_slice %exp3A {offsets = [0, 0], sizes = [2000, 1], strides = [1, 1]} : vector<2000x4xf32> to vector<2000x1xf32>
    %broadcast_in_dim3A = vector.shape_cast %slice3A_19 : vector<2000x1xf32> to vector<2000x1xf32>
    %broadcast_in_dim3A_20 = vector.broadcast %broadcast_in_dim3A : vector<2000x1xf32> to vector<2000x32xf32>
    %slice3A_21 = vector.extract_strided_slice %exp3A {offsets = [0, 1], sizes = [2000, 1], strides = [1, 1]} : vector<2000x4xf32> to vector<2000x1xf32>
    %broadcast_in_dim3A_22 = vector.shape_cast %slice3A_21 : vector<2000x1xf32> to vector<2000x1xf32>
    %broadcast_in_dim3A_23 = vector.broadcast %broadcast_in_dim3A_22 : vector<2000x1xf32> to vector<2000x32xf32>
    %slice3A_24 = vector.extract_strided_slice %exp3A {offsets = [0, 2], sizes = [2000, 1], strides = [1, 1]} : vector<2000x4xf32> to vector<2000x1xf32>
    %broadcast_in_dim3A_25 = vector.shape_cast %slice3A_24 : vector<2000x1xf32> to vector<2000x1xf32>
    %broadcast_in_dim3A_26 = vector.broadcast %broadcast_in_dim3A_25 : vector<2000x1xf32> to vector<2000x32xf32>
    %slice3A_27 = vector.extract_strided_slice %exp3A {offsets = [0, 3], sizes = [2000, 1], strides = [1, 1]} : vector<2000x4xf32> to vector<2000x1xf32>
    %broadcast_in_dim3A_28 = vector.shape_cast %slice3A_27 : vector<2000x1xf32> to vector<2000x1xf32>
    %broadcast_in_dim3A_29 = vector.broadcast %broadcast_in_dim3A_28 : vector<2000x1xf32> to vector<2000x32xf32>
    %concatenate3A = tpu.concatenate %broadcast_in_dim3A_20, %broadcast_in_dim3A_23, %broadcast_in_dim3A_26, %broadcast_in_dim3A_29 in 1 : vector<2000x32xf32>, vector<2000x32xf32>, vector<2000x32xf32>, vector<2000x32xf32> -> vector<2000x128xf32>
    %slice3A_30 = vector.extract_strided_slice %add3A_18 {offsets = [0, 0], sizes = [2000, 1], strides = [1, 1]} : vector<2000x4xf32> to vector<2000x1xf32>
    %broadcast_in_dim3A_31 = vector.shape_cast %slice3A_30 : vector<2000x1xf32> to vector<2000x1xf32>
    %broadcast_in_dim3A_32 = vector.broadcast %broadcast_in_dim3A_31 : vector<2000x1xf32> to vector<2000x32xf32>
    %slice3A_33 = vector.extract_strided_slice %add3A_18 {offsets = [0, 1], sizes = [2000, 1], strides = [1, 1]} : vector<2000x4xf32> to vector<2000x1xf32>
    %broadcast_in_dim3A_34 = vector.shape_cast %slice3A_33 : vector<2000x1xf32> to vector<2000x1xf32>
    %broadcast_in_dim3A_35 = vector.broadcast %broadcast_in_dim3A_34 : vector<2000x1xf32> to vector<2000x32xf32>
    %slice3A_36 = vector.extract_strided_slice %add3A_18 {offsets = [0, 2], sizes = [2000, 1], strides = [1, 1]} : vector<2000x4xf32> to vector<2000x1xf32>
    %broadcast_in_dim3A_37 = vector.shape_cast %slice3A_36 : vector<2000x1xf32> to vector<2000x1xf32>
    %broadcast_in_dim3A_38 = vector.broadcast %broadcast_in_dim3A_37 : vector<2000x1xf32> to vector<2000x32xf32>
    %slice3A_39 = vector.extract_strided_slice %add3A_18 {offsets = [0, 3], sizes = [2000, 1], strides = [1, 1]} : vector<2000x4xf32> to vector<2000x1xf32>
    %broadcast_in_dim3A_40 = vector.shape_cast %slice3A_39 : vector<2000x1xf32> to vector<2000x1xf32>
    %broadcast_in_dim3A_41 = vector.broadcast %broadcast_in_dim3A_40 : vector<2000x1xf32> to vector<2000x32xf32>
    %concatenate3A_42 = tpu.concatenate %broadcast_in_dim3A_32, %broadcast_in_dim3A_35, %broadcast_in_dim3A_38, %broadcast_in_dim3A_41 in 1 : vector<2000x32xf32>, vector<2000x32xf32>, vector<2000x32xf32>, vector<2000x32xf32> -> vector<2000x128xf32>
    %slice3A_43 = vector.extract_strided_slice %add3A {offsets = [0, 0], sizes = [2000, 128], strides = [1, 1]} : vector<2000x136xf32> to vector<2000x128xf32>
    %get3A_44 = arith.constant 0 : index
    %get3A_45 = arith.constant 0 : index
    %get3A_46 = vector.load %arg3[%get3A_44, %get3A_45] : memref<2000x128xf32, #tpu.memory_space<vmem>>, vector<2000x128xf32>
    %mul3A_47 = arith.mulf %concatenate3A, %get3A_46 : vector<2000x128xf32>
    %add3A_48 = arith.addf %slice3A_43, %mul3A_47 : vector<2000x128xf32>
    %add3A_49 = arith.constant 1.000000e-16 : f32
    %add3A_50 = vector.broadcast %add3A_49 : f32 to vector<2000x128xf32>
    %add3A_51 = arith.addf %concatenate3A_42, %add3A_50 : vector<2000x128xf32>
    %div3A = arith.divf %add3A_48, %add3A_51 : vector<2000x128xf32>
    %get3A_52 = arith.constant 0 : index
    %get3A_53 = arith.constant 0 : index
    %get3A_54 = vector.load %arg7[%get3A_52, %get3A_53] : memref<1x128xf32, #tpu.memory_space<vmem>>, vector<1x128xf32>
    %add3A_55 = vector.broadcast %get3A_54 : vector<1x128xf32> to vector<2000x128xf32>
    %add3A_56 = arith.addf %div3A, %add3A_55 : vector<2000x128xf32>
    %get3A_57 = arith.constant 0 : index
    %get3A_58 = arith.constant 0 : index
    %get3A_59 = vector.load %arg6[%get3A_57, %get3A_58] : memref<2000x128xf32, #tpu.memory_space<vmem>>, vector<2000x128xf32>
    %add3A_60 = arith.addf %add3A_56, %get3A_59 : vector<2000x128xf32>
    %gt3A = arith.constant 0.000000e+00 : f32
    %gt3A_61 = vector.broadcast %gt3A : f32 to vector<2000x128xf32>
    %gt3A_62 = arith.cmpf ogt, %add3A_60, %gt3A_61 : vector<2000x128xf32>
    %exp3A_63 = math.exp %add3A_60 : vector<2000x128xf32>
    %sub3A = arith.constant 1.000000e+00 : f32
    %sub3A_64 = vector.broadcast %sub3A : f32 to vector<2000x128xf32>
    %sub3A_65 = arith.subf %exp3A_63, %sub3A_64 : vector<2000x128xf32>
    %select_n3A_66 = arith.select %gt3A_62, %add3A_60, %sub3A_65 : vector<2000x128xi1>, vector<2000x128xf32>
    %swap3A = arith.constant 0 : index
    %swap3A_67 = arith.constant 0 : index
    %swap3A_68 = vector.load %arg8[%swap3A, %swap3A_67] : memref<2000x128xf32, #tpu.memory_space<vmem>>, vector<2000x128xf32>
    tpu.vector_store %arg8[%swap3A, %swap3A_67], %select_n3A_66 {strides = array<i32>} : memref<2000x128xf32, #tpu.memory_space<vmem>>, vector<2000x128xf32>,
    return
  }
  func.func @transform_0(%arg0: i32) -> (i32, i32) {
    %c0_i32 = arith.constant 0 : i32
    %c0_i32_0 = arith.constant 0 : i32
    return %arg0, %c0_i32 : i32, i32
  }
  func.func @transform_1(%arg0: i32) -> (i32, i32) {
    %c0_i32 = arith.constant 0 : i32
    %c0_i32_0 = arith.constant 0 : i32
    return %arg0, %c0_i32 : i32, i32
  }
  func.func @transform_2(%arg0: i32) -> (i32, i32) {
    %c0_i32 = arith.constant 0 : i32
    %c0_i32_0 = arith.constant 0 : i32
    return %arg0, %c0_i32 : i32, i32
  }
  func.func @transform_3(%arg0: i32) -> (i32, i32) {
    %c0_i32 = arith.constant 0 : i32
    %c0_i32_0 = arith.constant 0 : i32
    return %arg0, %c0_i32 : i32, i32
  }
  func.func @transform_4(%arg0: i32) -> (i32, i32) {
    %c0_i32 = arith.constant 0 : i32
    %c0_i32_0 = arith.constant 0 : i32
    return %arg0, %c0_i32 : i32, i32
  }
  func.func @transform_5(%arg0: i32) -> (i32, i32) {
    %c0_i32 = arith.constant 0 : i32
    %c0_i32_0 = arith.constant 0 : i32
    return %arg0, %c0_i32 : i32, i32
  }
  func.func @transform_6(%arg0: i32) -> (i32, i32) {
    %c0_i32 = arith.constant 0 : i32
    %c0_i32_0 = arith.constant 0 : i32
    %c0_i32_1 = arith.constant 0 : i32
    return %c0_i32, %c0_i32_0 : i32, i32
  }
  func.func @transform_7(%arg0: i32) -> (i32, i32) {
    %c0_i32 = arith.constant 0 : i32
    %c0_i32_0 = arith.constant 0 : i32
    return %arg0, %c0_i32 : i32, i32
  }
}

</mosaic_0001>

<sc_bundles>
// kernel: kernel.5.cloned.1.call-start
scs
__scs_entry_jumppad:
0x0: {  	(pc) =	sbr.rel $0x88, $3  }
0x1: {  	(tag) =	ssettag $0x0;
	lr =	simm.s32 $0x1  }
0x2: {  	[smem:$0x3F99] =	sst lr;
	_ =	strace $0xD0000000  }
0x3: {  	_ = 	snop  }
0x4: {  	_ = 	snop  }
0x5: {  	_ = 	snop  }
0x6: {  	_ = 	snop  }
0x7: {  	_ = 	snop  }
__scs_overlays_trampoline_lowered:
0x8: {  	[smem:$0x3FA8] =	sst s0  }
0x9: {  	[smem:$0x3FA9] =	sst s1  }
0xa: {  	[smem:$0x3FAA] =	sst s2  }
0xb: {  	[smem:$0x3FAB] =	sst s3  }
0xc: {  	[smem:$0x3FAC] =	sst s4  }
0xd: {  	[smem:$0x3FAD] =	sst s5  }
0xe: {  	[smem:$0x3FAE] =	sst s6  }
0xf: {  	[smem:$0x3FAF] =	sst s7  }
0x10: {  	[smem:$0x3FB0] =	sst s8  }
0x11: {  	[smem:$0x3FB1] =	sst s9;
	s0 =	simm.s32 @!p0 $0x0  }
0x12: {  	s1 =	sld [smem:$0x3F97];
	s0 =	simm.s32 @p0 $0x1  }
0x13: {  	[smem:$0x3FB2] =	sst s0;
	s0 =	simm.s32 @!p1 $0x0  }
0x14: {  	s2 =	sld [smem:$0x3F96];
	s0 =	simm.s32 @p1 $0x1  }
0x15: {  	[smem:$0x3FB3] =	sst s0;
	s0 =	simm.s32 @!p2 $0x0  }
0x16: {  	s3 =	sld [smem:$0x3FDB];
	s0 =	simm.s32 @p2 $0x1  }
0x17: {  	s4 =	simm.s32 $0x1BF5;
	[smem:$0x3FB5] =	sst s0  }
0x18: {  	s0 =	sld [smem:$0x3F98];
	_ =	swait.ge [sflag:s4], $0x0  }
0x19: {  	s7 =	sld [smem:$0x3F99]  }
0x1a: {  	s8 =	sadd.s32 $0xFFFFE003, lr  }
0x1b: {  	s9 =	sadd.s32 $0xFFFFFEF7, lr;
	s5 =	simm.s32 $0xFFFFFFFF;
	p2 =	slt.u32 s8, $0xFFFFF086  }
0x1c: {  	p1 =	slt.u32 s9, $0xF7A;
	s5 =	simm.s32 @!p2 $0x0  }
0x1d: {  	s5 =	simm.s32 @p1 $0x1;
	p0 =	seq.s32 s7, s2  }
0x1e: {  	s7 =	smul.u32 @!p0 $0xF7A, s2;
	p2 =	seq.s32 @!p0 s5, $0x0  }
0x1f: {  	s9 =	smul.u32 $0xF7A, s1;
	s8 =	simm.s32 @!p0 $0x1BF5;
	p2 =	por !p2, p0  }
0x20: {  	[sflag:s8] =	ssyncset.s32 @!p0 $0xFFFFF086;
	s6 =	sadd.s32 @!p0 s3, s7;
	s7 =	simm.s32 @!p0 $0x108  }
0x21: {  	s3 =	sadd.s32 s3, s9;
	s6 =	sadd.s32 @!p0 $0x88, s6;
	s7 =	simm.s32 @p2 $0x1082  }
0x22: {  	[simem:s7], [sflag:s8] =	dma.local @!p0 [hbm:s6], $0xF7A  }
0x23: {  	s9 =	sor.u32 $0xD0000000, s2;
	s6 =	simm.s32 $0x108;
	_ =	swait.ge @!p0 [sflag:s8], $0x0  }
0x24: {  	s3 =	sadd.s32 $0x88, s3;
	s6 =	simm.s32 @!p1 $0x1082;
	[sflag:s4] =	ssyncset.s32 $0xFFFFF086  }
0x25: {  	[simem:s6], [sflag:s4] =	dma.local [hbm:s3], $0xF7A  }
0x26: {  	[smem:$0x3F99] =	sst s1;
	(tag) =	ssettag s2;
	_ =	strace s9  }
0x27: {  	s1 =	sld [smem:$0x3FA9]  }
0x28: {  	s2 =	sld [smem:$0x3FAA]  }
0x29: {  	s4 =	sld [smem:$0x3FAC]  }
0x2a: {  	p0 =	seq.s32 s5, $0x0;
	s5 =	sld [smem:$0x3FAD]  }
0x2b: {  	s6 =	sld [smem:$0x3FAE]  }
0x2c: {  	s7 =	sld [smem:$0x3FAF]  }
0x2d: {  	s3 =	simm.s32 $0x108;
	s8 =	sld [smem:$0x3FB0]  }
0x2e: {  	s3 =	simm.s32 @!p0 $0x1082;
	s9 =	sld [smem:$0x3FB1]  }
0x2f: {  	lr =	sadd.s32 s0, s3;
	s0 =	sld [smem:$0x3FA8]  }
0x30: {  	s3 =	sld [smem:$0x3FAB]  }
0x31: {  	[smem:$0x3FB4] =	sst s10  }
0x32: {  	s10 =	sld [smem:$0x3FB2];
	_ =	sdelay $0x3  }
0x33: {  	p0 =	seq.s32 s10, $0x1;
	s10 =	sld [smem:$0x3FB4];
	_ =	sdelay $0x3  }
0x34: {  	[smem:$0x3FB4] =	sst s10  }
0x35: {  	s10 =	sld [smem:$0x3FB3];
	_ =	sdelay $0x3  }
0x36: {  	p1 =	seq.s32 s10, $0x1;
	s10 =	sld [smem:$0x3FB4];
	_ =	sdelay $0x3  }
0x37: {  	[smem:$0x3FB4] =	sst s10  }
0x38: {  	s10 =	sld [smem:$0x3FB5]  }
0x39: {  	_ = 	snop;
	(pc) =	sbr.ind lr, $3  }
0x3a: {  	_ = 	snop  }
0x3b: {  	_ = 	snop  }
0x3c: {  	p2 =	seq.s32 s10, $0x1;
	s10 =	sld [smem:$0x3FB4]  }
0x3d: {  	_ =	shalt  }
0x3e: {  	_ =	shalt  }
0x3f: {  	_ =	shalt  }
0x40: {  	_ =	shalt  }
0x41: {  	_ =	shalt  }
0x42: {  	_ =	shalt  }
0x43: {  	_ =	shalt  }
0x44: {  	_ =	shalt  }
0x45: {  	_ =	shalt  }
0x46: {  	_ =	shalt  }
0x47: {  	_ =	shalt  }
0x48: {  	_ =	shalt  }
0x49: {  	_ =	shalt  }
0x4a: {  	_ =	shalt  }
0x4b: {  	_ =	shalt  }
0x4c: {  	_ =	shalt  }
0x4d: {  	_ =	shalt  }
0x4e: {  	_ =	shalt  }
0x4f: {  	_ =	shalt  }
0x50: {  	_ =	shalt  }
0x51: {  	_ =	shalt  }
0x52: {  	_ =	shalt  }
0x53: {  	_ =	shalt  }
0x54: {  	_ =	shalt  }
0x55: {  	_ =	shalt  }
0x56: {  	_ =	shalt  }
0x57: {  	_ =	shalt  }
0x58: {  	_ =	shalt  }
0x59: {  	_ =	shalt  }
0x5a: {  	_ =	shalt  }
0x5b: {  	_ =	shalt  }
0x5c: {  	_ =	shalt  }
0x5d: {  	_ =	shalt  }
0x5e: {  	_ =	shalt  }
0x5f: {  	_ =	shalt  }
0x60: {  	_ =	shalt  }
0x61: {  	_ =	shalt  }
0x62: {  	_ =	shalt  }
0x63: {  	_ =	shalt  }
0x64: {  	_ =	shalt  }
0x65: {  	_ =	shalt  }
0x66: {  	_ =	shalt  }
0x67: {  	_ =	shalt  }
0x68: {  	_ =	shalt  }
0x69: {  	_ =	shalt  }
0x6a: {  	_ =	shalt  }
0x6b: {  	_ =	shalt  }
0x6c: {  	_ =	shalt  }
0x6d: {  	_ =	shalt  }
0x6e: {  	_ =	shalt  }
0x6f: {  	_ =	shalt  }
0x70: {  	_ =	shalt  }
0x71: {  	_ =	shalt  }
0x72: {  	_ =	shalt  }
0x73: {  	_ =	shalt  }
0x74: {  	_ =	shalt  }
0x75: {  	_ =	shalt  }
0x76: {  	_ =	shalt  }
0x77: {  	_ =	shalt  }
0x78: {  	_ =	shalt  }
0x79: {  	_ =	shalt  }
0x7a: {  	_ =	shalt  }
0x7b: {  	_ =	shalt  }
0x7c: {  	_ =	shalt  }
0x7d: {  	_ =	shalt  }
0x7e: {  	_ =	shalt  }
0x7f: {  	_ =	shalt  }
0x80: {  	_ =	shalt  }
0x81: {  	_ =	shalt  }
0x82: {  	_ =	shalt  }
0x83: {  	_ =	shalt  }
0x84: {  	_ =	shalt  }
0x85: {  	_ =	shalt  }
0x86: {  	_ =	shalt  }
0x87: {  	_ =	shalt  }
.Lfunc_end0:
.L_simem_size_0:
called_computation_lowered:
.L_overlay_start_0:
0x88: {  	s2 =	sld [smem:$0x3FD9]  }
0x89: {  	s3 =	sld [smem:$0x3FFE];
	_ =	sdelay $0x1  }
0x8a: {  	s1 =	srdreg.scid  }
0x8b: {  	s0 =	sand.u32 $0x1, s1  }
0x8c: {  	s17 =	sshll.u32 s0, $0xA;
	s2 =	sadd.s32 s3, s2  }
0x8d: {  	s2 =	sadd.s32 s2, s17  }
0x8e: {  	[smem:$0x3FC0] =	sst s2  }
0x8f: {  	_ = 	snop  }
0x90: {  	s2 =	sld [smem:$0x3FD0];
	(tm) =	ssettm $0x1  }
0x91: {  	s18 =	sld [smem:$0x3FFB];
	_ =	sdelay $0x3  }
0x92: {  	_ =	strace s18  }
0x93: {  	s3 =	sld [smem:$0x3FFC];
	_ =	sdelay $0x3  }
0x94: {  	_ =	strace s3  }
0x95: {  	s3 =	sld [smem:$0x3FFD];
	_ =	sdelay $0x3  }
0x96: {  	_ =	strace s3  }
0x97: {  	_ =	strace $0x8FFFFFFF  }
0x98: {  	s19 =	sld [smem:$0x3FDB];
	_ =	sdelay $0x1  }
0x99: {  	s4 =	simm.s32 $_scs_section_size  }
0x9a: {  	s5 =	simm.s32 $_size__tile_overlayer_lowered;
	s6 =	simm.s32 $_tile_overlayer_lowered  }
0x9b: {  	s22 =	simm.s32 $0x1BFF;
	s21 =	sshll.u32 s6, $0x1;
	s3 =	sadd.s32 s4, s19  }
0x9c: {  	s7 =	simm.s32 $0x0;
	s20 =	sshll.u32 s5, $0x1;
	s5 =	sadd.s32 s21, s3  }
0x9d: {  	[timem:s7], [sflag:s22] =	dma.local [hbm:s5], s20  }
0x9e: {  	_ =	swait.ge [sflag:s22], s20  }
0x9f: {  	s4 =	ssub.s32 $0x0, s20;
	[sflag:s22] =	ssyncset.done $0x0  }
0xa0: {  	[sflag:s22] =	ssyncadd.s32 s4;
	_ =	sdelay $0x1  }
0xa1: {  	s23 =	simm.s32 $0x1B8B  }
0xa2: {  	_ =	swait.ge [sflag:s23], $0x1  }
0xa3: {  	[sflag:s23] =	ssyncset.done $0x0  }
0xa4: {  	s25 =	simm.s32 $0x1B8E;
	s24 =	sld [smem:$0x3FFE];
	[sflag:s23] =	ssyncadd.s32 $0xFFFFFFFF  }
0xa5: {  	s26 =	simm.s32 $execute0_lowered;
	[smem:$0x3FD2] =	sst s25  }
0xa6: {  	s5 =	sshll.u32 s26, $0x1;
	_ =	strace $0x80000046;
	[dreg:$0x1] =	wrdreg $0xFFFFFFFF  }
0xa7: {  	s28 =	simm.s32 $_size_execute0_lowered;
	s3 =	sadd.s32 s3, s5;
	[dreg:$0x0] =	wrdreg $0x0  }
0xa8: {  	s5 =	sshll.u32 s28, $0x1;
	[dreg:$0x2] =	wrdreg s3  }
0xa9: {  	[dreg:$0x3] =	wrdreg s5  }
0xaa: {  	[dreg:$0x4] =	wrdreg $0xC0  }
0xab: {  	_ =	task [dreg:s7], $0x5FFFF  }
0xac: {  	[dreg:$0x1] =	wrdreg $0xFFFFFFFF  }
0xad: {  	[dreg:$0x0] =	wrdreg $0x60  }
0xae: {  	[dreg:$0x2] =	wrdreg s2  }
0xaf: {  	[dreg:$0x3] =	wrdreg s24  }
0xb0: {  	[dreg:$0x4] =	wrdreg $0x95800  }
0xb1: {  	[dreg:$0x5] =	wrdreg $0x9  }
0xb2: {  	_ =	task.clear_ibuf [dreg:s7], $0x6FFFF;
	_ =	strace $0x90000046  }
0xb3: {  	s29 =	simm.s32 $0x9;
	_ =	strace $0x80000048  }
0xb4: {  	_ =	swait.ge [sflag:s29], $0x1  }
0xb5: {  	[sflag:s29] =	ssyncadd.s32 $0xFFFFFFFF  }
0xb6: {  	_ =	strace $0x90000048  }
0xb7: {  	_ =	sfence  }
0xb8: {  	s30 =	sld [smem:$0x0];
	_ =	sdelay $0x2  }
0xb9: {  	s31 =	sshll.u32 s1, $0xD;
	s1 =	sshrl.u32 s1, $0x2  }
0xba: {  	s3 =	sand.u32 $0x4000, s31;
	s1 =	sadd.s32 s1, s30  }
0xbb: {  	s0 =	sor.u32 s3, s0;
	s1 =	sshll.u32 s1, $0x11  }
0xbc: {  	s0 =	sor.u32 s1, s0  }
0xbd: {  	s0 =	sadd.s32 $0x8F2B, s0  }
0xbe: {  	[sflag:s0] =	ssyncadd.remote.s32 $0x1  }
0xbf: {  	_ =	sfence.sel $0xFFFF  }
0xc0: {  	[dreg:$0x0] =	wrdreg $0xFFFFFFFF;
	(pc) =	sbr.abs _section_cstart, $3  }
0xc1: {  	[dreg:$0x1] =	wrdreg $0xFFFFFFFF  }
0xc2: {  	_ =	task.clear_ibuf [dreg:s7], $0x2FFFF;
	_ =	strace $0x9FFFFFFF  }
0xc3: {  	(tm) =	ssettm $0x7FFFFFFF  }
tec
execute0_lowered:
.L_overlay_start_1:
0x0: {  	(tag) =	ssettag $0x1  }
0x1: {  	s1 =	rddreg [dreg:$0x0]  }
0x2: {  	s0 =	rddreg [dreg:$0x1]  }
0x3: {  	s2 =	rddreg [dreg:$0x2];
	s3 =	simm.s32 $0x0;
	s23 =	srdreg.scid  }
0x4: {  	s16 =	stileid.u32;
	[smem:$0x7FF] =	sst s3  }
0x5: {  	s5 =	sadd.s32 $0x15000, s0;
	s6 =	sadd.s32 $0x1A000, s0;
	s7 =	sadd.s32 $0xB200, s0  }
0x6: {  	s3 =	sand.u32 $0x1, s23;
	s4 =	smul.u32 $0x55000, s16;
	s8 =	sadd.s32 $0x1400, s0  }
0x7: {  	s12 =	smul.u32 $0x15400, s16;
	s15 =	sshll.u32 s16, $0x4;
	p0 =	sgt.u32 s16, $0x3  }
0x8: {  	_ =	strace $0x80000047;
	s9 =	smul.u32 $0x2A800, s3;
	s10 =	ssub.s32 $0x2, s3  }
0x9: {  	s3 =	sshll.u32 s3, $0x3;
	s11 =	sshrl.u32 s10, $0x1;
	s4 =	sshrl.u32 s4, $0x2  }
0xa: {  	s17 =	sadd.s32 s12, s2;
	s25 =	sadd.s32 $0x4400, s12;
	s28 =	sadd.s32 $0x8800, s12  }
0xb: {  	s31 =	sadd.s32 $0xCC00, s12;
	s14 =	sadd.s32 $0x11000, s12;
	s3 =	sor.u32 s3, s15  }
0xc: {  	s0 =	sadd.s32 s9, s0;
	s9 =	ssub.s32 s10, s11;
	s18 =	sadd.s32 s25, s2  }
0xd: {  	s10 =	sshrl.u32 s25, $0x3;
	s25 =	sadd.s32 s7, s3;
	[dreg:$0x4] =	wrdreg s17  }
0xe: {  	s12 =	sshrl.u32 s12, $0x3;
	s4 =	sadd.s32 s4, s2;
	[dreg:$0x15] =	wrdreg s25  }
0xf: {  	s19 =	sadd.s32 s28, s2;
	s23 =	sadd.s32 s31, s2;
	[dreg:$0x6] =	wrdreg s18  }
0x10: {  	s15 =	sadd.s32 s14, s2;
	s11 =	sshrl.u32 s28, $0x3;
	[dreg:$0x8] =	wrdreg s19  }
0x11: {  	s14 =	sshrl.u32 s14, $0x3;
	s21 =	sor.u32 $0x100, s3;
	[dreg:$0xa] =	wrdreg s23  }
0x12: {  	s29 =	sor.u32 $0x200, s3;
	s24 =	sadd.s32 $0x2200, s4;
	[dreg:$0xb] =	wrdreg s15  }
0x13: {  	s30 =	sor.u32 $0x300, s3;
	s26 =	sadd.s32 $0x6600, s4;
	[dreg:$0x5] =	wrdreg s24  }
0x14: {  	s28 =	sor.u32 $0x9C00, s3;
	s13 =	sadd.s32 $0xAA00, s4;
	[dreg:$0x7] =	wrdreg s26  }
0x15: {  	s0 =	sadd.s32 $0x1F000, s0;
	s22 =	sadd.s32 $0xEE00, s4;
	[dreg:$0x9] =	wrdreg s13  }
0x16: {  	s4 =	sadd.s32 $0x13200, s4;
	s25 =	simm.s32 $0x7380;
	[dreg:$0x11] =	wrdreg s22  }
0x17: {  	s13 =	sshrl.u32 s31, $0x3;
	s12 =	sadd.s32 s12, s0;
	[dreg:$0x12] =	wrdreg s4  }
0x18: {  	s10 =	sadd.s32 s10, s0;
	s24 =	sadd.s32 s7, s21;
	[dreg:$0xc] =	wrdreg s12  }
0x19: {  	s26 =	sadd.s32 s8, s3;
	s3 =	sadd.s32 s7, s28;
	[dreg:$0xd] =	wrdreg s10  }
0x1a: {  	s31 =	smax.u32 s9, $0x1;
	s4 =	simm.s32 $0x6;
	[dreg:$0x13] =	wrdreg s24  }
0x1b: {  	s22 =	simm.s32 $0x4;
	s12 =	sadd.s32 s11, s0;
	[dreg:$0x16] =	wrdreg s26  }
0x1c: {  	s20 =	sadd.s32 s13, s0;
	s0 =	sadd.s32 s14, s0;
	[dreg:$0x17] =	wrdreg s3  }
0x1d: {  	[dreg:$0x19] =	wrdreg s31;
	s10 =	simm.s32 $0x40;
	s14 =	simm.s32 $0x1  }
.Ltmp0:
0x1e: {  	s24 =	simm.s32 $0x140;
	[dreg:$0xe] =	wrdreg s12;
	(pc) =	sbr.rel .LBB2_1-.Ltmp0, $4  }
0x1f: {  	s26 =	simm.s32 $0x5;
	s13 =	simm.s32 $0x0;
	[dreg:$0xf] =	wrdreg s20  }
0x20: {  	[dreg:$0x10] =	wrdreg s0;
	s0 =	sadd.s32 s8, s21;
	s12 =	simm.s32 $0xC0  }
0x21: {  	s20 =	simm.s32 $0x2;
	[dreg:$0x14] =	wrdreg s0;
	s0 =	sadd.s32 s8, s28  }
0x22: {  	v0 =	vimm.f32 $0.0e+00;
	vm0 =	vcmask $0x1F30;
	s21 =	simm.s32 $0x3;
	[dreg:$0x18] =	wrdreg s0;
	s0 =	simm.s32 $0x5180  }
.LBB2_13:
0x23: {  	s3 =	stileid.u32;
	[bflag:$0x0] =	sbarrier.arrive $0xFFFF  }
0x24: {  	s3 =	sshll.u32 s3, $0x6;
	s17 =	rddreg [dreg:$0x4]  }
0x25: {  	s11 =	rddreg [dreg:$0xc];
	s3 =	sor.u32 $0x1C06, s3;
	s9 =	sshrl.u32 s17, $0x3  }
0x26: {  	[hbm:s11], [sflag:s3] =	dma.local [spmem:s9], $0x880  }
0x27: {  	_ =	swait.ge [sflag:s4], $0x880  }
0x28: {  	[sflag:s4] =	ssyncset.done $0x0;
	s18 =	rddreg [dreg:$0x6]  }
0x29: {  	s23 =	rddreg [dreg:$0xd];
	[sflag:s4] =	ssyncadd.s32 $0xFFFFF780;
	s19 =	sshrl.u32 s18, $0x3  }
0x2a: {  	[hbm:s23], [sflag:s3] =	dma.local [spmem:s19], $0x880  }
0x2b: {  	_ =	swait.ge [sflag:s4], $0x880  }
0x2c: {  	[sflag:s4] =	ssyncset.done $0x0;
	s19 =	rddreg [dreg:$0x8]  }
0x2d: {  	s31 =	rddreg [dreg:$0xe];
	[sflag:s4] =	ssyncadd.s32 $0xFFFFF780;
	s28 =	sshrl.u32 s19, $0x3  }
0x2e: {  	[hbm:s31], [sflag:s3] =	dma.local [spmem:s28], $0x880  }
0x2f: {  	_ =	swait.ge [sflag:s4], $0x880  }
0x30: {  	[sflag:s4] =	ssyncset.done $0x0;
	s23 =	rddreg [dreg:$0xa]  }
0x31: {  	s15 =	rddreg [dreg:$0xf];
	[sflag:s4] =	ssyncadd.s32 $0xFFFFF780;
	s11 =	sshrl.u32 s23, $0x3  }
0x32: {  	[hbm:s15], [sflag:s3] =	dma.local [spmem:s11], $0x880  }
0x33: {  	_ =	swait.ge [sflag:s4], $0x880  }
0x34: {  	[sflag:s4] =	ssyncset.done $0x0;
	s15 =	rddreg [dreg:$0xb]  }
0x35: {  	s28 =	rddreg [dreg:$0x10];
	[sflag:s4] =	ssyncadd.s32 $0xFFFFF780;
	s16 =	sshrl.u32 s15, $0x3  }
0x36: {  	[hbm:s28], [sflag:s3] =	dma.local [spmem:s16], $0x880  }
0x37: {  	_ =	swait.ge [sflag:s4], $0x880  }
0x38: {  	s13 =	sadd.s32 $0x1, s13;
	s31 =	rddreg [dreg:$0x19]  }
0x39: {  	p1 =	sne.s32 s13, s31  }
.Ltmp1:
0x3a: {  	_ = 	snop;
	(pc) =	sbr.rel @!p1 .LBB2_14-.Ltmp1, $3  }
0x3b: {  	_ =	sdelay $0x1  }
0x3c: {  	[sflag:s4] =	ssyncset.done $0x0  }
0x3d: {  	[sflag:s4] =	ssyncadd.s32 $0xFFFFF780  }
.LBB2_1:
0x3e: {  	s3 =	simm.s32 $0x0  }
0x3f: {  	[tilespmem:s3+$0x51F0] =	vst v0  }
0x40: {  	[tilespmem:s3+$0x73F0] =	vst v0  }
0x41: {  	[dreg:$0x1a] =	wrdreg s13;
	s9 =	simm.s32 $0x220;
	[tilespmem:s3+$0x51F8] =	vst v0  }
.LBB2_2:
0x42: {  	p1 =	sne.s32 s9, $0x85E0;
	[tilespmem:s3+$0x73F8] =	vst v0  }
0x43: {  	[tilespmem:s3+$0x5180] =	vst v0  }
0x44: {  	[tilespmem:s3+$0x7380] =	vst v0  }
0x45: {  	[tilespmem:s3+$0x5190] =	vst v0  }
0x46: {  	[tilespmem:s3+$0x7390] =	vst v0  }
0x47: {  	[tilespmem:s3+$0x51A0] =	vst v0  }
0x48: {  	[tilespmem:s3+$0x73A0] =	vst v0  }
0x49: {  	[tilespmem:s3+$0x51B0] =	vst v0  }
0x4a: {  	[tilespmem:s3+$0x73B0] =	vst v0  }
0x4b: {  	[tilespmem:s3+$0x51C0] =	vst v0  }
0x4c: {  	[tilespmem:s3+$0x73C0] =	vst v0  }
0x4d: {  	[tilespmem:s3+$0x51D0] =	vst v0  }
0x4e: {  	[tilespmem:s3+$0x73D0] =	vst v0  }
.Ltmp2:
0x4f: {  	[tilespmem:s3+$0x51E0] =	vst v0;
	(pc) =	sbr.rel @p1 .LBB2_2-.Ltmp2, $4  }
0x50: {  	[tilespmem:s3+$0x73E0] =	vst v0;
	s3 =	sshra.s32 s9, $0x2  }
0x51: {  	[tilespmem:s3+$0x51F0] =	vst v0  }
0x52: {  	[tilespmem:s3+$0x51F8] =	vst v0  }
0x53: {  	s9 =	sadd.s32 $0x220, s9;
	[tilespmem:s3+$0x73F0] =	vst v0  }
0x54: {  	[tilespmem:s3+$0x73F8] =	vst v0  }
0x55: {  	[tilespmem:s3+$0x5180] =	vst v0  }
0x56: {  	[tilespmem:s3+$0x7380] =	vst v0  }
0x57: {  	[tilespmem:s3+$0x5190] =	vst v0  }
0x58: {  	[tilespmem:s3+$0x7390] =	vst v0  }
0x59: {  	[tilespmem:s3+$0x51A0] =	vst v0  }
0x5a: {  	[tilespmem:s3+$0x73A0] =	vst v0  }
0x5b: {  	[tilespmem:s3+$0x51B0] =	vst v0  }
0x5c: {  	[tilespmem:s3+$0x73B0] =	vst v0  }
0x5d: {  	[tilespmem:s3+$0x51C0] =	vst v0  }
0x5e: {  	[tilespmem:s3+$0x73C0] =	vst v0  }
0x5f: {  	[tilespmem:s3+$0x51D0] =	vst v0  }
0x60: {  	[tilespmem:s3+$0x73D0] =	vst v0  }
0x61: {  	[tilespmem:s3+$0x51E0] =	vst v0  }
0x62: {  	[tilespmem:s3+$0x73E0] =	vst v0  }
0x63: {  	[spmem:s17] =	stream.linear.scatter [tilespmem:s0], [sflag:$0x6], $0x2200, $0x38;
	[tilespmem:$0x1E980] =	vst v63  }
0x64: {  	_ =	swait.ge [sflag:s4], $0x2200  }
0x65: {  	[sflag:s4] =	ssyncset.done $0x0  }
0x66: {  	s17 =	rddreg [dreg:$0x5];
	[sflag:s4] =	ssyncadd.s32 $0xFFFFDE00  }
0x67: {  	[spmem:s17] =	stream.linear.scatter [tilespmem:s0], [sflag:$0x6], $0x2200, $0x38;
	[tilespmem:$0x1E980] =	vst v63  }
0x68: {  	_ =	swait.ge [sflag:s4], $0x2200  }
0x69: {  	[sflag:s4] =	ssyncset.done $0x0  }
0x6a: {  	[sflag:s4] =	ssyncadd.s32 $0xFFFFDE00  }
0x6b: {  	[spmem:s18] =	stream.linear.scatter [tilespmem:s0], [sflag:$0x6], $0x2200, $0x38;
	[tilespmem:$0x1E980] =	vst v63  }
0x6c: {  	_ =	swait.ge [sflag:s4], $0x2200  }
0x6d: {  	[sflag:s4] =	ssyncset.done $0x0  }
0x6e: {  	s28 =	rddreg [dreg:$0x7];
	[sflag:s4] =	ssyncadd.s32 $0xFFFFDE00  }
0x6f: {  	[spmem:s28] =	stream.linear.scatter [tilespmem:s0], [sflag:$0x6], $0x2200, $0x38;
	[tilespmem:$0x1E980] =	vst v63  }
0x70: {  	_ =	swait.ge [sflag:s4], $0x2200  }
0x71: {  	[sflag:s4] =	ssyncset.done $0x0  }
0x72: {  	[sflag:s4] =	ssyncadd.s32 $0xFFFFDE00  }
0x73: {  	[spmem:s19] =	stream.linear.scatter [tilespmem:s0], [sflag:$0x6], $0x2200, $0x38;
	[tilespmem:$0x1E980] =	vst v63  }
0x74: {  	_ =	swait.ge [sflag:s4], $0x2200  }
0x75: {  	[sflag:s4] =	ssyncset.done $0x0  }
0x76: {  	s9 =	rddreg [dreg:$0x9];
	[sflag:s4] =	ssyncadd.s32 $0xFFFFDE00  }
0x77: {  	[spmem:s9] =	stream.linear.scatter [tilespmem:s0], [sflag:$0x6], $0x2200, $0x38;
	[tilespmem:$0x1E980] =	vst v63  }
0x78: {  	_ =	swait.ge [sflag:s4], $0x2200  }
0x79: {  	[sflag:s4] =	ssyncset.done $0x0  }
0x7a: {  	[sflag:s4] =	ssyncadd.s32 $0xFFFFDE00  }
0x7b: {  	[spmem:s23] =	stream.linear.scatter [tilespmem:s0], [sflag:$0x6], $0x2200, $0x38;
	[tilespmem:$0x1E980] =	vst v63  }
0x7c: {  	_ =	swait.ge [sflag:s4], $0x2200  }
0x7d: {  	[sflag:s4] =	ssyncset.done $0x0  }
0x7e: {  	s11 =	rddreg [dreg:$0x11];
	[sflag:s4] =	ssyncadd.s32 $0xFFFFDE00  }
0x7f: {  	[spmem:s11] =	stream.linear.scatter [tilespmem:s0], [sflag:$0x6], $0x2200, $0x38;
	[tilespmem:$0x1E980] =	vst v63  }
0x80: {  	_ =	swait.ge [sflag:s4], $0x2200  }
0x81: {  	[sflag:s4] =	ssyncset.done $0x0  }
0x82: {  	[sflag:s4] =	ssyncadd.s32 $0xFFFFDE00  }
0x83: {  	[spmem:s15] =	stream.linear.scatter [tilespmem:s0], [sflag:$0x6], $0x2200, $0x38;
	[tilespmem:$0x1E980] =	vst v63  }
0x84: {  	_ =	swait.ge [sflag:s4], $0x2200  }
0x85: {  	[sflag:s4] =	ssyncset.done $0x0  }
0x86: {  	s13 =	rddreg [dreg:$0x12];
	[sflag:s4] =	ssyncadd.s32 $0xFFFFDE00  }
0x87: {  	[spmem:s13] =	stream.linear.scatter [tilespmem:s0], [sflag:$0x6], $0x2200, $0x38;
	[tilespmem:$0x1E980] =	vst v63  }
0x88: {  	_ =	swait.ge [sflag:s4], $0x2200  }
0x89: {  	[sflag:s4] =	ssyncset.done $0x0  }
0x8a: {  	[sflag:s4] =	ssyncadd.s32 $0xFFFFDE00  }
0x8b: {  	[bflag:$0x0] =	sbarrier.arrive $0xFFFF  }
0x8c: {  	s31 =	simm.s32 $0x0;
	s15 =	rddreg [dreg:$0x15]  }
0x8d: {  	[tilespmem:s31], [sflag:$0x6] =	stream.linear.gather [hbm4b:s15+s31], $0x40, $0x38;
	[tilespmem:$0x1E980] =	vst v63  }
0x8e: {  	_ =	swait.ge [sflag:s4], $0x40  }
0x8f: {  	[sflag:s4] =	ssyncset.done $0x0  }
0x90: {  	s9 =	simm.s32 $0x80;
	s16 =	rddreg [dreg:$0x16];
	[sflag:s4] =	ssyncadd.s32 $0xFFFFFFC0  }
0x91: {  	[tilespmem:s9], [sflag:$0x6] =	stream.linear.gather [hbm4b:s16+s31], $0x40, $0x38;
	[tilespmem:$0x1E980] =	vst v63  }
0x92: {  	_ =	swait.ge [sflag:s4], $0x40  }
0x93: {  	[sflag:s4] =	ssyncset.done $0x0  }
0x94: {  	s17 =	simm.s32 $0x180;
	[sflag:s4] =	ssyncadd.s32 $0xFFFFFFC0  }
0x95: {  	[tilespmem:s17], [sflag:$0x2] =	stream.indirect.gather [hbm4b:s1+s10], $0x80, s31, s10, $0xb8;
	[tilespmem:$0x1E980] =	vst v63  }
0x96: {  	s18 =	simm.s32 $0x4180  }
0x97: {  	[tilespmem:s18], [sflag:$0x3] =	stream.indirect.gather [hbm4b:s5+s10], $0x10, s31, s10, $0xb8;
	[tilespmem:$0x1E980] =	vst v63  }
0x98: {  	s19 =	simm.s32 $0x4980  }
0x99: {  	[tilespmem:s19], [sflag:$0x4] =	stream.indirect.gather [hbm4b:s6+s10], $0x10, s9, s10, $0xb8;
	[tilespmem:$0x1E980] =	vst v63  }
0x9a: {  	s23 =	rddreg [dreg:$0x13]  }
0x9b: {  	[tilespmem:s10], [sflag:$0x1] =	stream.linear.gather [hbm4b:s23+s31], $0x40, $0x38;
	[tilespmem:$0x1E980] =	vst v63  }
0x9c: {  	s28 =	rddreg [dreg:$0x14]  }
0x9d: {  	[tilespmem:s12], [sflag:$0x1] =	stream.linear.gather [hbm4b:s28+s31], $0x40, $0x38;
	[tilespmem:$0x1E980] =	vst v63  }
.LBB2_4:
0x9e: {  	_ =	swait.ge [sflag:s14], $0x40  }
0x9f: {  	[sflag:s14] =	ssyncset.done $0x0  }
0xa0: {  	[sflag:s14] =	ssyncadd.s32 $0xFFFFFFC0  }
0xa1: {  	_ =	swait.ge [sflag:s14], $0x40  }
0xa2: {  	[sflag:s14] =	ssyncset.done $0x0  }
0xa3: {  	s3 =	simm.s32 $0x2180;
	[sflag:s14] =	ssyncadd.s32 $0xFFFFFFC0  }
0xa4: {  	[tilespmem:s3], [sflag:$0x2] =	stream.indirect.gather [hbm4b:s1+s10], $0x80, s10, s10, $0xb8;
	[tilespmem:$0x1E980] =	vst v63  }
0xa5: {  	s15 =	simm.s32 $0x4580;
	p1 =	seq.s32 s31, $0x0  }
0xa6: {  	[tilespmem:s15], [sflag:$0x3] =	stream.indirect.gather [hbm4b:s5+s10], $0x10, s10, s10, $0xb8;
	[tilespmem:$0x1E980] =	vst v63  }
0xa7: {  	s16 =	simm.s32 $0x4D80;
	s3 =	simm.s32 @!p1 $0x5  }
0xa8: {  	[tilespmem:s16], [sflag:$0x4] =	stream.indirect.gather [hbm4b:s6+s10], $0x10, s12, s10, $0xb8;
	[tilespmem:$0x1E980] =	vst v63  }
0xa9: {  	_ =	swait.ge @!p1 [sflag:s3], $0x2200  }
0xaa: {  	[sflag:s3] =	ssyncset.done @!p1 $0x0  }
0xab: {  	[sflag:s3] =	ssyncadd.s32 @!p1 $0xFFFFDE00  }
0xac: {  	_ =	swait.ge [sflag:s20], $0x2000  }
0xad: {  	[sflag:s20] =	ssyncset.done $0x0  }
0xae: {  	[sflag:s20] =	ssyncadd.s32 $0xFFFFE000  }
0xaf: {  	_ =	swait.ge [sflag:s21], $0x400  }
0xb0: {  	[sflag:s21] =	ssyncset.done $0x0  }
0xb1: {  	[sflag:s21] =	ssyncadd.s32 $0xFFFFFC00  }
0xb2: {  	_ =	swait.ge [sflag:s22], $0x400  }
0xb3: {  	[sflag:s22] =	ssyncset.done $0x0  }
0xb4: {  	[sflag:s22] =	ssyncadd.s32 $0xFFFFFC00  }
0xb5: {  	v1 =	vld [tilespmem:$0x80]  }
0xb6: {  	v2 =	vld [tilespmem:$0x90]  }
0xb7: {  	v3 =	vld [tilespmem:$0xA0]  }
0xb8: {  	v4 =	vld [tilespmem:$0xB0];
	_ =	sdelay $0x1  }
0xb9: {  	[tilespmem:$0x100] =	vst v1  }
0xba: {  	s3 =	sshll.u32 s31, $0x9;
	p1 =	seq.s32 s31, $0x4D;
	[tilespmem:$0x110] =	vst v2  }
0xbb: {  	s9 =	sadd.s32 @!p1 s29, s3;
	[tilespmem:$0x120] =	vst v3  }
0xbc: {  	s13 =	simm.s32 @!p1 $0x0;
	s11 =	sadd.s32 @!p1 s7, s9;
	[tilespmem:$0x130] =	vst v4  }
0xbd: {  	[tilespmem:s13], [sflag:$0x1] =	stream.linear.gather @!p1 [hbm4b:s11+s13], $0x40, $0x38;
	[tilespmem:$0x1E980] =	vst v63  }
0xbe: {  	s17 =	simm.s32 $0x41A0;
	s9 =	sadd.s32 @!p1 s8, s9;
	s11 =	simm.s32 @!p1 $0x80  }
0xbf: {  	[tilespmem:s11], [sflag:$0x1] =	stream.linear.gather @!p1 [hbm4b:s9+s13], $0x40, $0x38;
	[tilespmem:$0x1E980] =	vst v63  }
0xc0: {  	s18 =	simm.s32 $0x49A0;
	v1 =	vld [tilespmem:s17+$0x10]  }
0xc1: {  	v2 =	vld [tilespmem:s18+$0x10];
	_ =	sdelay $0x4  }
0xc2: {  	v3 =	vld [tilespmem:s18+$0xFFFFFFF0];
	v1 =	vadd.f32 v2, v1  }
0xc3: {  	v2 =	vld [tilespmem:s17+$0xFFFFFFF0]  }
0xc4: {  	v4 =	vmul.f32 $2.000000030e-01, v1;
	_ =	sdelay $0x1  }
0xc5: {  	v5 =	vld [tilespmem:s18+$0xFFFFFFE0];
	v1 =	vmax.f32 v1, v4  }
0xc6: {  	v6 =	vld [tilespmem:s18+$0x0];
	v1 =	vmul.f32 $1.442695020e+00, v1  }
0xc7: {  	v4 =	vld [tilespmem:s17+$0x0];
	v2 =	vadd.f32 v3, v2  }
0xc8: {  	v7 =	vld [tilespmem:s17+$0xFFFFFFE0];
	(erf) = vpow2.f32 v1  }
0xc9: {  	v1 =	vmul.f32 $2.000000030e-01, v2;
	_ =	sdelay $0x1  }
0xca: {  	v1 =	vmax.f32 v2, v1  }
0xcb: {  	v3 =	vadd.f32 v6, v4;
	v1 =	vmul.f32 $1.442695020e+00, v1  }
0xcc: {  	v2 =	vadd.f32 v5, v7  }
0xcd: {  	v4 =	vmul.f32 $2.000000030e-01, v3;
	(erf) = vpow2.f32 v1  }
0xce: {  	v5 =	vmul.f32 $2.000000030e-01, v2  }
0xcf: {  	v1 =	vmax.f32 v3, v4  }
0xd0: {  	v2 =	vmax.f32 v2, v5;
	v1 =	vmul.f32 $1.442695020e+00, v1;
	v8 =	vpop (erf)  }
0xd1: {  	s9 =	simm.s32 $0x5290;
	v2 =	vmul.f32 $1.442695020e+00, v2;
	v3 =	vsel vm0, $0x0, v8  }
0xd2: {  	s17 =	simm.s32 $0x280;
	(erf) = vpow2.f32 v1;
	[tilespmem:s9+$0x100] =	vst v3  }
0xd3: {  	(erf) = vpow2.f32 v2;
	v2 =	vld [tilespmem:s17+$0x80];
	_ =	sdelay $0x2  }
0xd4: {  	v4 =	vbroadcast v8, $0x8;
	v1 =	vpop (erf)  }
0xd5: {  	v3 =	vsel vm0, $0x0, v1  }
0xd6: {  	[tilespmem:s9+$0xFFFFFFF0] =	vst v3;
	v2 =	vmul.f32 v4, v2  }
0xd7: {  	v5 =	vld [tilespmem:s17+$0xFFFFFF80];
	_ =	sdelay $0x1  }
0xd8: {  	[tilespmem:s9+$0x88] =	vst v2  }
0xd9: {  	v9 =	vbroadcast v1, $0x8;
	v6 =	vld [tilespmem:s17+$0x90];
	v2 =	vpop (erf)  }
0xda: {  	v3 =	vpop (erf)  }
0xdb: {  	s23 =	simm.s32 $0x49E0;
	v5 =	vmul.f32 v9, v5;
	v10 =	vsel vm0, $0x0, v3  }
0xdc: {  	v12 =	vld [tilespmem:s23+$0xFFFFFFE0];
	[tilespmem:s9+$0xFFFFFF68] =	vst v10  }
0xdd: {  	[tilespmem:s9+$0xFFFFFF78] =	vst v5;
	v5 =	vld [tilespmem:s23+$0x10]  }
0xde: {  	s19 =	simm.s32 $0x41E0;
	v10 =	vld [tilespmem:s17+$0xFFFFFF00];
	v4 =	vmul.f32 v4, v6  }
0xdf: {  	v6 =	vld [tilespmem:s19+$0x10]  }
0xe0: {  	v14 =	vld [tilespmem:s19+$0xFFFFFFF0];
	[tilespmem:s9+$0x98] =	vst v4  }
0xe1: {  	v7 =	vsel vm0, $0x0, v2;
	v4 =	vld [tilespmem:s17+$0xA0]  }
0xe2: {  	v16 =	vld [tilespmem:s23+$0xFFFFFFF0];
	[tilespmem:s9+$0x78] =	vst v7;
	v13 =	vbroadcast v3, $0x8  }
0xe3: {  	v7 =	vld [tilespmem:s17+$0x0]  }
0xe4: {  	v17 =	vld [tilespmem:s19+$0x0];
	v15 =	vbroadcast v8, $0x9;
	v5 =	vadd.f32 v5, v6;
	v10 =	vmul.f32 v13, v10  }
0xe5: {  	v11 =	vld [tilespmem:s17+$0xFFFFFF90];
	v6 =	vbroadcast v2, $0x8  }
0xe6: {  	v19 =	vmul.f32 $2.000000030e-01, v5;
	[tilespmem:s9+$0xFFFFFEF0] =	vst v10;
	v10 =	vld [tilespmem:s19+$0xFFFFFFE0];
	v4 =	vmul.f32 v15, v4  }
0xe7: {  	v18 =	vld [tilespmem:s23+$0x0]  }
0xe8: {  	v7 =	vmul.f32 v6, v7;
	v5 =	vmax.f32 v5, v19;
	[tilespmem:s9+$0xA8] =	vst v4;
	v4 =	vld [tilespmem:s17+$0xFFFFFF10]  }
0xe9: {  	v5 =	vmul.f32 $1.442695020e+00, v5  }
0xea: {  	[tilespmem:s9+$0x0] =	vst v7;
	v7 =	vmul.f32 v9, v11;
	v9 =	vadd.f32 v16, v14  }
0xeb: {  	v11 =	vld [tilespmem:s17+$0xB0];
	(erf) = vpow2.f32 v5;
	v10 =	vadd.f32 v12, v10  }
0xec: {  	v16 =	vadd.f32 v18, v17;
	v14 =	vld [tilespmem:s17+$0x10];
	[tilespmem:s9+$0xFFFFFF88] =	vst v7;
	v7 =	vmul.f32 $2.000000030e-01, v9  }
0xed: {  	v5 =	vld [tilespmem:s17+$0xFFFFFFA0];
	v12 =	vmul.f32 $2.000000030e-01, v10;
	v4 =	vmul.f32 v13, v4  }
0xee: {  	v7 =	vmax.f32 v9, v7;
	v9 =	vmul.f32 $2.000000030e-01, v16  }
0xef: {  	v17 =	vbroadcast v1, $0x9;
	v7 =	vmul.f32 $1.442695020e+00, v7;
	[tilespmem:s9+$0xFFFFFF00] =	vst v4;
	v4 =	vmax.f32 v10, v12  }
0xf0: {  	v9 =	vmax.f32 v16, v9;
	v11 =	vmul.f32 v11, v15;
	v4 =	vmul.f32 $1.442695020e+00, v4  }
0xf1: {  	v6 =	vmul.f32 v6, v14;
	v9 =	vmul.f32 $1.442695020e+00, v9  }
0xf2: {  	(erf) = vpow2.f32 v7;
	v5 =	vmul.f32 v17, v5;
	[tilespmem:s9+$0xB8] =	vst v11;
	v10 =	vld [tilespmem:s17+$0xFFFFFF20]  }
0xf3: {  	[tilespmem:s9+$0x10] =	vst v6;
	(erf) = vpow2.f32 v9;
	v7 =	vld [tilespmem:s17+$0xC0]  }
0xf4: {  	v6 =	vld [tilespmem:s17+$0x20];
	[tilespmem:s9+$0xFFFFFF98] =	vst v5;
	(erf) = vpow2.f32 v4;
	v4 =	vpop (erf)  }
0xf5: {  	s11 =	simm.s32 $0x54B0;
	v11 =	vbroadcast v3, $0x9;
	v12 =	vld [tilespmem:s17+$0xFFFFFFB0];
	v5 =	vsel vm0, $0x0, v4  }
0xf6: {  	s13 =	simm.s32 $0x480;
	v9 =	vbroadcast v8, $0xA;
	[tilespmem:s11+$0x100] =	vst v5  }
0xf7: {  	s15 =	simm.s32 $0x4220;
	v13 =	vbroadcast v2, $0x9;
	v5 =	vmul.f32 v11, v10;
	v10 =	vld [tilespmem:s13+$0x80]  }
0xf8: {  	s16 =	simm.s32 $0x4A20;
	v23 =	vld [tilespmem:s15+$0xFFFFFFF0];
	v7 =	vmul.f32 v7, v9  }
0xf9: {  	v26 =	vld [tilespmem:s16+$0xFFFFFFF0];
	v6 =	vmul.f32 v13, v6;
	[tilespmem:s9+$0xFFFFFF10] =	vst v5  }
0xfa: {  	v16 =	vbroadcast v4, $0x8;
	[tilespmem:s9+$0xC8] =	vst v7;
	v7 =	vmul.f32 v12, v17;
	v12 =	vld [tilespmem:s17+$0xFFFFFF30]  }
0xfb: {  	v28 =	vld [tilespmem:s15+$0x0]  }
0xfc: {  	v29 =	vld [tilespmem:s16+$0x0];
	[tilespmem:s9+$0x20] =	vst v6;
	v10 =	vmul.f32 v16, v10  }
0xfd: {  	v17 =	vld [tilespmem:s17+$0x30];
	v5 =	vpop (erf)  }
0xfe: {  	v14 =	vld [tilespmem:s17+$0xD0];
	v15 =	vsel vm0, $0x0, v5;
	[tilespmem:s11+$0x88] =	vst v10  }
0xff: {  	[tilespmem:s11+$0xFFFFFFF0] =	vst v15;
	v11 =	vmul.f32 v12, v11;
	v12 =	vld [tilespmem:s13+$0x90]  }
0x100: {  	s18 =	simm.s32 $0x4A60;
	v6 =	vpop (erf);
	v18 =	vld [tilespmem:s13+$0xFFFFFF80]  }
0x101: {  	v32 =	vld [tilespmem:s18+$0xFFFFFFE0];
	[tilespmem:s9+$0xFFFFFFA8] =	vst v7;
	v15 =	vsel vm0, $0x0, v6;
	v7 =	vpop (erf)  }
0x102: {  	v19 =	vld [tilespmem:s17+$0xFFFFFFC0];
	[tilespmem:s11+$0x78] =	vst v15;
	v15 =	vsel vm0, $0x0, v7  }
0x103: {  	v13 =	vmul.f32 v17, v13;
	v17 =	vld [tilespmem:s16+$0x10];
	v10 =	vbroadcast v5, $0x8;
	[tilespmem:s11+$0xFFFFFF68] =	vst v15  }
0x104: {  	v9 =	vmul.f32 v14, v9;
	v14 =	vld [tilespmem:s13+$0xFFFFFF00];
	v12 =	vmul.f32 v16, v12  }
0x105: {  	[tilespmem:s9+$0xFFFFFF20] =	vst v11;
	v11 =	vmul.f32 v10, v18;
	v16 =	vld [tilespmem:s15+$0x10]  }
0x106: {  	v20 =	vld [tilespmem:s13+$0x0];
	[tilespmem:s11+$0x98] =	vst v12  }
0x107: {  	[tilespmem:s11+$0xFFFFFF78] =	vst v11;
	v12 =	vld [tilespmem:s13+$0xA0]  }
0x108: {  	v22 =	vbroadcast v7, $0x8;
	v11 =	vld [tilespmem:s13+$0xFFFFFF90]  }
0x109: {  	v24 =	vbroadcast v1, $0xA;
	v27 =	vbroadcast v6, $0x8;
	[tilespmem:s9+$0xD8] =	vst v9;
	v15 =	vld [tilespmem:s17+$0xFFFFFF40]  }
0x10a: {  	v25 =	vbroadcast v4, $0x9;
	v9 =	vld [tilespmem:s17+$0xE0];
	v14 =	vmul.f32 v22, v14;
	v16 =	vadd.f32 v17, v16  }
0x10b: {  	v21 =	vbroadcast v3, $0xA;
	[tilespmem:s9+$0x30] =	vst v13;
	v18 =	vld [tilespmem:s16+$0xFFFFFFE0];
	v20 =	vmul.f32 v27, v20  }
0x10c: {  	[tilespmem:s11+$0xFFFFFEF0] =	vst v14;
	v14 =	vld [tilespmem:s15+$0xFFFFFFE0];
	v30 =	vmul.f32 $2.000000030e-01, v16;
	v12 =	vmul.f32 v25, v12  }
0x10d: {  	v8 =	vbroadcast v8, $0xB;
	v13 =	vld [tilespmem:s17+$0x40];
	[tilespmem:s11+$0x0] =	vst v20;
	v10 =	vmul.f32 v10, v11  }
0x10e: {  	v31 =	vbroadcast v5, $0x9;
	v15 =	vmul.f32 v15, v21;
	v11 =	vld [tilespmem:s13+$0xFFFFFF10];
	v16 =	vmax.f32 v16, v30;
	[tilespmem:s11+$0xA8] =	vst v12  }
0x10f: {  	[tilespmem:s11+$0xFFFFFF88] =	vst v10;
	v10 =	vadd.f32 v26, v23;
	v12 =	vmul.f32 v19, v24;
	v16 =	vmul.f32 $1.442695020e+00, v16;
	v19 =	vld [tilespmem:s13+$0xB0]  }
0x110: {  	v20 =	vld [tilespmem:s13+$0x10];
	v9 =	vmul.f32 v9, v8;
	v17 =	vbroadcast v2, $0xA;
	v23 =	vadd.f32 v29, v28  }
0x111: {  	[tilespmem:s9+$0xFFFFFF30] =	vst v15;
	v14 =	vadd.f32 v18, v14;
	v26 =	vld [tilespmem:s13+$0xFFFFFFA0];
	v15 =	vmul.f32 $2.000000030e-01, v10;
	(erf) = vpow2.f32 v16  }
0x112: {  	v35 =	vld [tilespmem:s18+$0xFFFFFFF0];
	[tilespmem:s9+$0xE8] =	vst v9;
	v13 =	vmul.f32 v13, v17;
	v16 =	vmul.f32 $2.000000030e-01, v23  }
0x113: {  	v11 =	vmul.f32 v22, v11;
	[tilespmem:s9+$0xFFFFFFB8] =	vst v12;
	v12 =	vld [tilespmem:s17+$0xFFFFFF50];
	v10 =	vmax.f32 v10, v15;
	v15 =	vmul.f32 $2.000000030e-01, v14  }
0x114: {  	[tilespmem:s9+$0x40] =	vst v13;
	v13 =	vld [tilespmem:s17+$0xFFFFFFD0];
	v10 =	vmul.f32 $1.442695020e+00, v10;
	v16 =	vmax.f32 v23, v16;
	v18 =	vmul.f32 v19, v25  }
0x115: {  	v9 =	vld [tilespmem:s17+$0x50];
	[tilespmem:s11+$0xFFFFFF00] =	vst v11;
	v14 =	vmax.f32 v14, v15;
	v15 =	vmul.f32 $1.442695020e+00, v16;
	v19 =	vmul.f32 v27, v20  }
0x116: {  	v16 =	vmul.f32 v31, v26;
	v11 =	vmul.f32 $1.442695020e+00, v14;
	v14 =	vld [tilespmem:s13+$0xFFFFFF20];
	[tilespmem:s11+$0xB8] =	vst v18  }
0x117: {  	(erf) = vpow2.f32 v10;
	[tilespmem:s11+$0x10] =	vst v19;
	v10 =	vld [tilespmem:s13+$0xC0]  }
0x118: {  	s19 =	simm.s32 $0x4260;
	(erf) = vpow2.f32 v15;
	v12 =	vmul.f32 v12, v21;
	v15 =	vld [tilespmem:s13+$0x20]  }
0x119: {  	v34 =	vld [tilespmem:s19+$0xFFFFFFF0];
	[tilespmem:s11+$0xFFFFFF98] =	vst v16;
	(erf) = vpow2.f32 v11;
	v11 =	vmul.f32 v13, v24  }
0x11a: {  	v9 =	vmul.f32 v9, v17;
	v20 =	vld [tilespmem:s17+$0xF0];
	v18 =	vbroadcast v4, $0xA;
	[tilespmem:s9+$0xFFFFFF40] =	vst v12;
	v16 =	vpop (erf)  }
0x11b: {  	s15 =	simm.s32 $0x56D0;
	v17 =	vbroadcast v7, $0x9;
	v21 =	vbroadcast v6, $0x9;
	v13 =	vld [tilespmem:s13+$0xFFFFFFB0];
	[tilespmem:s9+$0xFFFFFFC8] =	vst v11;
	v11 =	vsel vm0, $0x0, v16  }
0x11c: {  	s16 =	simm.s32 $0x680;
	v19 =	vld [tilespmem:s17+$0xFFFFFF60];
	[tilespmem:s15+$0x100] =	vst v11;
	v10 =	vmul.f32 v10, v18  }
0x11d: {  	[tilespmem:s9+$0x50] =	vst v9;
	v9 =	vmul.f32 v17, v14;
	v12 =	vmul.f32 v21, v15;
	v15 =	vld [tilespmem:s16+$0x80]  }
0x11e: {  	v14 =	vld [tilespmem:s17+$0x60];
	[tilespmem:s11+$0xC8] =	vst v10  }
0x11f: {  	[tilespmem:s11+$0xFFFFFF10] =	vst v9;
	v9 =	vld [tilespmem:s13+$0xD0]  }
0x120: {  	v24 =	vbroadcast v16, $0x8;
	v23 =	vld [tilespmem:s13+$0xFFFFFF30];
	v11 =	vpop (erf)  }
0x121: {  	v22 =	vld [tilespmem:s17+$0xFFFFFFE0];
	v10 =	vmul.f32 v13, v31;
	[tilespmem:s11+$0x20] =	vst v12;
	v13 =	vsel vm0, $0x0, v11  }
0x122: {  	v31 =	vld [tilespmem:s18+$0x10];
	[tilespmem:s15+$0xFFFFFFF0] =	vst v13;
	v15 =	vmul.f32 v24, v15  }
0x123: {  	v8 =	vmul.f32 v20, v8;
	v12 =	vpop (erf);
	[tilespmem:s11+$0xFFFFFFA8] =	vst v10;
	v28 =	vld [tilespmem:s16+$0xFFFFFF80]  }
0x124: {  	v29 =	vbroadcast v5, $0xA;
	v10 =	vld [tilespmem:s13+$0x30];
	v13 =	vpop (erf);
	[tilespmem:s15+$0x88] =	vst v15;
	v9 =	vmul.f32 v9, v18  }
0x125: {  	[tilespmem:s9+$0xF8] =	vst v8;
	v27 =	vsel vm0, $0x0, v13;
	v18 =	vbroadcast v3, $0xB;
	v3 =	vmul.f32 v23, v17;
	v17 =	vld [tilespmem:s16+$0x90]  }
0x126: {  	v30 =	vbroadcast v6, $0xA;
	v26 =	vld [tilespmem:s13+$0xFFFFFFC0];
	[tilespmem:s15+$0xFFFFFF68] =	vst v27;
	v15 =	vbroadcast v11, $0x8  }
0x127: {  	v33 =	vbroadcast v11, $0x9;
	v20 =	vbroadcast v13, $0x8;
	v27 =	vld [tilespmem:s16+$0xFFFFFF00];
	[tilespmem:s11+$0xD8] =	vst v9  }
0x128: {  	v25 =	vsel vm0, $0x0, v12;
	v9 =	vmul.f32 v19, v18;
	[tilespmem:s11+$0xFFFFFF20] =	vst v3;
	v19 =	vmul.f32 v15, v28;
	v3 =	vld [tilespmem:s13+$0xE0]  }
0x129: {  	[tilespmem:s15+$0x78] =	vst v25;
	v36 =	vbroadcast v13, $0x9;
	v10 =	vmul.f32 v10, v21;
	v21 =	vld [tilespmem:s13+$0xFFFFFF40]  }
0x12a: {  	v25 =	vld [tilespmem:s16+$0x0];
	v23 =	vbroadcast v1, $0xB;
	[tilespmem:s15+$0xFFFFFF78] =	vst v19;
	v1 =	vmul.f32 v24, v17  }
0x12b: {  	v28 =	vbroadcast v2, $0xB;
	[tilespmem:s9+$0xFFFFFF50] =	vst v9;
	v9 =	vbroadcast v4, $0xB;
	v4 =	vld [tilespmem:s16+$0xFFFFFF90]  }
0x12c: {  	v26 =	vmul.f32 v26, v29;
	v17 =	vbroadcast v7, $0xA;
	v24 =	vld [tilespmem:s19+$0x10];
	[tilespmem:s15+$0x98] =	vst v1  }
0x12d: {  	[tilespmem:s11+$0x30] =	vst v10;
	v1 =	vbroadcast v5, $0xB;
	v2 =	vmul.f32 v3, v9;
	v5 =	vld [tilespmem:s16+$0xA0]  }
0x12e: {  	v10 =	vld [tilespmem:s13+$0x40];
	[tilespmem:s11+$0xFFFFFFB8] =	vst v26;
	v8 =	vmul.f32 v20, v27;
	v21 =	vmul.f32 v21, v17  }
0x12f: {  	v19 =	vld [tilespmem:s17+$0xFFFFFF70];
	[tilespmem:s11+$0xE8] =	vst v2;
	v2 =	vbroadcast v6, $0xB;
	v6 =	vbroadcast v12, $0x8  }
0x130: {  	v27 =	vbroadcast v16, $0x9;
	[tilespmem:s15+$0xFFFFFEF0] =	vst v8;
	v8 =	vld [tilespmem:s18+$0x0];
	v15 =	vmul.f32 v15, v4  }
0x131: {  	v3 =	vbroadcast v7, $0xB;
	v24 =	vadd.f32 v31, v24;
	[tilespmem:s11+$0xFFFFFF30] =	vst v21;
	v7 =	vld [tilespmem:s13+$0xF0];
	v25 =	vmul.f32 v6, v25  }
0x132: {  	v22 =	vmul.f32 v22, v23;
	v21 =	vld [tilespmem:s19+$0xFFFFFFE0];
	[tilespmem:s15+$0xFFFFFF88] =	vst v15;
	v5 =	vmul.f32 v27, v5  }
0x133: {  	v10 =	vmul.f32 v10, v30;
	v37 =	vmul.f32 $2.000000030e-01, v24;
	v15 =	vadd.f32 v35, v34;
	[tilespmem:s15+$0x0] =	vst v25;
	v25 =	vld [tilespmem:s19+$0x0]  }
0x134: {  	v14 =	vmul.f32 v14, v28;
	v31 =	vbroadcast v12, $0x9;
	[tilespmem:s15+$0xA8] =	vst v5;
	v5 =	vld [tilespmem:s16+$0xFFFFFF10]  }
0x135: {  	v18 =	vmul.f32 v19, v18;
	[tilespmem:s11+$0x40] =	vst v10;
	v24 =	vmax.f32 v24, v37;
	v10 =	vmul.f32 $2.000000030e-01, v15;
	v26 =	vld [tilespmem:s16+$0xB0]  }
0x136: {  	v24 =	vmul.f32 $1.442695020e+00, v24;
	v7 =	vmul.f32 v7, v9;
	v9 =	vld [tilespmem:s16+$0xFFFFFFA0]  }
0x137: {  	v4 =	vbroadcast v13, $0xA;
	[tilespmem:s9+$0xFFFFFF60] =	vst v18;
	v18 =	vbroadcast v16, $0xA;
	v56 =	vld [tilespmem:s16+$0x10];
	v19 =	vadd.f32 v32, v21  }
0x138: {  	v21 =	vld [tilespmem:s13+$0xFFFFFF50];
	(erf) = vpow2.f32 v24;
	[tilespmem:s11+$0xF8] =	vst v7;
	v7 =	vmax.f32 v15, v10;
	v8 =	vadd.f32 v8, v25  }
0x139: {  	[tilespmem:s9+$0xFFFFFFD8] =	vst v22;
	v7 =	vmul.f32 $1.442695020e+00, v7;
	v5 =	vmul.f32 v20, v5  }
0x13a: {  	[tilespmem:s9+$0x60] =	vst v14;
	v22 =	vld [tilespmem:s13+$0x50];
	v14 =	vmul.f32 $2.000000030e-01, v8;
	v15 =	vmul.f32 v26, v27  }
0x13b: {  	v10 =	vmul.f32 $2.000000030e-01, v19;
	v20 =	vld [tilespmem:s13+$0xFFFFFFD0];
	v9 =	vmul.f32 v33, v9;
	[tilespmem:s15+$0xFFFFFF00] =	vst v5  }
0x13c: {  	(erf) = vpow2.f32 v7;
	v5 =	vmul.f32 v6, v56;
	v8 =	vmax.f32 v8, v14;
	v14 =	vld [tilespmem:s17+$0xFFFFFFF0];
	[tilespmem:s15+$0xB8] =	vst v15  }
0x13d: {  	v7 =	vmul.f32 v21, v17;
	v6 =	vmax.f32 v19, v10;
	v19 =	vld [tilespmem:s16+$0xFFFFFF20];
	[tilespmem:s15+$0xFFFFFF98] =	vst v9;
	v8 =	vmul.f32 $1.442695020e+00, v8  }
0x13e: {  	v10 =	vbroadcast v11, $0xA;
	v6 =	vmul.f32 $1.442695020e+00, v6;
	[tilespmem:s15+$0x10] =	vst v5;
	v5 =	vld [tilespmem:s16+$0xC0]  }
0x13f: {  	[tilespmem:s11+$0xFFFFFF40] =	vst v7;
	v7 =	vmul.f32 v22, v30;
	v17 =	vld [tilespmem:s16+$0xFFFFFFB0];
	(erf) = vpow2.f32 v8  }
0x140: {  	v15 =	vld [tilespmem:s16+$0x20];
	(erf) = vpow2.f32 v6;
	v6 =	vmul.f32 v20, v29  }
0x141: {  	v24 =	vld [tilespmem:s13+$0xFFFFFF60];
	[tilespmem:s11+$0x50] =	vst v7;
	v7 =	vbroadcast v11, $0xB;
	v8 =	vbroadcast v12, $0xA;
	v9 =	vpop (erf)  }
0x142: {  	s28 =	simm.s32 $0x58F0;
	v22 =	vld [tilespmem:s13+$0x60];
	v11 =	vmul.f32 v36, v19;
	[tilespmem:s11+$0xFFFFFFC8] =	vst v6;
	v6 =	vbroadcast v13, $0xB;
	v13 =	vsel vm0, $0x0, v9  }
0x143: {  	v20 =	vld [tilespmem:s17+$0x70];
	v25 =	vmul.f32 v5, v18;
	v5 =	vbroadcast v12, $0xB;
	[tilespmem:s28+$0x100] =	vst v13  }
0x144: {  	s17 =	simm.s32 $0x880;
	v12 =	vmul.f32 v14, v23;
	v14 =	vmul.f32 v17, v33;
	v21 =	vld [tilespmem:s13+$0xFFFFFFE0];
	[tilespmem:s15+$0xFFFFFF10] =	vst v11  }
0x145: {  	v13 =	vmul.f32 v31, v15;
	v15 =	vld [tilespmem:s17+$0x80];
	[tilespmem:s15+$0xC8] =	vst v25  }
0x146: {  	v27 =	vmul.f32 v24, v3;
	[tilespmem:s15+$0xFFFFFFA8] =	vst v14;
	v17 =	vld [tilespmem:s16+$0xD0]  }
0x147: {  	v58 =	vbroadcast v9, $0x8;
	v57 =	vpop (erf);
	v19 =	vld [tilespmem:s16+$0xFFFFFF30];
	[tilespmem:s15+$0x20] =	vst v13  }
0x148: {  	v26 =	vbroadcast v57, $0x8;
	[tilespmem:s11+$0xFFFFFF50] =	vst v27;
	v11 =	vmul.f32 v20, v28;
	v13 =	vsel vm0, $0x0, v57;
	v24 =	vld [tilespmem:s16+$0x30];
	v20 =	vpop (erf)  }
0x149: {  	v14 =	vbroadcast v57, $0x9;
	v27 =	vbroadcast v16, $0xB;
	v28 =	vld [tilespmem:s16+$0xFFFFFFC0];
	[tilespmem:s28+$0xFFFFFFF0] =	vst v13;
	v13 =	vsel vm0, $0x0, v20;
	v29 =	vpop (erf)  }
0x14a: {  	v16 =	vbroadcast v57, $0xB;
	v59 =	vld [tilespmem:s17+$0xFFFFFF80];
	v60 =	vmul.f32 v58, v15;
	v30 =	vsel vm0, $0x0, v29;
	[tilespmem:s28+$0x78] =	vst v13  }
0x14b: {  	v23 =	vbroadcast v20, $0x8;
	v17 =	vmul.f32 v17, v18;
	[tilespmem:s28+$0xFFFFFF68] =	vst v30;
	v30 =	vld [tilespmem:s17+$0x0]  }
0x14c: {  	v62 =	vmul.f32 v19, v36;
	v25 =	vbroadcast v29, $0x8;
	[tilespmem:s28+$0x88] =	vst v60;
	v61 =	vld [tilespmem:s17+$0xFFFFFF00]  }
0x14d: {  	v15 =	vbroadcast v29, $0x9;
	v24 =	vmul.f32 v24, v31;
	v63 =	vld [tilespmem:s17+$0x90];
	[tilespmem:s15+$0xD8] =	vst v17  }
0x14e: {  	v13 =	vbroadcast v20, $0x9;
	v19 =	vbroadcast v29, $0xA;
	[tilespmem:s15+$0xFFFFFF20] =	vst v62;
	v32 =	vld [tilespmem:s16+$0xE0]  }
0x14f: {  	v18 =	vbroadcast v57, $0xA;
	v33 =	vmul.f32 v26, v59;
	v31 =	vld [tilespmem:s16+$0xFFFFFF40];
	[tilespmem:s15+$0x30] =	vst v24  }
0x150: {  	v28 =	vmul.f32 v28, v10;
	v38 =	vmul.f32 v23, v30;
	v30 =	vld [tilespmem:s16+$0x40]  }
0x151: {  	v24 =	vbroadcast v29, $0xB;
	v29 =	vld [tilespmem:s13+$0xFFFFFF70];
	[tilespmem:s28+$0xFFFFFF78] =	vst v33;
	v34 =	vmul.f32 v25, v61  }
0x152: {  	s23 =	simm.s32 $0x42A0;
	s19 =	simm.s32 $0xC;
	v17 =	vbroadcast v20, $0xA;
	v33 =	vld [tilespmem:s17+$0xFFFFFF90];
	v35 =	vmul.f32 v58, v63;
	[tilespmem:s28+$0x0] =	vst v38  }
.LBB2_5:
0x153: {  	v36 =	vld [tilespmem:s23+$0x10];
	[tilespmem:s28+$0xFFFFFEF0] =	vst v34;
	v20 =	vbroadcast v20, $0xB;
	s18 =	sadd.s32 $0x40, s18;
	v32 =	vmul.f32 v32, v27  }
0x154: {  	v21 =	vmul.f32 v21, v1;
	v34 =	vld [tilespmem:s18+$0x10];
	[tilespmem:s28+$0x98] =	vst v35;
	v31 =	vmul.f32 v31, v4  }
0x155: {  	v22 =	vmul.f32 v22, v2;
	v35 =	vld [tilespmem:s17+$0xA0];
	v30 =	vmul.f32 v30, v8;
	[tilespmem:s15+$0xE8] =	vst v32  }
0x156: {  	s19 =	sadd.s32 $0x4, s19;
	[tilespmem:s15+$0xFFFFFF30] =	vst v31;
	v31 =	vld [tilespmem:s16+$0xF0];
	v29 =	vmul.f32 v29, v3;
	v3 =	vmov v6;
	v6 =	vmov v24  }
0x157: {  	p2 =	slt.u32 s19, $0x3C;
	v24 =	vld [tilespmem:s18+$0xFFFFFFE0];
	v26 =	vmul.f32 v26, v33;
	[tilespmem:s15+$0xFFFFFFB8] =	vst v28  }
0x158: {  	v32 =	vbroadcast v9, $0x9;
	v28 =	vld [tilespmem:s23+$0xFFFFFFF0];
	[tilespmem:s15+$0x40] =	vst v30  }
0x159: {  	v30 =	vld [tilespmem:s18+$0xFFFFFFF0];
	[tilespmem:s28+$0xFFFFFF88] =	vst v26  }
0x15a: {  	v33 =	vadd.f32 v34, v36;
	v26 =	vld [tilespmem:s23+$0x0];
	v34 =	vmul.f32 v32, v35;
	[tilespmem:s11+$0xFFFFFFD8] =	vst v21  }
0x15b: {  	v21 =	vld [tilespmem:s18+$0x0];
	v27 =	vmul.f32 v31, v27;
	[tilespmem:s11+$0x60] =	vst v22  }
0x15c: {  	v31 =	vmul.f32 $2.000000030e-01, v33;
	v22 =	vld [tilespmem:s23+$0xFFFFFFE0];
	[tilespmem:s28+$0xA8] =	vst v34  }
0x15d: {  	v34 =	vld [tilespmem:s17+$0xFFFFFF10];
	[tilespmem:s15+$0xF8] =	vst v27  }
0x15e: {  	v27 =	vadd.f32 v30, v28;
	v28 =	vmax.f32 v33, v31;
	v30 =	vld [tilespmem:s17+$0xB0];
	[tilespmem:s11+$0xFFFFFF60] =	vst v29  }
0x15f: {  	v28 =	vmul.f32 $1.442695020e+00, v28;
	v29 =	vld [tilespmem:s17+$0x10];
	[tilespmem:s9+$0xFFFFFFE8] =	vst v12  }
0x160: {  	v12 =	vmul.f32 $2.000000030e-01, v27;
	v21 =	vadd.f32 v21, v26;
	v26 =	vld [tilespmem:s17+$0xFFFFFFA0];
	[tilespmem:s9+$0x70] =	vst v11;
	s9 =	smov.u32 s11;
	s11 =	smov.u32 s15;
	s15 =	smov.u32 s28  }
0x161: {  	v11 =	vadd.f32 v24, v22;
	(erf) = vpow2.f32 v28;
	v22 =	vld [tilespmem:s16+$0xFFFFFF50]  }
0x162: {  	v12 =	vmax.f32 v27, v12;
	v24 =	vmul.f32 $2.000000030e-01, v21;
	v25 =	vmul.f32 v25, v34;
	v27 =	vld [tilespmem:s16+$0xFFFFFFD0]  }
0x163: {  	v28 =	vmul.f32 $2.000000030e-01, v11;
	v30 =	vmul.f32 v30, v32;
	v31 =	vld [tilespmem:s16+$0x50]  }
0x164: {  	v12 =	vmul.f32 $1.442695020e+00, v12;
	v21 =	vmax.f32 v21, v24;
	[tilespmem:s28+$0xFFFFFF00] =	vst v25;
	v23 =	vmul.f32 v23, v29;
	v24 =	vld [tilespmem:s13+$0xFFFFFFF0]  }
0x165: {  	v11 =	vmax.f32 v11, v28;
	v21 =	vmul.f32 $1.442695020e+00, v21;
	v25 =	vld [tilespmem:s17+$0xFFFFFF20];
	v26 =	vmul.f32 v14, v26;
	[tilespmem:s28+$0xB8] =	vst v30  }
0x166: {  	v11 =	vmul.f32 $1.442695020e+00, v11;
	(erf) = vpow2.f32 v12;
	[tilespmem:s28+$0x10] =	vst v23;
	v23 =	vld [tilespmem:s17+$0xC0]  }
0x167: {  	v12 =	vmul.f32 v22, v4;
	v4 =	vmov v19;
	(erf) = vpow2.f32 v21;
	[tilespmem:s28+$0xFFFFFF98] =	vst v26;
	v26 =	vld [tilespmem:s17+$0x20]  }
0x168: {  	v19 =	vmul.f32 v27, v10;
	v10 =	vmov v18;
	(erf) = vpow2.f32 v11;
	v11 =	vld [tilespmem:s17+$0xFFFFFFB0]  }
0x169: {  	v18 =	vbroadcast v9, $0xA;
	v22 =	vmul.f32 v31, v8;
	v8 =	vmov v17;
	[tilespmem:s11+$0xFFFFFF40] =	vst v12;
	v27 =	vld [tilespmem:s13+$0x70];
	s13 =	smov.u32 s16;
	s16 =	smov.u32 s17  }
0x16a: {  	v12 =	vmul.f32 v24, v1;
	v1 =	vmov v7;
	v33 =	vpop (erf);
	v17 =	vmul.f32 v15, v25;
	v25 =	vld [tilespmem:s13+$0xFFFFFF60];
	[tilespmem:s11+$0xFFFFFFC8] =	vst v19  }
0x16b: {  	s28 =	sadd.s32 $0x220, s28;
	v7 =	vmov v16;
	v19 =	vsel vm0, $0x0, v33;
	v23 =	vmul.f32 v23, v18;
	v21 =	vld [tilespmem:s13+$0xFFFFFFE0];
	[tilespmem:s11+$0x50] =	vst v22  }
0x16c: {  	s17 =	sadd.s32 $0x200, s17;
	[tilespmem:s28+$0x100] =	vst v19;
	v16 =	vmul.f32 v13, v26;
	v22 =	vld [tilespmem:s13+$0x60]  }
0x16d: {  	v19 =	vld [tilespmem:s17+$0x80];
	v14 =	vmul.f32 v11, v14;
	[tilespmem:s15+$0xC8] =	vst v23  }
0x16e: {  	[tilespmem:s15+$0xFFFFFF10] =	vst v17;
	v17 =	vld [tilespmem:s16+$0xD0];
	v11 =	vmul.f32 v27, v2;
	v2 =	vmov v5;
	v5 =	vmov v20  }
0x16f: {  	v35 =	vpop (erf);
	v24 =	vld [tilespmem:s16+$0xFFFFFF30];
	[tilespmem:s15+$0x20] =	vst v16;
	v16 =	vmul.f32 v25, v3  }
0x170: {  	v36 =	vbroadcast v33, $0x8;
	v23 =	vsel vm0, $0x0, v35;
	v26 =	vbroadcast v35, $0x8;
	v20 =	vpop (erf);
	[tilespmem:s15+$0xFFFFFFA8] =	vst v14;
	v27 =	vld [tilespmem:s16+$0x30]  }
0x171: {  	v14 =	vbroadcast v35, $0x9;
	[tilespmem:s28+$0xFFFFFFF0] =	vst v23;
	v28 =	vsel vm0, $0x0, v20;
	v23 =	vbroadcast v20, $0x8;
	v29 =	vpop (erf);
	v30 =	vld [tilespmem:s16+$0xFFFFFFC0]  }
0x172: {  	v31 =	vsel vm0, $0x0, v29;
	v25 =	vbroadcast v29, $0x8;
	v34 =	vld [tilespmem:s17+$0xFFFFFF80];
	[tilespmem:s28+$0x78] =	vst v28;
	v19 =	vmul.f32 v36, v19  }
0x173: {  	v28 =	vbroadcast v29, $0x9;
	[tilespmem:s28+$0xFFFFFF68] =	vst v31;
	v37 =	vld [tilespmem:s17+$0x0];
	v17 =	vmul.f32 v17, v18  }
0x174: {  	v31 =	vbroadcast v20, $0x9;
	v38 =	vld [tilespmem:s17+$0xFFFFFF00];
	[tilespmem:s28+$0x88] =	vst v19;
	v24 =	vmul.f32 v24, v15  }
0x175: {  	v19 =	vbroadcast v29, $0xA;
	v15 =	vmov v28;
	v39 =	vld [tilespmem:s17+$0x90];
	v27 =	vmul.f32 v27, v13;
	[tilespmem:s15+$0xD8] =	vst v17  }
.Ltmp3:
0x176: {  	v18 =	vbroadcast v35, $0xA;
	v17 =	vbroadcast v20, $0xA;
	v13 =	vmov v31;
	[tilespmem:s15+$0xFFFFFF20] =	vst v24;
	v32 =	vld [tilespmem:s16+$0xE0];
	(pc) =	sbr.rel @p2 .LBB2_5-.Ltmp3, $4  }
0x177: {  	v28 =	vmul.f32 v30, v10;
	v40 =	vmul.f32 v26, v34;
	v31 =	vld [tilespmem:s16+$0xFFFFFF40];
	[tilespmem:s15+$0x30] =	vst v27  }
0x178: {  	v24 =	vbroadcast v29, $0xB;
	v37 =	vmul.f32 v23, v37;
	v30 =	vld [tilespmem:s16+$0x40];
	[tilespmem:s11+$0xFFFFFF50] =	vst v16  }
0x179: {  	v27 =	vbroadcast v9, $0xB;
	v9 =	vmov v33;
	v34 =	vmul.f32 v25, v38;
	[tilespmem:s28+$0xFFFFFF78] =	vst v40;
	v29 =	vld [tilespmem:s13+$0xFFFFFF70]  }
0x17a: {  	s23 =	sadd.s32 $0x40, s23;
	v16 =	vbroadcast v35, $0xB;
	v33 =	vld [tilespmem:s17+$0xFFFFFF90];
	[tilespmem:s28+$0x0] =	vst v37;
	v35 =	vmul.f32 v36, v39  }
0x17b: {  	[tilespmem:s28+$0xFFFFFEF0] =	vst v34  }
0x17c: {  	v34 =	vld [tilespmem:s17+$0xFFFFFF10]  }
0x17d: {  	[tilespmem:s28+$0x98] =	vst v35  }
0x17e: {  	v35 =	vld [tilespmem:s17+$0xA0]  }
0x17f: {  	v36 =	vld [tilespmem:s17+$0x10];
	v26 =	vmul.f32 v26, v33;
	_ =	sdelay $0x1  }
0x180: {  	v48 =	vbroadcast v9, $0x9;
	v25 =	vmul.f32 v25, v34;
	[tilespmem:s28+$0xFFFFFF88] =	vst v26  }
0x181: {  	v26 =	vld [tilespmem:s17+$0xFFFFFFA0]  }
0x182: {  	[tilespmem:s28+$0xFFFFFF00] =	vst v25;
	v25 =	vmul.f32 v48, v35  }
0x183: {  	v23 =	vmul.f32 v23, v36;
	v49 =	vld [tilespmem:s17+$0xFFFFFF20]  }
0x184: {  	[tilespmem:s28+$0xA8] =	vst v25  }
0x185: {  	[tilespmem:s28+$0x10] =	vst v23;
	v25 =	vld [tilespmem:s17+$0xB0]  }
0x186: {  	v23 =	vld [tilespmem:s17+$0x20];
	v26 =	vmul.f32 v14, v26;
	_ =	sdelay $0x1  }
0x187: {  	v33 =	vmul.f32 v15, v49;
	[tilespmem:s28+$0xFFFFFF98] =	vst v26  }
0x188: {  	[tilespmem:s15+$0xFFFFFFB8] =	vst v28;
	v26 =	vmul.f32 v31, v4;
	v31 =	vld [tilespmem:s17+$0xFFFFFFB0]  }
0x189: {  	v25 =	vmul.f32 v25, v48;
	[tilespmem:s28+$0xFFFFFF10] =	vst v33  }
0x18a: {  	[tilespmem:s9+$0xFFFFFFE8] =	vst v12;
	v23 =	vmul.f32 v13, v23;
	v33 =	vld [tilespmem:s17+$0xFFFFFF30]  }
0x18b: {  	v21 =	vmul.f32 v21, v1;
	[tilespmem:s28+$0xB8] =	vst v25  }
0x18c: {  	[tilespmem:s28+$0x20] =	vst v23;
	v25 =	vmul.f32 v32, v27;
	v50 =	vld [tilespmem:s17+$0xC0]  }
0x18d: {  	[tilespmem:s11+$0xFFFFFFD8] =	vst v21;
	v23 =	vld [tilespmem:s17+$0x30];
	v14 =	vmul.f32 v31, v14  }
0x18e: {  	[tilespmem:s15+$0xE8] =	vst v25  }
0x18f: {  	v25 =	vbroadcast v9, $0xA;
	v28 =	vld [tilespmem:s16+$0xF0];
	v15 =	vmul.f32 v33, v15;
	[tilespmem:s28+$0xFFFFFFA8] =	vst v14  }
0x190: {  	[tilespmem:s15+$0xFFFFFF30] =	vst v26;
	v14 =	vmul.f32 v22, v2;
	v22 =	vld [tilespmem:s17+$0xFFFFFFC0]  }
0x191: {  	v26 =	vmul.f32 v30, v8;
	v30 =	vmul.f32 v50, v25;
	[tilespmem:s28+$0xFFFFFF20] =	vst v15  }
0x192: {  	v13 =	vmul.f32 v23, v13;
	[tilespmem:s11+$0x60] =	vst v14;
	v15 =	vld [tilespmem:s17+$0xFFFFFF40]  }
0x193: {  	v3 =	vmul.f32 v29, v3;
	v14 =	vld [tilespmem:s16+$0xFFFFFF50];
	[tilespmem:s28+$0xC8] =	vst v30  }
0x194: {  	[tilespmem:s28+$0x30] =	vst v13;
	v13 =	vmul.f32 v28, v27;
	v23 =	vld [tilespmem:s17+$0xD0]  }
0x195: {  	[tilespmem:s11+$0xFFFFFF60] =	vst v3;
	v21 =	vld [tilespmem:s17+$0x40];
	v3 =	vmul.f32 v22, v18  }
0x196: {  	[tilespmem:s15+$0xF8] =	vst v13  }
0x197: {  	v13 =	vld [tilespmem:s16+$0xFFFFFFD0];
	v15 =	vmul.f32 v15, v19;
	[tilespmem:s28+$0xFFFFFFB8] =	vst v3  }
0x198: {  	[tilespmem:s15+$0x40] =	vst v26;
	v4 =	vmul.f32 v14, v4;
	v3 =	vld [tilespmem:s17+$0xFFFFFFD0]  }
0x199: {  	v22 =	vld [tilespmem:s16+$0x50];
	v23 =	vmul.f32 v23, v25;
	[tilespmem:s28+$0xFFFFFF30] =	vst v15  }
0x19a: {  	v21 =	vmul.f32 v21, v17;
	[tilespmem:s15+$0xFFFFFF40] =	vst v4;
	v15 =	vld [tilespmem:s17+$0xFFFFFF50]  }
0x19b: {  	v12 =	vld [tilespmem:s16+$0xFFFFFF60];
	[tilespmem:s28+$0xD8] =	vst v23  }
0x19c: {  	[tilespmem:s28+$0x40] =	vst v21;
	v10 =	vmul.f32 v13, v10;
	v14 =	vld [tilespmem:s17+$0xE0]  }
0x19d: {  	[tilespmem:s9+$0x70] =	vst v11;
	v4 =	vld [tilespmem:s17+$0x50];
	v3 =	vmul.f32 v3, v18  }
0x19e: {  	v8 =	vmul.f32 v22, v8;
	[tilespmem:s15+$0xFFFFFFC8] =	vst v10  }
0x19f: {  	v9 =	vbroadcast v9, $0xB;
	v10 =	vld [tilespmem:s16+$0xFFFFFFE0];
	v13 =	vmul.f32 v15, v19;
	[tilespmem:s28+$0xFFFFFFC8] =	vst v3  }
0x1a0: {  	[tilespmem:s15+$0x50] =	vst v8;
	v12 =	vmul.f32 v12, v6;
	v3 =	vld [tilespmem:s17+$0xFFFFFFE0]  }
0x1a1: {  	v14 =	vmul.f32 v14, v9;
	[tilespmem:s28+$0xFFFFFF40] =	vst v13;
	v13 =	vld [tilespmem:s16+$0x60]  }
0x1a2: {  	v4 =	vmul.f32 v4, v17;
	[tilespmem:s15+$0xFFFFFF50] =	vst v12;
	v8 =	vld [tilespmem:s17+$0xFFFFFF60]  }
0x1a3: {  	v11 =	vld [tilespmem:s16+$0xFFFFFF70];
	[tilespmem:s28+$0xE8] =	vst v14  }
0x1a4: {  	[tilespmem:s28+$0x50] =	vst v4;
	v14 =	vld [tilespmem:s17+$0xF0]  }
0x1a5: {  	v4 =	vmul.f32 v10, v7;
	v10 =	vld [tilespmem:s17+$0x60]  }
0x1a6: {  	v13 =	vmul.f32 v13, v5  }
0x1a7: {  	v15 =	vld [tilespmem:s13+$0x70];
	[tilespmem:s15+$0xFFFFFFD8] =	vst v4;
	v8 =	vmul.f32 v8, v24  }
0x1a8: {  	v12 =	vld [tilespmem:s13+$0xFFFFFFF0];
	v4 =	vbroadcast v20, $0xB;
	v3 =	vmul.f32 v3, v16;
	[tilespmem:s15+$0x60] =	vst v13  }
0x1a9: {  	v6 =	vmul.f32 v11, v6;
	v9 =	vmul.f32 v14, v9;
	[tilespmem:s28+$0xFFFFFF50] =	vst v8;
	v11 =	vld [tilespmem:s16+$0x70]  }
0x1aa: {  	v10 =	vmul.f32 v10, v4;
	[tilespmem:s28+$0xFFFFFFD8] =	vst v3;
	v8 =	vld [tilespmem:s17+$0xFFFFFF70]  }
0x1ab: {  	[tilespmem:s28+$0xF8] =	vst v9;
	v9 =	vld [tilespmem:s16+$0xFFFFFFF0]  }
0x1ac: {  	v2 =	vmul.f32 v15, v2;
	v3 =	vld [tilespmem:s17+$0xFFFFFFF0];
	[tilespmem:s28+$0x60] =	vst v10  }
0x1ad: {  	v1 =	vmul.f32 v12, v1;
	[tilespmem:s15+$0xFFFFFF60] =	vst v6;
	v6 =	vld [tilespmem:s17+$0x70]  }
0x1ae: {  	[tilespmem:s11+$0x70] =	vst v2;
	v5 =	vmul.f32 v11, v5  }
0x1af: {  	[tilespmem:s11+$0xFFFFFFE8] =	vst v1;
	v1 =	vmul.f32 v8, v24  }
0x1b0: {  	v2 =	vmul.f32 v9, v7;
	[tilespmem:s15+$0x70] =	vst v5  }
0x1b1: {  	[tilespmem:s28+$0xFFFFFF60] =	vst v1;
	v1 =	vmul.f32 v3, v16  }
0x1b2: {  	[tilespmem:s15+$0xFFFFFFE8] =	vst v2;
	v2 =	vmul.f32 v6, v4  }
0x1b3: {  	[tilespmem:s28+$0xFFFFFFE8] =	vst v1  }
0x1b4: {  	s9 =	simm.s32 @!p1 $0x1;
	s13 =	simm.s32 $0x100;
	[tilespmem:s28+$0x70] =	vst v2  }
0x1b5: {  	[spmem:s2] =	stream.indirect.scatter.add.f32 [tilespmem:s0], [sflag:$0x5], $0x88, s13, s10, $0xb8;
	[tilespmem:$0x1E980] =	vst v63  }
0x1b6: {  	_ =	swait.ge @!p1 [sflag:s9], $0x40  }
0x1b7: {  	[sflag:s9] =	ssyncset.done @!p1 $0x0  }
0x1b8: {  	[sflag:s9] =	ssyncadd.s32 @!p1 $0xFFFFFFC0  }
0x1b9: {  	_ =	swait.ge @!p1 [sflag:s9], $0x40  }
0x1ba: {  	s11 =	simm.s32 @!p1 $0x40;
	[sflag:s9] =	ssyncset.done @!p1 $0x0  }
0x1bb: {  	s13 =	simm.s32 @!p1 $0x180;
	[sflag:s9] =	ssyncadd.s32 @!p1 $0xFFFFFFC0;
	s9 =	simm.s32 @!p1 $0x0  }
0x1bc: {  	[tilespmem:s13], [sflag:$0x2] =	stream.indirect.gather @!p1 [hbm4b:s1+s11], $0x80, s9, s11, $0xb8;
	[tilespmem:$0x1E980] =	vst v63  }
0x1bd: {  	p2 =	seq.s32 @!p1 s31, $0x0;
	s13 =	simm.s32 @!p1 $0x4180  }
0x1be: {  	[tilespmem:s13], [sflag:$0x3] =	stream.indirect.gather @!p1 [hbm4b:s5+s11], $0x10, s9, s11, $0xb8;
	[tilespmem:$0x1E980] =	vst v63  }
0x1bf: {  	p2 =	por p1, !p2;
	s15 =	simm.s32 @!p1 $0x4980;
	s13 =	simm.s32 @!p1 $0x80  }
0x1c0: {  	[tilespmem:s15], [sflag:$0x4] =	stream.indirect.gather @!p1 [hbm4b:s6+s11], $0x10, s13, s11, $0xb8;
	[tilespmem:$0x1E980] =	vst v63  }
0x1c1: {  	_ =	swait.ge @p2 [sflag:s26], $0x2200  }
0x1c2: {  	[sflag:s26] =	ssyncset.done @p2 $0x0  }
0x1c3: {  	[sflag:s26] =	ssyncadd.s32 @p2 $0xFFFFDE00  }
0x1c4: {  	_ =	swait.ge [sflag:s20], $0x2000  }
0x1c5: {  	[sflag:s20] =	ssyncset.done $0x0  }
0x1c6: {  	[sflag:s20] =	ssyncadd.s32 $0xFFFFE000  }
0x1c7: {  	_ =	swait.ge [sflag:s21], $0x400  }
0x1c8: {  	[sflag:s21] =	ssyncset.done $0x0  }
0x1c9: {  	[sflag:s21] =	ssyncadd.s32 $0xFFFFFC00  }
0x1ca: {  	_ =	swait.ge [sflag:s22], $0x400  }
0x1cb: {  	[sflag:s22] =	ssyncset.done $0x0  }
0x1cc: {  	[sflag:s22] =	ssyncadd.s32 $0xFFFFFC00  }
0x1cd: {  	v1 =	vld [tilespmem:$0xC0]  }
0x1ce: {  	v2 =	vld [tilespmem:$0xD0]  }
0x1cf: {  	v3 =	vld [tilespmem:$0xE0]  }
0x1d0: {  	v4 =	vld [tilespmem:$0xF0];
	_ =	sdelay $0x1  }
0x1d1: {  	[tilespmem:$0x140] =	vst v1  }
0x1d2: {  	[tilespmem:$0x150] =	vst v2  }
0x1d3: {  	s3 =	sadd.s32 @!p1 s30, s3;
	[tilespmem:$0x160] =	vst v3  }
0x1d4: {  	s13 =	sadd.s32 @!p1 s7, s3;
	[tilespmem:$0x170] =	vst v4  }
0x1d5: {  	[tilespmem:s11], [sflag:$0x1] =	stream.linear.gather @!p1 [hbm4b:s13+s9], $0x40, $0x38;
	[tilespmem:$0x1E980] =	vst v63  }
0x1d6: {  	s3 =	sadd.s32 @!p1 s8, s3;
	s15 =	simm.s32 $0x45A0;
	s11 =	simm.s32 @!p1 $0xC0  }
0x1d7: {  	[tilespmem:s11], [sflag:$0x1] =	stream.linear.gather @!p1 [hbm4b:s3+s9], $0x40, $0x38;
	[tilespmem:$0x1E980] =	vst v63  }
0x1d8: {  	s16 =	simm.s32 $0x4DA0;
	v1 =	vld [tilespmem:s15+$0x10]  }
0x1d9: {  	v2 =	vld [tilespmem:s16+$0x10];
	_ =	sdelay $0x4  }
0x1da: {  	v3 =	vld [tilespmem:s16+$0xFFFFFFF0];
	v1 =	vadd.f32 v2, v1  }
0x1db: {  	v2 =	vld [tilespmem:s15+$0xFFFFFFF0]  }
0x1dc: {  	v4 =	vmul.f32 $2.000000030e-01, v1;
	_ =	sdelay $0x1  }
0x1dd: {  	v5 =	vld [tilespmem:s16+$0xFFFFFFE0];
	v1 =	vmax.f32 v1, v4  }
0x1de: {  	v6 =	vld [tilespmem:s16+$0x0];
	v1 =	vmul.f32 $1.442695020e+00, v1  }
0x1df: {  	v4 =	vld [tilespmem:s15+$0x0];
	v2 =	vadd.f32 v3, v2  }
0x1e0: {  	v7 =	vld [tilespmem:s15+$0xFFFFFFE0];
	(erf) = vpow2.f32 v1  }
0x1e1: {  	v1 =	vmul.f32 $2.000000030e-01, v2;
	_ =	sdelay $0x1  }
0x1e2: {  	v1 =	vmax.f32 v2, v1  }
0x1e3: {  	v3 =	vadd.f32 v6, v4;
	v1 =	vmul.f32 $1.442695020e+00, v1  }
0x1e4: {  	v2 =	vadd.f32 v5, v7  }
0x1e5: {  	v4 =	vmul.f32 $2.000000030e-01, v3;
	(erf) = vpow2.f32 v1  }
0x1e6: {  	v5 =	vmul.f32 $2.000000030e-01, v2  }
0x1e7: {  	v1 =	vmax.f32 v3, v4  }
0x1e8: {  	v2 =	vmax.f32 v2, v5;
	v1 =	vmul.f32 $1.442695020e+00, v1;
	v8 =	vpop (erf)  }
0x1e9: {  	s3 =	simm.s32 $0x7490;
	v2 =	vmul.f32 $1.442695020e+00, v2;
	v3 =	vsel vm0, $0x0, v8  }
0x1ea: {  	s16 =	simm.s32 $0x2280;
	(erf) = vpow2.f32 v1;
	[tilespmem:s3+$0x100] =	vst v3  }
0x1eb: {  	(erf) = vpow2.f32 v2;
	v2 =	vld [tilespmem:s16+$0x80];
	_ =	sdelay $0x2  }
0x1ec: {  	v4 =	vbroadcast v8, $0x8;
	v1 =	vpop (erf)  }
0x1ed: {  	v3 =	vsel vm0, $0x0, v1  }
0x1ee: {  	[tilespmem:s3+$0xFFFFFFF0] =	vst v3;
	v2 =	vmul.f32 v4, v2  }
0x1ef: {  	v5 =	vld [tilespmem:s16+$0xFFFFFF80];
	_ =	sdelay $0x1  }
0x1f0: {  	[tilespmem:s3+$0x88] =	vst v2  }
0x1f1: {  	v9 =	vbroadcast v1, $0x8;
	v6 =	vld [tilespmem:s16+$0x90];
	v2 =	vpop (erf)  }
0x1f2: {  	v3 =	vpop (erf)  }
0x1f3: {  	s18 =	simm.s32 $0x4DE0;
	v5 =	vmul.f32 v9, v5;
	v10 =	vsel vm0, $0x0, v3  }
0x1f4: {  	v12 =	vld [tilespmem:s18+$0xFFFFFFE0];
	[tilespmem:s3+$0xFFFFFF68] =	vst v10  }
0x1f5: {  	[tilespmem:s3+$0xFFFFFF78] =	vst v5;
	v5 =	vld [tilespmem:s18+$0x10]  }
0x1f6: {  	s17 =	simm.s32 $0x45E0;
	v10 =	vld [tilespmem:s16+$0xFFFFFF00];
	v4 =	vmul.f32 v4, v6  }
0x1f7: {  	v6 =	vld [tilespmem:s17+$0x10]  }
0x1f8: {  	v14 =	vld [tilespmem:s17+$0xFFFFFFF0];
	[tilespmem:s3+$0x98] =	vst v4  }
0x1f9: {  	v7 =	vsel vm0, $0x0, v2;
	v4 =	vld [tilespmem:s16+$0xA0]  }
0x1fa: {  	v16 =	vld [tilespmem:s18+$0xFFFFFFF0];
	[tilespmem:s3+$0x78] =	vst v7;
	v13 =	vbroadcast v3, $0x8  }
0x1fb: {  	v7 =	vld [tilespmem:s16+$0x0]  }
0x1fc: {  	v17 =	vld [tilespmem:s17+$0x0];
	v15 =	vbroadcast v8, $0x9;
	v5 =	vadd.f32 v5, v6;
	v10 =	vmul.f32 v13, v10  }
0x1fd: {  	v11 =	vld [tilespmem:s16+$0xFFFFFF90];
	v6 =	vbroadcast v2, $0x8  }
0x1fe: {  	v19 =	vmul.f32 $2.000000030e-01, v5;
	[tilespmem:s3+$0xFFFFFEF0] =	vst v10;
	v10 =	vld [tilespmem:s17+$0xFFFFFFE0];
	v4 =	vmul.f32 v15, v4  }
0x1ff: {  	v18 =	vld [tilespmem:s18+$0x0]  }
0x200: {  	v7 =	vmul.f32 v6, v7;
	v5 =	vmax.f32 v5, v19;
	[tilespmem:s3+$0xA8] =	vst v4;
	v4 =	vld [tilespmem:s16+$0xFFFFFF10]  }
0x201: {  	v5 =	vmul.f32 $1.442695020e+00, v5  }
0x202: {  	[tilespmem:s3+$0x0] =	vst v7;
	v7 =	vmul.f32 v9, v11;
	v9 =	vadd.f32 v16, v14  }
0x203: {  	v11 =	vld [tilespmem:s16+$0xB0];
	(erf) = vpow2.f32 v5;
	v10 =	vadd.f32 v12, v10  }
0x204: {  	v16 =	vadd.f32 v18, v17;
	v14 =	vld [tilespmem:s16+$0x10];
	[tilespmem:s3+$0xFFFFFF88] =	vst v7;
	v7 =	vmul.f32 $2.000000030e-01, v9  }
0x205: {  	v5 =	vld [tilespmem:s16+$0xFFFFFFA0];
	v12 =	vmul.f32 $2.000000030e-01, v10;
	v4 =	vmul.f32 v13, v4  }
0x206: {  	v7 =	vmax.f32 v9, v7;
	v9 =	vmul.f32 $2.000000030e-01, v16  }
0x207: {  	v17 =	vbroadcast v1, $0x9;
	v7 =	vmul.f32 $1.442695020e+00, v7;
	[tilespmem:s3+$0xFFFFFF00] =	vst v4;
	v4 =	vmax.f32 v10, v12  }
0x208: {  	v9 =	vmax.f32 v16, v9;
	v11 =	vmul.f32 v11, v15;
	v4 =	vmul.f32 $1.442695020e+00, v4  }
0x209: {  	v6 =	vmul.f32 v6, v14;
	v9 =	vmul.f32 $1.442695020e+00, v9  }
0x20a: {  	(erf) = vpow2.f32 v7;
	v5 =	vmul.f32 v17, v5;
	[tilespmem:s3+$0xB8] =	vst v11;
	v10 =	vld [tilespmem:s16+$0xFFFFFF20]  }
0x20b: {  	[tilespmem:s3+$0x10] =	vst v6;
	(erf) = vpow2.f32 v9;
	v7 =	vld [tilespmem:s16+$0xC0]  }
0x20c: {  	v6 =	vld [tilespmem:s16+$0x20];
	[tilespmem:s3+$0xFFFFFF98] =	vst v5;
	(erf) = vpow2.f32 v4;
	v4 =	vpop (erf)  }
0x20d: {  	s9 =	simm.s32 $0x76B0;
	v11 =	vbroadcast v3, $0x9;
	v12 =	vld [tilespmem:s16+$0xFFFFFFB0];
	v5 =	vsel vm0, $0x0, v4  }
0x20e: {  	s11 =	simm.s32 $0x2480;
	v9 =	vbroadcast v8, $0xA;
	[tilespmem:s9+$0x100] =	vst v5  }
0x20f: {  	s19 =	simm.s32 $0x4620;
	v13 =	vbroadcast v2, $0x9;
	v5 =	vmul.f32 v11, v10;
	v10 =	vld [tilespmem:s11+$0x80]  }
0x210: {  	s23 =	simm.s32 $0x4E20;
	v23 =	vld [tilespmem:s19+$0xFFFFFFF0];
	v7 =	vmul.f32 v7, v9  }
0x211: {  	v26 =	vld [tilespmem:s23+$0xFFFFFFF0];
	v6 =	vmul.f32 v13, v6;
	[tilespmem:s3+$0xFFFFFF10] =	vst v5  }
0x212: {  	v16 =	vbroadcast v4, $0x8;
	[tilespmem:s3+$0xC8] =	vst v7;
	v7 =	vmul.f32 v12, v17;
	v12 =	vld [tilespmem:s16+$0xFFFFFF30]  }
0x213: {  	v28 =	vld [tilespmem:s19+$0x0]  }
0x214: {  	v29 =	vld [tilespmem:s23+$0x0];
	[tilespmem:s3+$0x20] =	vst v6;
	v10 =	vmul.f32 v16, v10  }
0x215: {  	v17 =	vld [tilespmem:s16+$0x30];
	v5 =	vpop (erf)  }
0x216: {  	v14 =	vld [tilespmem:s16+$0xD0];
	v15 =	vsel vm0, $0x0, v5;
	[tilespmem:s9+$0x88] =	vst v10  }
0x217: {  	[tilespmem:s9+$0xFFFFFFF0] =	vst v15;
	v11 =	vmul.f32 v12, v11;
	v12 =	vld [tilespmem:s11+$0x90]  }
0x218: {  	s28 =	simm.s32 $0x4660;
	v6 =	vpop (erf);
	v18 =	vld [tilespmem:s11+$0xFFFFFF80]  }
0x219: {  	v53 =	vld [tilespmem:s28+$0xFFFFFFF0];
	[tilespmem:s3+$0xFFFFFFA8] =	vst v7;
	v15 =	vsel vm0, $0x0, v6;
	v7 =	vpop (erf)  }
0x21a: {  	v19 =	vld [tilespmem:s16+$0xFFFFFFC0];
	[tilespmem:s9+$0x78] =	vst v15;
	v15 =	vsel vm0, $0x0, v7  }
0x21b: {  	v13 =	vmul.f32 v17, v13;
	v17 =	vld [tilespmem:s23+$0x10];
	v10 =	vbroadcast v5, $0x8;
	[tilespmem:s9+$0xFFFFFF68] =	vst v15  }
0x21c: {  	v9 =	vmul.f32 v14, v9;
	v14 =	vld [tilespmem:s11+$0xFFFFFF00];
	v12 =	vmul.f32 v16, v12  }
0x21d: {  	[tilespmem:s3+$0xFFFFFF20] =	vst v11;
	v11 =	vmul.f32 v10, v18;
	v16 =	vld [tilespmem:s19+$0x10]  }
0x21e: {  	v20 =	vld [tilespmem:s11+$0x0];
	[tilespmem:s9+$0x98] =	vst v12  }
0x21f: {  	[tilespmem:s9+$0xFFFFFF78] =	vst v11;
	v12 =	vld [tilespmem:s11+$0xA0]  }
0x220: {  	v22 =	vbroadcast v7, $0x8;
	v11 =	vld [tilespmem:s11+$0xFFFFFF90]  }
0x221: {  	v24 =	vbroadcast v1, $0xA;
	v27 =	vbroadcast v6, $0x8;
	[tilespmem:s3+$0xD8] =	vst v9;
	v15 =	vld [tilespmem:s16+$0xFFFFFF40]  }
0x222: {  	v25 =	vbroadcast v4, $0x9;
	v9 =	vld [tilespmem:s16+$0xE0];
	v14 =	vmul.f32 v22, v14;
	v16 =	vadd.f32 v17, v16  }
0x223: {  	v21 =	vbroadcast v3, $0xA;
	[tilespmem:s3+$0x30] =	vst v13;
	v18 =	vld [tilespmem:s23+$0xFFFFFFE0];
	v20 =	vmul.f32 v27, v20  }
0x224: {  	[tilespmem:s9+$0xFFFFFEF0] =	vst v14;
	v14 =	vld [tilespmem:s19+$0xFFFFFFE0];
	v30 =	vmul.f32 $2.000000030e-01, v16;
	v12 =	vmul.f32 v25, v12  }
0x225: {  	v8 =	vbroadcast v8, $0xB;
	v13 =	vld [tilespmem:s16+$0x40];
	[tilespmem:s9+$0x0] =	vst v20;
	v10 =	vmul.f32 v10, v11  }
0x226: {  	v31 =	vbroadcast v5, $0x9;
	v15 =	vmul.f32 v15, v21;
	v11 =	vld [tilespmem:s11+$0xFFFFFF10];
	v16 =	vmax.f32 v16, v30;
	[tilespmem:s9+$0xA8] =	vst v12  }
0x227: {  	[tilespmem:s9+$0xFFFFFF88] =	vst v10;
	v10 =	vadd.f32 v26, v23;
	v12 =	vmul.f32 v19, v24;
	v16 =	vmul.f32 $1.442695020e+00, v16;
	v19 =	vld [tilespmem:s11+$0xB0]  }
0x228: {  	v20 =	vld [tilespmem:s11+$0x10];
	v9 =	vmul.f32 v9, v8;
	v17 =	vbroadcast v2, $0xA;
	v23 =	vadd.f32 v29, v28  }
0x229: {  	s18 =	simm.s32 $0x4E60;
	[tilespmem:s3+$0xFFFFFF30] =	vst v15;
	v14 =	vadd.f32 v18, v14;
	v26 =	vld [tilespmem:s11+$0xFFFFFFA0];
	v15 =	vmul.f32 $2.000000030e-01, v10;
	(erf) = vpow2.f32 v16  }
0x22a: {  	v51 =	vld [tilespmem:s18+$0xFFFFFFE0];
	[tilespmem:s3+$0xE8] =	vst v9;
	v13 =	vmul.f32 v13, v17;
	v16 =	vmul.f32 $2.000000030e-01, v23  }
0x22b: {  	v11 =	vmul.f32 v22, v11;
	[tilespmem:s3+$0xFFFFFFB8] =	vst v12;
	v12 =	vld [tilespmem:s16+$0xFFFFFF50];
	v10 =	vmax.f32 v10, v15;
	v15 =	vmul.f32 $2.000000030e-01, v14  }
0x22c: {  	[tilespmem:s3+$0x40] =	vst v13;
	v13 =	vld [tilespmem:s16+$0xFFFFFFD0];
	v10 =	vmul.f32 $1.442695020e+00, v10;
	v16 =	vmax.f32 v23, v16;
	v18 =	vmul.f32 v19, v25  }
0x22d: {  	v9 =	vld [tilespmem:s16+$0x50];
	[tilespmem:s9+$0xFFFFFF00] =	vst v11;
	v14 =	vmax.f32 v14, v15;
	v15 =	vmul.f32 $1.442695020e+00, v16;
	v19 =	vmul.f32 v27, v20  }
0x22e: {  	v16 =	vmul.f32 v31, v26;
	v11 =	vmul.f32 $1.442695020e+00, v14;
	v14 =	vld [tilespmem:s11+$0xFFFFFF20];
	[tilespmem:s9+$0xB8] =	vst v18  }
0x22f: {  	(erf) = vpow2.f32 v10;
	[tilespmem:s9+$0x10] =	vst v19;
	v10 =	vld [tilespmem:s11+$0xC0]  }
0x230: {  	(erf) = vpow2.f32 v15;
	v12 =	vmul.f32 v12, v21;
	v15 =	vld [tilespmem:s11+$0x20]  }
0x231: {  	v54 =	vld [tilespmem:s18+$0xFFFFFFF0];
	[tilespmem:s9+$0xFFFFFF98] =	vst v16;
	(erf) = vpow2.f32 v11;
	v11 =	vmul.f32 v13, v24  }
0x232: {  	v9 =	vmul.f32 v9, v17;
	v20 =	vld [tilespmem:s16+$0xF0];
	v18 =	vbroadcast v4, $0xA;
	[tilespmem:s3+$0xFFFFFF40] =	vst v12;
	v16 =	vpop (erf)  }
0x233: {  	s13 =	simm.s32 $0x78D0;
	v17 =	vbroadcast v7, $0x9;
	v21 =	vbroadcast v6, $0x9;
	v13 =	vld [tilespmem:s11+$0xFFFFFFB0];
	[tilespmem:s3+$0xFFFFFFC8] =	vst v11;
	v11 =	vsel vm0, $0x0, v16  }
0x234: {  	s15 =	simm.s32 $0x2680;
	v19 =	vld [tilespmem:s16+$0xFFFFFF60];
	[tilespmem:s13+$0x100] =	vst v11;
	v10 =	vmul.f32 v10, v18  }
0x235: {  	[tilespmem:s3+$0x50] =	vst v9;
	v9 =	vmul.f32 v17, v14;
	v12 =	vmul.f32 v21, v15;
	v15 =	vld [tilespmem:s15+$0x80]  }
0x236: {  	v14 =	vld [tilespmem:s16+$0x60];
	[tilespmem:s9+$0xC8] =	vst v10  }
0x237: {  	[tilespmem:s9+$0xFFFFFF10] =	vst v9;
	v9 =	vld [tilespmem:s11+$0xD0]  }
0x238: {  	v24 =	vbroadcast v16, $0x8;
	v23 =	vld [tilespmem:s11+$0xFFFFFF30];
	v11 =	vpop (erf)  }
0x239: {  	v22 =	vld [tilespmem:s16+$0xFFFFFFE0];
	v10 =	vmul.f32 v13, v31;
	[tilespmem:s9+$0x20] =	vst v12;
	v13 =	vsel vm0, $0x0, v11  }
0x23a: {  	v31 =	vld [tilespmem:s18+$0x10];
	[tilespmem:s13+$0xFFFFFFF0] =	vst v13;
	v15 =	vmul.f32 v24, v15  }
0x23b: {  	v8 =	vmul.f32 v20, v8;
	v12 =	vpop (erf);
	[tilespmem:s9+$0xFFFFFFA8] =	vst v10;
	v28 =	vld [tilespmem:s15+$0xFFFFFF80]  }
0x23c: {  	v29 =	vbroadcast v5, $0xA;
	v10 =	vld [tilespmem:s11+$0x30];
	v13 =	vpop (erf);
	[tilespmem:s13+$0x88] =	vst v15;
	v9 =	vmul.f32 v9, v18  }
0x23d: {  	[tilespmem:s3+$0xF8] =	vst v8;
	v27 =	vsel vm0, $0x0, v13;
	v18 =	vbroadcast v3, $0xB;
	v3 =	vmul.f32 v23, v17;
	v17 =	vld [tilespmem:s15+$0x90]  }
0x23e: {  	v30 =	vbroadcast v6, $0xA;
	v26 =	vld [tilespmem:s11+$0xFFFFFFC0];
	[tilespmem:s13+$0xFFFFFF68] =	vst v27;
	v15 =	vbroadcast v11, $0x8  }
0x23f: {  	v52 =	vbroadcast v11, $0x9;
	v20 =	vbroadcast v13, $0x8;
	v27 =	vld [tilespmem:s15+$0xFFFFFF00];
	[tilespmem:s9+$0xD8] =	vst v9  }
0x240: {  	v25 =	vsel vm0, $0x0, v12;
	v9 =	vmul.f32 v19, v18;
	[tilespmem:s9+$0xFFFFFF20] =	vst v3;
	v19 =	vmul.f32 v15, v28;
	v3 =	vld [tilespmem:s11+$0xE0]  }
0x241: {  	[tilespmem:s13+$0x78] =	vst v25;
	v55 =	vbroadcast v13, $0x9;
	v10 =	vmul.f32 v10, v21;
	v21 =	vld [tilespmem:s11+$0xFFFFFF40]  }
0x242: {  	v25 =	vld [tilespmem:s15+$0x0];
	v23 =	vbroadcast v1, $0xB;
	[tilespmem:s13+$0xFFFFFF78] =	vst v19;
	v1 =	vmul.f32 v24, v17  }
0x243: {  	v28 =	vbroadcast v2, $0xB;
	[tilespmem:s3+$0xFFFFFF50] =	vst v9;
	v9 =	vbroadcast v4, $0xB;
	v4 =	vld [tilespmem:s15+$0xFFFFFF90]  }
0x244: {  	v26 =	vmul.f32 v26, v29;
	v17 =	vbroadcast v7, $0xA;
	v24 =	vld [tilespmem:s28+$0x10];
	[tilespmem:s13+$0x98] =	vst v1  }
0x245: {  	[tilespmem:s9+$0x30] =	vst v10;
	v1 =	vbroadcast v5, $0xB;
	v2 =	vmul.f32 v3, v9;
	v5 =	vld [tilespmem:s15+$0xA0]  }
0x246: {  	v10 =	vld [tilespmem:s11+$0x40];
	[tilespmem:s9+$0xFFFFFFB8] =	vst v26;
	v8 =	vmul.f32 v20, v27;
	v21 =	vmul.f32 v21, v17  }
0x247: {  	v19 =	vld [tilespmem:s16+$0xFFFFFF70];
	[tilespmem:s9+$0xE8] =	vst v2;
	v2 =	vbroadcast v6, $0xB;
	v6 =	vbroadcast v12, $0x8  }
0x248: {  	v27 =	vbroadcast v16, $0x9;
	[tilespmem:s13+$0xFFFFFEF0] =	vst v8;
	v8 =	vld [tilespmem:s18+$0x0];
	v15 =	vmul.f32 v15, v4  }
0x249: {  	v3 =	vbroadcast v7, $0xB;
	v24 =	vadd.f32 v31, v24;
	[tilespmem:s9+$0xFFFFFF30] =	vst v21;
	v7 =	vld [tilespmem:s11+$0xF0];
	v25 =	vmul.f32 v6, v25  }
0x24a: {  	v22 =	vmul.f32 v22, v23;
	v21 =	vld [tilespmem:s28+$0xFFFFFFE0];
	[tilespmem:s13+$0xFFFFFF88] =	vst v15;
	v5 =	vmul.f32 v27, v5  }
0x24b: {  	v10 =	vmul.f32 v10, v30;
	v37 =	vmul.f32 $2.000000030e-01, v24;
	v15 =	vadd.f32 v54, v53;
	[tilespmem:s13+$0x0] =	vst v25;
	v25 =	vld [tilespmem:s28+$0x0]  }
0x24c: {  	v14 =	vmul.f32 v14, v28;
	v31 =	vbroadcast v12, $0x9;
	[tilespmem:s13+$0xA8] =	vst v5;
	v5 =	vld [tilespmem:s15+$0xFFFFFF10]  }
0x24d: {  	v18 =	vmul.f32 v19, v18;
	[tilespmem:s9+$0x40] =	vst v10;
	v24 =	vmax.f32 v24, v37;
	v10 =	vmul.f32 $2.000000030e-01, v15;
	v26 =	vld [tilespmem:s15+$0xB0]  }
0x24e: {  	v24 =	vmul.f32 $1.442695020e+00, v24;
	v7 =	vmul.f32 v7, v9;
	v9 =	vld [tilespmem:s15+$0xFFFFFFA0]  }
0x24f: {  	v4 =	vbroadcast v13, $0xA;
	[tilespmem:s3+$0xFFFFFF60] =	vst v18;
	v18 =	vbroadcast v16, $0xA;
	v56 =	vld [tilespmem:s15+$0x10];
	v19 =	vadd.f32 v51, v21  }
0x250: {  	v21 =	vld [tilespmem:s11+$0xFFFFFF50];
	(erf) = vpow2.f32 v24;
	[tilespmem:s9+$0xF8] =	vst v7;
	v7 =	vmax.f32 v15, v10;
	v8 =	vadd.f32 v8, v25  }
0x251: {  	[tilespmem:s3+$0xFFFFFFD8] =	vst v22;
	v7 =	vmul.f32 $1.442695020e+00, v7;
	v5 =	vmul.f32 v20, v5  }
0x252: {  	[tilespmem:s3+$0x60] =	vst v14;
	v22 =	vld [tilespmem:s11+$0x50];
	v14 =	vmul.f32 $2.000000030e-01, v8;
	v15 =	vmul.f32 v26, v27  }
0x253: {  	v10 =	vmul.f32 $2.000000030e-01, v19;
	v20 =	vld [tilespmem:s11+$0xFFFFFFD0];
	v9 =	vmul.f32 v52, v9;
	[tilespmem:s13+$0xFFFFFF00] =	vst v5  }
0x254: {  	(erf) = vpow2.f32 v7;
	v5 =	vmul.f32 v6, v56;
	v8 =	vmax.f32 v8, v14;
	v14 =	vld [tilespmem:s16+$0xFFFFFFF0];
	[tilespmem:s13+$0xB8] =	vst v15  }
0x255: {  	v7 =	vmul.f32 v21, v17;
	v6 =	vmax.f32 v19, v10;
	v19 =	vld [tilespmem:s15+$0xFFFFFF20];
	[tilespmem:s13+$0xFFFFFF98] =	vst v9;
	v8 =	vmul.f32 $1.442695020e+00, v8  }
0x256: {  	v10 =	vbroadcast v11, $0xA;
	v6 =	vmul.f32 $1.442695020e+00, v6;
	[tilespmem:s13+$0x10] =	vst v5;
	v5 =	vld [tilespmem:s15+$0xC0]  }
0x257: {  	[tilespmem:s9+$0xFFFFFF40] =	vst v7;
	v7 =	vmul.f32 v22, v30;
	v17 =	vld [tilespmem:s15+$0xFFFFFFB0];
	(erf) = vpow2.f32 v8  }
0x258: {  	v15 =	vld [tilespmem:s15+$0x20];
	(erf) = vpow2.f32 v6;
	v6 =	vmul.f32 v20, v29  }
0x259: {  	v24 =	vld [tilespmem:s11+$0xFFFFFF60];
	[tilespmem:s9+$0x50] =	vst v7;
	v7 =	vbroadcast v11, $0xB;
	v8 =	vbroadcast v12, $0xA;
	v9 =	vpop (erf)  }
0x25a: {  	v20 =	vld [tilespmem:s16+$0x70];
	s16 =	simm.s32 $0x7AF0;
	v11 =	vmul.f32 v55, v19;
	[tilespmem:s9+$0xFFFFFFC8] =	vst v6;
	v6 =	vbroadcast v13, $0xB;
	v13 =	vsel vm0, $0x0, v9  }
0x25b: {  	v22 =	vld [tilespmem:s11+$0x60];
	v25 =	vmul.f32 v5, v18;
	v5 =	vbroadcast v12, $0xB;
	[tilespmem:s16+$0x100] =	vst v13  }
0x25c: {  	s17 =	simm.s32 $0x2880;
	v12 =	vmul.f32 v14, v23;
	v14 =	vmul.f32 v17, v52;
	v21 =	vld [tilespmem:s11+$0xFFFFFFE0];
	[tilespmem:s13+$0xFFFFFF10] =	vst v11  }
0x25d: {  	v13 =	vmul.f32 v31, v15;
	v15 =	vld [tilespmem:s17+$0x80];
	[tilespmem:s13+$0xC8] =	vst v25  }
0x25e: {  	v27 =	vmul.f32 v24, v3;
	[tilespmem:s13+$0xFFFFFFA8] =	vst v14;
	v17 =	vld [tilespmem:s15+$0xD0]  }
0x25f: {  	v58 =	vbroadcast v9, $0x8;
	v57 =	vpop (erf);
	v19 =	vld [tilespmem:s15+$0xFFFFFF30];
	[tilespmem:s13+$0x20] =	vst v13  }
0x260: {  	v26 =	vbroadcast v57, $0x8;
	[tilespmem:s9+$0xFFFFFF50] =	vst v27;
	v11 =	vmul.f32 v20, v28;
	v13 =	vsel vm0, $0x0, v57;
	v24 =	vld [tilespmem:s15+$0x30];
	v20 =	vpop (erf)  }
0x261: {  	v14 =	vbroadcast v57, $0x9;
	v27 =	vbroadcast v16, $0xB;
	v28 =	vld [tilespmem:s15+$0xFFFFFFC0];
	[tilespmem:s16+$0xFFFFFFF0] =	vst v13;
	v13 =	vsel vm0, $0x0, v20;
	v29 =	vpop (erf)  }
0x262: {  	v16 =	vbroadcast v57, $0xB;
	v59 =	vld [tilespmem:s17+$0xFFFFFF80];
	v60 =	vmul.f32 v58, v15;
	v30 =	vsel vm0, $0x0, v29;
	[tilespmem:s16+$0x78] =	vst v13  }
0x263: {  	v23 =	vbroadcast v20, $0x8;
	v17 =	vmul.f32 v17, v18;
	[tilespmem:s16+$0xFFFFFF68] =	vst v30;
	v30 =	vld [tilespmem:s17+$0x0]  }
0x264: {  	v62 =	vmul.f32 v19, v55;
	v25 =	vbroadcast v29, $0x8;
	[tilespmem:s16+$0x88] =	vst v60;
	v61 =	vld [tilespmem:s17+$0xFFFFFF00]  }
0x265: {  	v15 =	vbroadcast v29, $0x9;
	v24 =	vmul.f32 v24, v31;
	v63 =	vld [tilespmem:s17+$0x90];
	[tilespmem:s13+$0xD8] =	vst v17  }
0x266: {  	v13 =	vbroadcast v20, $0x9;
	v19 =	vbroadcast v29, $0xA;
	[tilespmem:s13+$0xFFFFFF20] =	vst v62;
	v32 =	vld [tilespmem:s15+$0xE0]  }
0x267: {  	v18 =	vbroadcast v57, $0xA;
	v33 =	vmul.f32 v26, v59;
	v31 =	vld [tilespmem:s15+$0xFFFFFF40];
	[tilespmem:s13+$0x30] =	vst v24  }
0x268: {  	v28 =	vmul.f32 v28, v10;
	v38 =	vmul.f32 v23, v30;
	v30 =	vld [tilespmem:s15+$0x40]  }
0x269: {  	v24 =	vbroadcast v29, $0xB;
	v29 =	vld [tilespmem:s11+$0xFFFFFF70];
	[tilespmem:s16+$0xFFFFFF78] =	vst v33;
	v34 =	vmul.f32 v25, v61  }
0x26a: {  	s23 =	simm.s32 $0x46A0;
	s19 =	simm.s32 $0xC;
	v17 =	vbroadcast v20, $0xA;
	v33 =	vld [tilespmem:s17+$0xFFFFFF90];
	v35 =	vmul.f32 v58, v63;
	[tilespmem:s16+$0x0] =	vst v38  }
.LBB2_7:
0x26b: {  	v36 =	vld [tilespmem:s23+$0x10];
	[tilespmem:s16+$0xFFFFFEF0] =	vst v34;
	v20 =	vbroadcast v20, $0xB;
	s18 =	sadd.s32 $0x40, s18;
	v32 =	vmul.f32 v32, v27  }
0x26c: {  	v21 =	vmul.f32 v21, v1;
	v34 =	vld [tilespmem:s18+$0x10];
	[tilespmem:s16+$0x98] =	vst v35;
	v31 =	vmul.f32 v31, v4  }
0x26d: {  	v22 =	vmul.f32 v22, v2;
	v35 =	vld [tilespmem:s17+$0xA0];
	v30 =	vmul.f32 v30, v8;
	[tilespmem:s13+$0xE8] =	vst v32  }
0x26e: {  	s19 =	sadd.s32 $0x4, s19;
	[tilespmem:s13+$0xFFFFFF30] =	vst v31;
	v31 =	vld [tilespmem:s15+$0xF0];
	v29 =	vmul.f32 v29, v3;
	v3 =	vmov v6;
	v6 =	vmov v24  }
0x26f: {  	p1 =	slt.u32 s19, $0x3C;
	v24 =	vld [tilespmem:s18+$0xFFFFFFE0];
	v26 =	vmul.f32 v26, v33;
	[tilespmem:s13+$0xFFFFFFB8] =	vst v28  }
0x270: {  	v32 =	vbroadcast v9, $0x9;
	v28 =	vld [tilespmem:s23+$0xFFFFFFF0];
	[tilespmem:s13+$0x40] =	vst v30  }
0x271: {  	v30 =	vld [tilespmem:s18+$0xFFFFFFF0];
	[tilespmem:s16+$0xFFFFFF88] =	vst v26  }
0x272: {  	v33 =	vadd.f32 v34, v36;
	v26 =	vld [tilespmem:s23+$0x0];
	v34 =	vmul.f32 v32, v35;
	[tilespmem:s9+$0xFFFFFFD8] =	vst v21  }
0x273: {  	v21 =	vld [tilespmem:s18+$0x0];
	v27 =	vmul.f32 v31, v27;
	[tilespmem:s9+$0x60] =	vst v22  }
0x274: {  	v31 =	vmul.f32 $2.000000030e-01, v33;
	v22 =	vld [tilespmem:s23+$0xFFFFFFE0];
	[tilespmem:s16+$0xA8] =	vst v34  }
0x275: {  	v34 =	vld [tilespmem:s17+$0xFFFFFF10];
	[tilespmem:s13+$0xF8] =	vst v27  }
0x276: {  	v27 =	vadd.f32 v30, v28;
	v28 =	vmax.f32 v33, v31;
	v30 =	vld [tilespmem:s17+$0xB0];
	[tilespmem:s9+$0xFFFFFF60] =	vst v29  }
0x277: {  	v28 =	vmul.f32 $1.442695020e+00, v28;
	v29 =	vld [tilespmem:s17+$0x10];
	[tilespmem:s3+$0xFFFFFFE8] =	vst v12  }
0x278: {  	v12 =	vmul.f32 $2.000000030e-01, v27;
	v21 =	vadd.f32 v21, v26;
	v26 =	vld [tilespmem:s17+$0xFFFFFFA0];
	[tilespmem:s3+$0x70] =	vst v11;
	s3 =	smov.u32 s9;
	s9 =	smov.u32 s13;
	s13 =	smov.u32 s16  }
0x279: {  	v11 =	vadd.f32 v24, v22;
	(erf) = vpow2.f32 v28;
	v22 =	vld [tilespmem:s15+$0xFFFFFF50]  }
0x27a: {  	v12 =	vmax.f32 v27, v12;
	v24 =	vmul.f32 $2.000000030e-01, v21;
	v25 =	vmul.f32 v25, v34;
	v27 =	vld [tilespmem:s15+$0xFFFFFFD0]  }
0x27b: {  	v28 =	vmul.f32 $2.000000030e-01, v11;
	v30 =	vmul.f32 v30, v32;
	v31 =	vld [tilespmem:s15+$0x50]  }
0x27c: {  	v12 =	vmul.f32 $1.442695020e+00, v12;
	v21 =	vmax.f32 v21, v24;
	[tilespmem:s16+$0xFFFFFF00] =	vst v25;
	v23 =	vmul.f32 v23, v29;
	v24 =	vld [tilespmem:s11+$0xFFFFFFF0]  }
0x27d: {  	v11 =	vmax.f32 v11, v28;
	v21 =	vmul.f32 $1.442695020e+00, v21;
	v25 =	vld [tilespmem:s17+$0xFFFFFF20];
	v26 =	vmul.f32 v14, v26;
	[tilespmem:s16+$0xB8] =	vst v30  }
0x27e: {  	v11 =	vmul.f32 $1.442695020e+00, v11;
	(erf) = vpow2.f32 v12;
	[tilespmem:s16+$0x10] =	vst v23;
	v23 =	vld [tilespmem:s17+$0xC0]  }
0x27f: {  	v12 =	vmul.f32 v22, v4;
	v4 =	vmov v19;
	(erf) = vpow2.f32 v21;
	[tilespmem:s16+$0xFFFFFF98] =	vst v26;
	v26 =	vld [tilespmem:s17+$0x20]  }
0x280: {  	v19 =	vmul.f32 v27, v10;
	v10 =	vmov v18;
	(erf) = vpow2.f32 v11;
	v11 =	vld [tilespmem:s17+$0xFFFFFFB0]  }
0x281: {  	v18 =	vbroadcast v9, $0xA;
	v22 =	vmul.f32 v31, v8;
	v8 =	vmov v17;
	[tilespmem:s9+$0xFFFFFF40] =	vst v12;
	v27 =	vld [tilespmem:s11+$0x70];
	s11 =	smov.u32 s15;
	s15 =	smov.u32 s17  }
0x282: {  	v12 =	vmul.f32 v24, v1;
	v1 =	vmov v7;
	v33 =	vpop (erf);
	v17 =	vmul.f32 v15, v25;
	v25 =	vld [tilespmem:s11+$0xFFFFFF60];
	[tilespmem:s9+$0xFFFFFFC8] =	vst v19  }
0x283: {  	s16 =	sadd.s32 $0x220, s16;
	v7 =	vmov v16;
	v19 =	vsel vm0, $0x0, v33;
	v23 =	vmul.f32 v23, v18;
	v21 =	vld [tilespmem:s11+$0xFFFFFFE0];
	[tilespmem:s9+$0x50] =	vst v22  }
0x284: {  	s17 =	sadd.s32 $0x200, s17;
	[tilespmem:s16+$0x100] =	vst v19;
	v16 =	vmul.f32 v13, v26;
	v22 =	vld [tilespmem:s11+$0x60]  }
0x285: {  	v19 =	vld [tilespmem:s17+$0x80];
	v14 =	vmul.f32 v11, v14;
	[tilespmem:s13+$0xC8] =	vst v23  }
0x286: {  	[tilespmem:s13+$0xFFFFFF10] =	vst v17;
	v17 =	vld [tilespmem:s15+$0xD0];
	v11 =	vmul.f32 v27, v2;
	v2 =	vmov v5;
	v5 =	vmov v20  }
0x287: {  	v35 =	vpop (erf);
	v24 =	vld [tilespmem:s15+$0xFFFFFF30];
	[tilespmem:s13+$0x20] =	vst v16;
	v16 =	vmul.f32 v25, v3  }
0x288: {  	v36 =	vbroadcast v33, $0x8;
	v23 =	vsel vm0, $0x0, v35;
	v26 =	vbroadcast v35, $0x8;
	v20 =	vpop (erf);
	[tilespmem:s13+$0xFFFFFFA8] =	vst v14;
	v27 =	vld [tilespmem:s15+$0x30]  }
0x289: {  	v14 =	vbroadcast v35, $0x9;
	[tilespmem:s16+$0xFFFFFFF0] =	vst v23;
	v28 =	vsel vm0, $0x0, v20;
	v23 =	vbroadcast v20, $0x8;
	v29 =	vpop (erf);
	v30 =	vld [tilespmem:s15+$0xFFFFFFC0]  }
0x28a: {  	v31 =	vsel vm0, $0x0, v29;
	v25 =	vbroadcast v29, $0x8;
	v34 =	vld [tilespmem:s17+$0xFFFFFF80];
	[tilespmem:s16+$0x78] =	vst v28;
	v19 =	vmul.f32 v36, v19  }
0x28b: {  	v28 =	vbroadcast v29, $0x9;
	[tilespmem:s16+$0xFFFFFF68] =	vst v31;
	v37 =	vld [tilespmem:s17+$0x0];
	v17 =	vmul.f32 v17, v18  }
0x28c: {  	v31 =	vbroadcast v20, $0x9;
	v38 =	vld [tilespmem:s17+$0xFFFFFF00];
	[tilespmem:s16+$0x88] =	vst v19;
	v24 =	vmul.f32 v24, v15  }
0x28d: {  	v19 =	vbroadcast v29, $0xA;
	v15 =	vmov v28;
	v39 =	vld [tilespmem:s17+$0x90];
	v27 =	vmul.f32 v27, v13;
	[tilespmem:s13+$0xD8] =	vst v17  }
.Ltmp4:
0x28e: {  	v18 =	vbroadcast v35, $0xA;
	v17 =	vbroadcast v20, $0xA;
	v13 =	vmov v31;
	[tilespmem:s13+$0xFFFFFF20] =	vst v24;
	v32 =	vld [tilespmem:s15+$0xE0];
	(pc) =	sbr.rel @p1 .LBB2_7-.Ltmp4, $4  }
0x28f: {  	v28 =	vmul.f32 v30, v10;
	v40 =	vmul.f32 v26, v34;
	v31 =	vld [tilespmem:s15+$0xFFFFFF40];
	[tilespmem:s13+$0x30] =	vst v27  }
0x290: {  	v24 =	vbroadcast v29, $0xB;
	v37 =	vmul.f32 v23, v37;
	v30 =	vld [tilespmem:s15+$0x40];
	[tilespmem:s9+$0xFFFFFF50] =	vst v16  }
0x291: {  	v27 =	vbroadcast v9, $0xB;
	v9 =	vmov v33;
	v34 =	vmul.f32 v25, v38;
	[tilespmem:s16+$0xFFFFFF78] =	vst v40;
	v29 =	vld [tilespmem:s11+$0xFFFFFF70]  }
0x292: {  	s23 =	sadd.s32 $0x40, s23;
	v16 =	vbroadcast v35, $0xB;
	v33 =	vld [tilespmem:s17+$0xFFFFFF90];
	[tilespmem:s16+$0x0] =	vst v37;
	v35 =	vmul.f32 v36, v39  }
0x293: {  	[tilespmem:s16+$0xFFFFFEF0] =	vst v34  }
0x294: {  	v34 =	vld [tilespmem:s17+$0xFFFFFF10]  }
0x295: {  	v36 =	vld [tilespmem:s17+$0x10];
	_ =	sdelay $0x3  }
0x296: {  	v25 =	vmul.f32 v25, v34  }
0x297: {  	[tilespmem:s16+$0x98] =	vst v35;
	v23 =	vmul.f32 v23, v36  }
0x298: {  	v35 =	vld [tilespmem:s17+$0xA0];
	v26 =	vmul.f32 v26, v33;
	[tilespmem:s16+$0xFFFFFF00] =	vst v25  }
0x299: {  	[tilespmem:s16+$0x10] =	vst v23;
	v55 =	vld [tilespmem:s17+$0xFFFFFF20]  }
0x29a: {  	[tilespmem:s16+$0xFFFFFF88] =	vst v26;
	v23 =	vld [tilespmem:s17+$0x20]  }
0x29b: {  	v53 =	vbroadcast v9, $0x9;
	v26 =	vld [tilespmem:s17+$0xFFFFFFA0];
	_ =	sdelay $0x1  }
0x29c: {  	v54 =	vmul.f32 v53, v35  }
0x29d: {  	[tilespmem:s13+$0xFFFFFFB8] =	vst v28;
	v33 =	vmul.f32 v15, v55  }
0x29e: {  	[tilespmem:s16+$0xA8] =	vst v54;
	v23 =	vmul.f32 v13, v23  }
0x29f: {  	v25 =	vld [tilespmem:s17+$0xB0];
	v26 =	vmul.f32 v14, v26;
	[tilespmem:s16+$0xFFFFFF10] =	vst v33  }
0x2a0: {  	[tilespmem:s16+$0x20] =	vst v23;
	v33 =	vld [tilespmem:s17+$0xFFFFFF30]  }
0x2a1: {  	[tilespmem:s16+$0xFFFFFF98] =	vst v26;
	v23 =	vld [tilespmem:s17+$0x30]  }
0x2a2: {  	v56 =	vmul.f32 v32, v27;
	[tilespmem:s3+$0xFFFFFFE8] =	vst v12;
	v59 =	vld [tilespmem:s17+$0xFFFFFFB0]  }
0x2a3: {  	v21 =	vmul.f32 v21, v1;
	[tilespmem:s3+$0x70] =	vst v11  }
0x2a4: {  	[tilespmem:s13+$0xE8] =	vst v56;
	v25 =	vmul.f32 v25, v53  }
0x2a5: {  	[tilespmem:s9+$0xFFFFFFD8] =	vst v21;
	v61 =	vmul.f32 v33, v15  }
0x2a6: {  	[tilespmem:s16+$0xB8] =	vst v25;
	v35 =	vmul.f32 v23, v13  }
0x2a7: {  	v57 =	vld [tilespmem:s17+$0xC0];
	v34 =	vmul.f32 v59, v14;
	[tilespmem:s16+$0xFFFFFF20] =	vst v61  }
0x2a8: {  	v37 =	vmul.f32 v22, v2;
	[tilespmem:s16+$0x30] =	vst v35;
	v15 =	vld [tilespmem:s17+$0xFFFFFF40]  }
0x2a9: {  	v58 =	vmul.f32 v31, v4;
	[tilespmem:s16+$0xFFFFFFA8] =	vst v34;
	v40 =	vld [tilespmem:s17+$0x40]  }
0x2aa: {  	v60 =	vbroadcast v9, $0xA;
	v62 =	vmul.f32 v30, v8;
	[tilespmem:s9+$0x60] =	vst v37;
	v38 =	vld [tilespmem:s17+$0xFFFFFFC0]  }
0x2ab: {  	v42 =	vld [tilespmem:s15+$0xFFFFFFD0];
	[tilespmem:s13+$0xFFFFFF30] =	vst v58;
	v3 =	vmul.f32 v29, v3  }
0x2ac: {  	v63 =	vld [tilespmem:s15+$0xF0];
	[tilespmem:s13+$0x40] =	vst v62;
	v33 =	vmul.f32 v57, v60  }
0x2ad: {  	[tilespmem:s9+$0xFFFFFF60] =	vst v3;
	v43 =	vld [tilespmem:s15+$0x50];
	v15 =	vmul.f32 v15, v19  }
0x2ae: {  	v41 =	vld [tilespmem:s15+$0xFFFFFF50];
	[tilespmem:s16+$0xC8] =	vst v33;
	v21 =	vmul.f32 v40, v17  }
0x2af: {  	v36 =	vld [tilespmem:s17+$0xD0];
	v3 =	vmul.f32 v38, v18;
	[tilespmem:s16+$0xFFFFFF30] =	vst v15  }
0x2b0: {  	v10 =	vmul.f32 v42, v10;
	[tilespmem:s16+$0x40] =	vst v21;
	v15 =	vld [tilespmem:s17+$0xFFFFFF50]  }
0x2b1: {  	v39 =	vmul.f32 v63, v27;
	[tilespmem:s16+$0xFFFFFFB8] =	vst v3;
	v46 =	vld [tilespmem:s17+$0x50]  }
0x2b2: {  	[tilespmem:s13+$0xFFFFFFC8] =	vst v10;
	v50 =	vmul.f32 v43, v8;
	v3 =	vld [tilespmem:s17+$0xFFFFFFD0]  }
0x2b3: {  	v58 =	vld [tilespmem:s11+$0x70];
	v44 =	vmul.f32 v41, v4;
	[tilespmem:s13+$0xF8] =	vst v39  }
0x2b4: {  	v10 =	vld [tilespmem:s15+$0xFFFFFFE0];
	[tilespmem:s13+$0x50] =	vst v50;
	v23 =	vmul.f32 v36, v60  }
0x2b5: {  	[tilespmem:s13+$0xFFFFFF40] =	vst v44;
	v52 =	vld [tilespmem:s15+$0x60];
	v49 =	vmul.f32 v15, v19  }
0x2b6: {  	v47 =	vld [tilespmem:s15+$0xFFFFFF60];
	[tilespmem:s16+$0xD8] =	vst v23;
	v4 =	vmul.f32 v46, v17  }
0x2b7: {  	v45 =	vld [tilespmem:s17+$0xE0];
	v3 =	vmul.f32 v3, v18;
	[tilespmem:s16+$0xFFFFFF40] =	vst v49  }
0x2b8: {  	v2 =	vmul.f32 v58, v2;
	[tilespmem:s16+$0x50] =	vst v4;
	v51 =	vld [tilespmem:s17+$0xFFFFFF60]  }
0x2b9: {  	v53 =	vmul.f32 v10, v7;
	[tilespmem:s16+$0xFFFFFFC8] =	vst v3;
	v54 =	vld [tilespmem:s17+$0x60]  }
0x2ba: {  	v48 =	vbroadcast v9, $0xB;
	[tilespmem:s9+$0x70] =	vst v2;
	v13 =	vmul.f32 v52, v5;
	v3 =	vld [tilespmem:s17+$0xFFFFFFE0]  }
0x2bb: {  	v56 =	vld [tilespmem:s11+$0xFFFFFFF0];
	v12 =	vmul.f32 v47, v6;
	[tilespmem:s13+$0xFFFFFFD8] =	vst v53  }
0x2bc: {  	v59 =	vld [tilespmem:s15+$0xFFFFFFF0];
	v57 =	vbroadcast v20, $0xB;
	[tilespmem:s13+$0x60] =	vst v13;
	v14 =	vmul.f32 v45, v48  }
0x2bd: {  	[tilespmem:s13+$0xFFFFFF50] =	vst v12;
	v61 =	vld [tilespmem:s15+$0x70];
	v8 =	vmul.f32 v51, v24  }
0x2be: {  	v55 =	vld [tilespmem:s15+$0xFFFFFF70];
	[tilespmem:s16+$0xE8] =	vst v14;
	v10 =	vmul.f32 v54, v57  }
0x2bf: {  	v14 =	vld [tilespmem:s17+$0xF0];
	v3 =	vmul.f32 v3, v16;
	[tilespmem:s16+$0xFFFFFF50] =	vst v8  }
0x2c0: {  	v1 =	vmul.f32 v56, v1;
	[tilespmem:s16+$0x60] =	vst v10;
	v8 =	vld [tilespmem:s17+$0xFFFFFF70]  }
0x2c1: {  	v2 =	vmul.f32 v59, v7;
	[tilespmem:s16+$0xFFFFFFD8] =	vst v3;
	v62 =	vld [tilespmem:s17+$0x70]  }
0x2c2: {  	[tilespmem:s9+$0xFFFFFFE8] =	vst v1;
	v63 =	vmul.f32 v61, v5;
	v3 =	vld [tilespmem:s17+$0xFFFFFFF0]  }
0x2c3: {  	[tilespmem:s13+$0xFFFFFFE8] =	vst v2;
	v60 =	vmul.f32 v55, v6  }
0x2c4: {  	s31 =	sadd.s32 $0x1, s31;
	[tilespmem:s13+$0x70] =	vst v63;
	v9 =	vmul.f32 v14, v48  }
0x2c5: {  	p1 =	sne.s32 s31, $0x4E;
	[tilespmem:s13+$0xFFFFFF60] =	vst v60;
	v1 =	vmul.f32 v8, v24  }
.Ltmp5:
0x2c6: {  	[tilespmem:s16+$0xF8] =	vst v9;
	v2 =	vmul.f32 v62, v57;
	(pc) =	sbr.rel @p1 .LBB2_4-.Ltmp5, $4  }
0x2c7: {  	[tilespmem:s16+$0xFFFFFF60] =	vst v1;
	v1 =	vmul.f32 v3, v16  }
0x2c8: {  	[tilespmem:s16+$0x70] =	vst v2  }
0x2c9: {  	[tilespmem:s16+$0xFFFFFFE8] =	vst v1  }
0x2ca: {  	[spmem:s2] =	stream.indirect.scatter.add.f32 [tilespmem:s25], [sflag:$0x5], $0x88, s24, s10, $0xb8;
	[tilespmem:$0x1E980] =	vst v63  }
0x2cb: {  	_ =	swait.ge [sflag:s26], $0x2200  }
.Ltmp6:
0x2cc: {  	[sflag:s26] =	ssyncset.done $0x0;
	(pc) =	sbr.rel @p0 .LBB2_13-.Ltmp6, $4  }
0x2cd: {  	[sflag:s26] =	ssyncadd.s32 $0xFFFFDE00  }
0x2ce: {  	_ =	swait.ge [sflag:s26], $0x2200  }
0x2cf: {  	[sflag:s26] =	ssyncset.done $0x0  }
0x2d0: {  	s13 =	rddreg [dreg:$0x1a];
	[sflag:s26] =	ssyncadd.s32 $0xFFFFDE00  }
0x2d1: {  	s3 =	simm.s32 $0x0;
	s9 =	rddreg [dreg:$0x17]  }
0x2d2: {  	[tilespmem:s3], [sflag:$0x6] =	stream.linear.gather [hbm4b:s9+s3], $0x40, $0x38;
	[tilespmem:$0x1E980] =	vst v63  }
0x2d3: {  	_ =	swait.ge [sflag:s4], $0x40  }
0x2d4: {  	[sflag:s4] =	ssyncset.done $0x0  }
0x2d5: {  	s11 =	simm.s32 $0x80;
	s13 =	rddreg [dreg:$0x18];
	[sflag:s4] =	ssyncadd.s32 $0xFFFFFFC0  }
0x2d6: {  	[tilespmem:s11], [sflag:$0x6] =	stream.linear.gather [hbm4b:s13+s3], $0x40, $0x38;
	[tilespmem:$0x1E980] =	vst v63  }
0x2d7: {  	_ =	swait.ge [sflag:s4], $0x40  }
0x2d8: {  	[sflag:s4] =	ssyncset.done $0x0  }
0x2d9: {  	s15 =	simm.s32 $0x180;
	[sflag:s4] =	ssyncadd.s32 $0xFFFFFFC0  }
0x2da: {  	[tilespmem:s15], [sflag:$0x2] =	stream.indirect.gather [hbm4b:s1+s10], $0x80, s3, s10, $0xb8;
	[tilespmem:$0x1E980] =	vst v63  }
0x2db: {  	s16 =	simm.s32 $0x4180  }
0x2dc: {  	[tilespmem:s16], [sflag:$0x3] =	stream.indirect.gather [hbm4b:s5+s10], $0x10, s3, s10, $0xb8;
	[tilespmem:$0x1E980] =	vst v63  }
0x2dd: {  	s17 =	simm.s32 $0x4980  }
0x2de: {  	[tilespmem:s17], [sflag:$0x4] =	stream.indirect.gather [hbm4b:s6+s10], $0x10, s11, s10, $0xb8;
	[tilespmem:$0x1E980] =	vst v63  }
0x2df: {  	_ =	swait.ge [sflag:s20], $0x2000  }
0x2e0: {  	[sflag:s20] =	ssyncset.done $0x0  }
0x2e1: {  	[sflag:s20] =	ssyncadd.s32 $0xFFFFE000  }
0x2e2: {  	_ =	swait.ge [sflag:s21], $0x400  }
0x2e3: {  	[sflag:s21] =	ssyncset.done $0x0  }
0x2e4: {  	[sflag:s21] =	ssyncadd.s32 $0xFFFFFC00  }
0x2e5: {  	_ =	swait.ge [sflag:s22], $0x400  }
0x2e6: {  	[sflag:s22] =	ssyncset.done $0x0  }
0x2e7: {  	s18 =	simm.s32 $0x41A0;
	[sflag:s22] =	ssyncadd.s32 $0xFFFFFC00  }
0x2e8: {  	s19 =	simm.s32 $0x49A0;
	v1 =	vld [tilespmem:s18+$0x10]  }
0x2e9: {  	v2 =	vld [tilespmem:s19+$0x10];
	_ =	sdelay $0x4  }
0x2ea: {  	v3 =	vld [tilespmem:s19+$0xFFFFFFF0];
	v1 =	vadd.f32 v2, v1  }
0x2eb: {  	v2 =	vld [tilespmem:s18+$0xFFFFFFF0]  }
0x2ec: {  	v4 =	vmul.f32 $2.000000030e-01, v1;
	_ =	sdelay $0x1  }
0x2ed: {  	v5 =	vld [tilespmem:s19+$0xFFFFFFE0];
	v1 =	vmax.f32 v1, v4  }
0x2ee: {  	v6 =	vld [tilespmem:s19+$0x0];
	v1 =	vmul.f32 $1.442695020e+00, v1  }
0x2ef: {  	v4 =	vld [tilespmem:s18+$0x0];
	v2 =	vadd.f32 v3, v2  }
0x2f0: {  	v7 =	vld [tilespmem:s18+$0xFFFFFFE0];
	(erf) = vpow2.f32 v1  }
0x2f1: {  	v1 =	vmul.f32 $2.000000030e-01, v2;
	_ =	sdelay $0x1  }
0x2f2: {  	v1 =	vmax.f32 v2, v1  }
0x2f3: {  	v3 =	vadd.f32 v6, v4;
	v1 =	vmul.f32 $1.442695020e+00, v1  }
0x2f4: {  	v2 =	vadd.f32 v5, v7  }
0x2f5: {  	v4 =	vmul.f32 $2.000000030e-01, v3;
	(erf) = vpow2.f32 v1  }
0x2f6: {  	v5 =	vmul.f32 $2.000000030e-01, v2  }
0x2f7: {  	v1 =	vmax.f32 v3, v4  }
0x2f8: {  	v2 =	vmax.f32 v2, v5;
	v1 =	vmul.f32 $1.442695020e+00, v1;
	v8 =	vpop (erf)  }
0x2f9: {  	s3 =	simm.s32 $0x5290;
	v2 =	vmul.f32 $1.442695020e+00, v2;
	v3 =	vsel vm0, $0x0, v8  }
0x2fa: {  	s16 =	simm.s32 $0x280;
	(erf) = vpow2.f32 v1;
	[tilespmem:s3+$0x100] =	vst v3  }
0x2fb: {  	(erf) = vpow2.f32 v2;
	v2 =	vld [tilespmem:s16+$0x80];
	_ =	sdelay $0x2  }
0x2fc: {  	v4 =	vbroadcast v8, $0x8;
	v1 =	vpop (erf)  }
0x2fd: {  	v3 =	vsel vm0, $0x0, v1  }
0x2fe: {  	[tilespmem:s3+$0xFFFFFFF0] =	vst v3;
	v2 =	vmul.f32 v4, v2  }
0x2ff: {  	v5 =	vld [tilespmem:s16+$0xFFFFFF80];
	_ =	sdelay $0x1  }
0x300: {  	[tilespmem:s3+$0x88] =	vst v2  }
0x301: {  	v9 =	vbroadcast v1, $0x8;
	v6 =	vld [tilespmem:s16+$0x90];
	v2 =	vpop (erf)  }
0x302: {  	v3 =	vpop (erf)  }
0x303: {  	s31 =	simm.s32 $0x49E0;
	v5 =	vmul.f32 v9, v5;
	v10 =	vsel vm0, $0x0, v3  }
0x304: {  	v12 =	vld [tilespmem:s31+$0xFFFFFFE0];
	[tilespmem:s3+$0xFFFFFF68] =	vst v10  }
0x305: {  	[tilespmem:s3+$0xFFFFFF78] =	vst v5;
	v5 =	vld [tilespmem:s31+$0x10]  }
0x306: {  	s23 =	simm.s32 $0x41E0;
	v10 =	vld [tilespmem:s16+$0xFFFFFF00];
	v4 =	vmul.f32 v4, v6  }
0x307: {  	v6 =	vld [tilespmem:s23+$0x10]  }
0x308: {  	v14 =	vld [tilespmem:s23+$0xFFFFFFF0];
	[tilespmem:s3+$0x98] =	vst v4  }
0x309: {  	v7 =	vsel vm0, $0x0, v2;
	v4 =	vld [tilespmem:s16+$0xA0]  }
0x30a: {  	v16 =	vld [tilespmem:s31+$0xFFFFFFF0];
	[tilespmem:s3+$0x78] =	vst v7;
	v13 =	vbroadcast v3, $0x8  }
0x30b: {  	v7 =	vld [tilespmem:s16+$0x0]  }
0x30c: {  	v17 =	vld [tilespmem:s23+$0x0];
	v15 =	vbroadcast v8, $0x9;
	v5 =	vadd.f32 v5, v6;
	v10 =	vmul.f32 v13, v10  }
0x30d: {  	v11 =	vld [tilespmem:s16+$0xFFFFFF90];
	v6 =	vbroadcast v2, $0x8  }
0x30e: {  	v19 =	vmul.f32 $2.000000030e-01, v5;
	[tilespmem:s3+$0xFFFFFEF0] =	vst v10;
	v10 =	vld [tilespmem:s23+$0xFFFFFFE0];
	v4 =	vmul.f32 v15, v4  }
0x30f: {  	v18 =	vld [tilespmem:s31+$0x0]  }
0x310: {  	v7 =	vmul.f32 v6, v7;
	v5 =	vmax.f32 v5, v19;
	[tilespmem:s3+$0xA8] =	vst v4;
	v4 =	vld [tilespmem:s16+$0xFFFFFF10]  }
0x311: {  	v5 =	vmul.f32 $1.442695020e+00, v5  }
0x312: {  	[tilespmem:s3+$0x0] =	vst v7;
	v7 =	vmul.f32 v9, v11;
	v9 =	vadd.f32 v16, v14  }
0x313: {  	v11 =	vld [tilespmem:s16+$0xB0];
	(erf) = vpow2.f32 v5;
	v10 =	vadd.f32 v12, v10  }
0x314: {  	v16 =	vadd.f32 v18, v17;
	v14 =	vld [tilespmem:s16+$0x10];
	[tilespmem:s3+$0xFFFFFF88] =	vst v7;
	v7 =	vmul.f32 $2.000000030e-01, v9  }
0x315: {  	v5 =	vld [tilespmem:s16+$0xFFFFFFA0];
	v12 =	vmul.f32 $2.000000030e-01, v10;
	v4 =	vmul.f32 v13, v4  }
0x316: {  	v7 =	vmax.f32 v9, v7;
	v9 =	vmul.f32 $2.000000030e-01, v16  }
0x317: {  	v17 =	vbroadcast v1, $0x9;
	v7 =	vmul.f32 $1.442695020e+00, v7;
	[tilespmem:s3+$0xFFFFFF00] =	vst v4;
	v4 =	vmax.f32 v10, v12  }
0x318: {  	v9 =	vmax.f32 v16, v9;
	v11 =	vmul.f32 v11, v15;
	v4 =	vmul.f32 $1.442695020e+00, v4  }
0x319: {  	v6 =	vmul.f32 v6, v14;
	v9 =	vmul.f32 $1.442695020e+00, v9  }
0x31a: {  	(erf) = vpow2.f32 v7;
	v5 =	vmul.f32 v17, v5;
	[tilespmem:s3+$0xB8] =	vst v11;
	v10 =	vld [tilespmem:s16+$0xFFFFFF20]  }
0x31b: {  	[tilespmem:s3+$0x10] =	vst v6;
	(erf) = vpow2.f32 v9;
	v7 =	vld [tilespmem:s16+$0xC0]  }
0x31c: {  	v6 =	vld [tilespmem:s16+$0x20];
	[tilespmem:s3+$0xFFFFFF98] =	vst v5;
	(erf) = vpow2.f32 v4;
	v4 =	vpop (erf)  }
0x31d: {  	s9 =	simm.s32 $0x54B0;
	v11 =	vbroadcast v3, $0x9;
	v12 =	vld [tilespmem:s16+$0xFFFFFFB0];
	v5 =	vsel vm0, $0x0, v4  }
0x31e: {  	s11 =	simm.s32 $0x480;
	v9 =	vbroadcast v8, $0xA;
	[tilespmem:s9+$0x100] =	vst v5  }
0x31f: {  	s13 =	simm.s32 $0x4220;
	v13 =	vbroadcast v2, $0x9;
	v5 =	vmul.f32 v11, v10;
	v10 =	vld [tilespmem:s11+$0x80]  }
0x320: {  	s15 =	simm.s32 $0x4A20;
	v23 =	vld [tilespmem:s13+$0xFFFFFFF0];
	v7 =	vmul.f32 v7, v9  }
0x321: {  	v26 =	vld [tilespmem:s15+$0xFFFFFFF0];
	v6 =	vmul.f32 v13, v6;
	[tilespmem:s3+$0xFFFFFF10] =	vst v5  }
0x322: {  	v16 =	vbroadcast v4, $0x8;
	[tilespmem:s3+$0xC8] =	vst v7;
	v7 =	vmul.f32 v12, v17;
	v12 =	vld [tilespmem:s16+$0xFFFFFF30]  }
0x323: {  	v28 =	vld [tilespmem:s13+$0x0]  }
0x324: {  	v29 =	vld [tilespmem:s15+$0x0];
	[tilespmem:s3+$0x20] =	vst v6;
	v10 =	vmul.f32 v16, v10  }
0x325: {  	v17 =	vld [tilespmem:s16+$0x30];
	v5 =	vpop (erf)  }
0x326: {  	v14 =	vld [tilespmem:s16+$0xD0];
	v15 =	vsel vm0, $0x0, v5;
	[tilespmem:s9+$0x88] =	vst v10  }
0x327: {  	[tilespmem:s9+$0xFFFFFFF0] =	vst v15;
	v11 =	vmul.f32 v12, v11;
	v12 =	vld [tilespmem:s11+$0x90]  }
0x328: {  	s17 =	simm.s32 $0x4260;
	v6 =	vpop (erf);
	v18 =	vld [tilespmem:s11+$0xFFFFFF80]  }
0x329: {  	v34 =	vld [tilespmem:s17+$0xFFFFFFF0];
	[tilespmem:s3+$0xFFFFFFA8] =	vst v7;
	v15 =	vsel vm0, $0x0, v6;
	v7 =	vpop (erf)  }
0x32a: {  	v19 =	vld [tilespmem:s16+$0xFFFFFFC0];
	[tilespmem:s9+$0x78] =	vst v15;
	v15 =	vsel vm0, $0x0, v7  }
0x32b: {  	v13 =	vmul.f32 v17, v13;
	v17 =	vld [tilespmem:s15+$0x10];
	v10 =	vbroadcast v5, $0x8;
	[tilespmem:s9+$0xFFFFFF68] =	vst v15  }
0x32c: {  	v9 =	vmul.f32 v14, v9;
	v14 =	vld [tilespmem:s11+$0xFFFFFF00];
	v12 =	vmul.f32 v16, v12  }
0x32d: {  	[tilespmem:s3+$0xFFFFFF20] =	vst v11;
	v11 =	vmul.f32 v10, v18;
	v16 =	vld [tilespmem:s13+$0x10]  }
0x32e: {  	v20 =	vld [tilespmem:s11+$0x0];
	[tilespmem:s9+$0x98] =	vst v12  }
0x32f: {  	[tilespmem:s9+$0xFFFFFF78] =	vst v11;
	v12 =	vld [tilespmem:s11+$0xA0]  }
0x330: {  	v22 =	vbroadcast v7, $0x8;
	v11 =	vld [tilespmem:s11+$0xFFFFFF90]  }
0x331: {  	v24 =	vbroadcast v1, $0xA;
	v27 =	vbroadcast v6, $0x8;
	[tilespmem:s3+$0xD8] =	vst v9;
	v15 =	vld [tilespmem:s16+$0xFFFFFF40]  }
0x332: {  	v25 =	vbroadcast v4, $0x9;
	v9 =	vld [tilespmem:s16+$0xE0];
	v14 =	vmul.f32 v22, v14;
	v16 =	vadd.f32 v17, v16  }
0x333: {  	v21 =	vbroadcast v3, $0xA;
	[tilespmem:s3+$0x30] =	vst v13;
	v18 =	vld [tilespmem:s15+$0xFFFFFFE0];
	v20 =	vmul.f32 v27, v20  }
0x334: {  	[tilespmem:s9+$0xFFFFFEF0] =	vst v14;
	v14 =	vld [tilespmem:s13+$0xFFFFFFE0];
	v30 =	vmul.f32 $2.000000030e-01, v16;
	v12 =	vmul.f32 v25, v12  }
0x335: {  	v8 =	vbroadcast v8, $0xB;
	v13 =	vld [tilespmem:s16+$0x40];
	[tilespmem:s9+$0x0] =	vst v20;
	v10 =	vmul.f32 v10, v11  }
0x336: {  	v31 =	vbroadcast v5, $0x9;
	v15 =	vmul.f32 v15, v21;
	v11 =	vld [tilespmem:s11+$0xFFFFFF10];
	v16 =	vmax.f32 v16, v30;
	[tilespmem:s9+$0xA8] =	vst v12  }
0x337: {  	[tilespmem:s9+$0xFFFFFF88] =	vst v10;
	v10 =	vadd.f32 v26, v23;
	v12 =	vmul.f32 v19, v24;
	v16 =	vmul.f32 $1.442695020e+00, v16;
	v19 =	vld [tilespmem:s11+$0xB0]  }
0x338: {  	v20 =	vld [tilespmem:s11+$0x10];
	v9 =	vmul.f32 v9, v8;
	v17 =	vbroadcast v2, $0xA;
	v23 =	vadd.f32 v29, v28  }
0x339: {  	s18 =	simm.s32 $0x4A60;
	[tilespmem:s3+$0xFFFFFF30] =	vst v15;
	v14 =	vadd.f32 v18, v14;
	v26 =	vld [tilespmem:s11+$0xFFFFFFA0];
	v15 =	vmul.f32 $2.000000030e-01, v10;
	(erf) = vpow2.f32 v16  }
0x33a: {  	v32 =	vld [tilespmem:s18+$0xFFFFFFE0];
	[tilespmem:s3+$0xE8] =	vst v9;
	v13 =	vmul.f32 v13, v17;
	v16 =	vmul.f32 $2.000000030e-01, v23  }
0x33b: {  	v11 =	vmul.f32 v22, v11;
	[tilespmem:s3+$0xFFFFFFB8] =	vst v12;
	v12 =	vld [tilespmem:s16+$0xFFFFFF50];
	v10 =	vmax.f32 v10, v15;
	v15 =	vmul.f32 $2.000000030e-01, v14  }
0x33c: {  	[tilespmem:s3+$0x40] =	vst v13;
	v13 =	vld [tilespmem:s16+$0xFFFFFFD0];
	v10 =	vmul.f32 $1.442695020e+00, v10;
	v16 =	vmax.f32 v23, v16;
	v18 =	vmul.f32 v19, v25  }
0x33d: {  	v9 =	vld [tilespmem:s16+$0x50];
	[tilespmem:s9+$0xFFFFFF00] =	vst v11;
	v14 =	vmax.f32 v14, v15;
	v15 =	vmul.f32 $1.442695020e+00, v16;
	v19 =	vmul.f32 v27, v20  }
0x33e: {  	v16 =	vmul.f32 v31, v26;
	v11 =	vmul.f32 $1.442695020e+00, v14;
	v14 =	vld [tilespmem:s11+$0xFFFFFF20];
	[tilespmem:s9+$0xB8] =	vst v18  }
0x33f: {  	(erf) = vpow2.f32 v10;
	[tilespmem:s9+$0x10] =	vst v19;
	v10 =	vld [tilespmem:s11+$0xC0]  }
0x340: {  	(erf) = vpow2.f32 v15;
	v12 =	vmul.f32 v12, v21;
	v15 =	vld [tilespmem:s11+$0x20]  }
0x341: {  	v35 =	vld [tilespmem:s18+$0xFFFFFFF0];
	[tilespmem:s9+$0xFFFFFF98] =	vst v16;
	(erf) = vpow2.f32 v11;
	v11 =	vmul.f32 v13, v24  }
0x342: {  	v9 =	vmul.f32 v9, v17;
	v20 =	vld [tilespmem:s16+$0xF0];
	v18 =	vbroadcast v4, $0xA;
	[tilespmem:s3+$0xFFFFFF40] =	vst v12;
	v16 =	vpop (erf)  }
0x343: {  	s13 =	simm.s32 $0x56D0;
	v17 =	vbroadcast v7, $0x9;
	v21 =	vbroadcast v6, $0x9;
	v13 =	vld [tilespmem:s11+$0xFFFFFFB0];
	[tilespmem:s3+$0xFFFFFFC8] =	vst v11;
	v11 =	vsel vm0, $0x0, v16  }
0x344: {  	s15 =	simm.s32 $0x680;
	v19 =	vld [tilespmem:s16+$0xFFFFFF60];
	[tilespmem:s13+$0x100] =	vst v11;
	v10 =	vmul.f32 v10, v18  }
0x345: {  	[tilespmem:s3+$0x50] =	vst v9;
	v9 =	vmul.f32 v17, v14;
	v12 =	vmul.f32 v21, v15;
	v15 =	vld [tilespmem:s15+$0x80]  }
0x346: {  	v14 =	vld [tilespmem:s16+$0x60];
	[tilespmem:s9+$0xC8] =	vst v10  }
0x347: {  	[tilespmem:s9+$0xFFFFFF10] =	vst v9;
	v9 =	vld [tilespmem:s11+$0xD0]  }
0x348: {  	v24 =	vbroadcast v16, $0x8;
	v23 =	vld [tilespmem:s11+$0xFFFFFF30];
	v11 =	vpop (erf)  }
0x349: {  	v22 =	vld [tilespmem:s16+$0xFFFFFFE0];
	v10 =	vmul.f32 v13, v31;
	[tilespmem:s9+$0x20] =	vst v12;
	v13 =	vsel vm0, $0x0, v11  }
0x34a: {  	v31 =	vld [tilespmem:s18+$0x10];
	[tilespmem:s13+$0xFFFFFFF0] =	vst v13;
	v15 =	vmul.f32 v24, v15  }
0x34b: {  	v8 =	vmul.f32 v20, v8;
	v12 =	vpop (erf);
	[tilespmem:s9+$0xFFFFFFA8] =	vst v10;
	v28 =	vld [tilespmem:s15+$0xFFFFFF80]  }
0x34c: {  	v29 =	vbroadcast v5, $0xA;
	v10 =	vld [tilespmem:s11+$0x30];
	v13 =	vpop (erf);
	[tilespmem:s13+$0x88] =	vst v15;
	v9 =	vmul.f32 v9, v18  }
0x34d: {  	[tilespmem:s3+$0xF8] =	vst v8;
	v27 =	vsel vm0, $0x0, v13;
	v18 =	vbroadcast v3, $0xB;
	v3 =	vmul.f32 v23, v17;
	v17 =	vld [tilespmem:s15+$0x90]  }
0x34e: {  	v30 =	vbroadcast v6, $0xA;
	v26 =	vld [tilespmem:s11+$0xFFFFFFC0];
	[tilespmem:s13+$0xFFFFFF68] =	vst v27;
	v15 =	vbroadcast v11, $0x8  }
0x34f: {  	v33 =	vbroadcast v11, $0x9;
	v20 =	vbroadcast v13, $0x8;
	v27 =	vld [tilespmem:s15+$0xFFFFFF00];
	[tilespmem:s9+$0xD8] =	vst v9  }
0x350: {  	v25 =	vsel vm0, $0x0, v12;
	v9 =	vmul.f32 v19, v18;
	[tilespmem:s9+$0xFFFFFF20] =	vst v3;
	v19 =	vmul.f32 v15, v28;
	v3 =	vld [tilespmem:s11+$0xE0]  }
0x351: {  	[tilespmem:s13+$0x78] =	vst v25;
	v36 =	vbroadcast v13, $0x9;
	v10 =	vmul.f32 v10, v21;
	v21 =	vld [tilespmem:s11+$0xFFFFFF40]  }
0x352: {  	v25 =	vld [tilespmem:s15+$0x0];
	v23 =	vbroadcast v1, $0xB;
	[tilespmem:s13+$0xFFFFFF78] =	vst v19;
	v1 =	vmul.f32 v24, v17  }
0x353: {  	v28 =	vbroadcast v2, $0xB;
	[tilespmem:s3+$0xFFFFFF50] =	vst v9;
	v9 =	vbroadcast v4, $0xB;
	v4 =	vld [tilespmem:s15+$0xFFFFFF90]  }
0x354: {  	v26 =	vmul.f32 v26, v29;
	v17 =	vbroadcast v7, $0xA;
	v24 =	vld [tilespmem:s17+$0x10];
	[tilespmem:s13+$0x98] =	vst v1  }
0x355: {  	[tilespmem:s9+$0x30] =	vst v10;
	v1 =	vbroadcast v5, $0xB;
	v2 =	vmul.f32 v3, v9;
	v5 =	vld [tilespmem:s15+$0xA0]  }
0x356: {  	v10 =	vld [tilespmem:s11+$0x40];
	[tilespmem:s9+$0xFFFFFFB8] =	vst v26;
	v8 =	vmul.f32 v20, v27;
	v21 =	vmul.f32 v21, v17  }
0x357: {  	v19 =	vld [tilespmem:s16+$0xFFFFFF70];
	[tilespmem:s9+$0xE8] =	vst v2;
	v2 =	vbroadcast v6, $0xB;
	v6 =	vbroadcast v12, $0x8  }
0x358: {  	v27 =	vbroadcast v16, $0x9;
	[tilespmem:s13+$0xFFFFFEF0] =	vst v8;
	v8 =	vld [tilespmem:s18+$0x0];
	v15 =	vmul.f32 v15, v4  }
0x359: {  	v3 =	vbroadcast v7, $0xB;
	v24 =	vadd.f32 v31, v24;
	[tilespmem:s9+$0xFFFFFF30] =	vst v21;
	v7 =	vld [tilespmem:s11+$0xF0];
	v25 =	vmul.f32 v6, v25  }
0x35a: {  	v22 =	vmul.f32 v22, v23;
	v21 =	vld [tilespmem:s17+$0xFFFFFFE0];
	[tilespmem:s13+$0xFFFFFF88] =	vst v15;
	v5 =	vmul.f32 v27, v5  }
0x35b: {  	v10 =	vmul.f32 v10, v30;
	v37 =	vmul.f32 $2.000000030e-01, v24;
	v15 =	vadd.f32 v35, v34;
	[tilespmem:s13+$0x0] =	vst v25;
	v25 =	vld [tilespmem:s17+$0x0]  }
0x35c: {  	v14 =	vmul.f32 v14, v28;
	v31 =	vbroadcast v12, $0x9;
	[tilespmem:s13+$0xA8] =	vst v5;
	v5 =	vld [tilespmem:s15+$0xFFFFFF10]  }
0x35d: {  	v18 =	vmul.f32 v19, v18;
	[tilespmem:s9+$0x40] =	vst v10;
	v24 =	vmax.f32 v24, v37;
	v10 =	vmul.f32 $2.000000030e-01, v15;
	v26 =	vld [tilespmem:s15+$0xB0]  }
0x35e: {  	v24 =	vmul.f32 $1.442695020e+00, v24;
	v7 =	vmul.f32 v7, v9;
	v9 =	vld [tilespmem:s15+$0xFFFFFFA0]  }
0x35f: {  	v4 =	vbroadcast v13, $0xA;
	[tilespmem:s3+$0xFFFFFF60] =	vst v18;
	v18 =	vbroadcast v16, $0xA;
	v56 =	vld [tilespmem:s15+$0x10];
	v19 =	vadd.f32 v32, v21  }
0x360: {  	v21 =	vld [tilespmem:s11+$0xFFFFFF50];
	(erf) = vpow2.f32 v24;
	[tilespmem:s9+$0xF8] =	vst v7;
	v7 =	vmax.f32 v15, v10;
	v8 =	vadd.f32 v8, v25  }
0x361: {  	[tilespmem:s3+$0xFFFFFFD8] =	vst v22;
	v7 =	vmul.f32 $1.442695020e+00, v7;
	v5 =	vmul.f32 v20, v5  }
0x362: {  	[tilespmem:s3+$0x60] =	vst v14;
	v22 =	vld [tilespmem:s11+$0x50];
	v14 =	vmul.f32 $2.000000030e-01, v8;
	v15 =	vmul.f32 v26, v27  }
0x363: {  	v10 =	vmul.f32 $2.000000030e-01, v19;
	v20 =	vld [tilespmem:s11+$0xFFFFFFD0];
	v9 =	vmul.f32 v33, v9;
	[tilespmem:s13+$0xFFFFFF00] =	vst v5  }
0x364: {  	(erf) = vpow2.f32 v7;
	v5 =	vmul.f32 v6, v56;
	v8 =	vmax.f32 v8, v14;
	v14 =	vld [tilespmem:s16+$0xFFFFFFF0];
	[tilespmem:s13+$0xB8] =	vst v15  }
0x365: {  	v7 =	vmul.f32 v21, v17;
	v6 =	vmax.f32 v19, v10;
	v19 =	vld [tilespmem:s15+$0xFFFFFF20];
	[tilespmem:s13+$0xFFFFFF98] =	vst v9;
	v8 =	vmul.f32 $1.442695020e+00, v8  }
0x366: {  	v10 =	vbroadcast v11, $0xA;
	v6 =	vmul.f32 $1.442695020e+00, v6;
	[tilespmem:s13+$0x10] =	vst v5;
	v5 =	vld [tilespmem:s15+$0xC0]  }
0x367: {  	[tilespmem:s9+$0xFFFFFF40] =	vst v7;
	v7 =	vmul.f32 v22, v30;
	v17 =	vld [tilespmem:s15+$0xFFFFFFB0];
	(erf) = vpow2.f32 v8  }
0x368: {  	v15 =	vld [tilespmem:s15+$0x20];
	(erf) = vpow2.f32 v6;
	v6 =	vmul.f32 v20, v29  }
0x369: {  	v24 =	vld [tilespmem:s11+$0xFFFFFF60];
	[tilespmem:s9+$0x50] =	vst v7;
	v7 =	vbroadcast v11, $0xB;
	v8 =	vbroadcast v12, $0xA;
	v9 =	vpop (erf)  }
0x36a: {  	v20 =	vld [tilespmem:s16+$0x70];
	s16 =	simm.s32 $0x58F0;
	v11 =	vmul.f32 v36, v19;
	[tilespmem:s9+$0xFFFFFFC8] =	vst v6;
	v6 =	vbroadcast v13, $0xB;
	v13 =	vsel vm0, $0x0, v9  }
0x36b: {  	v22 =	vld [tilespmem:s11+$0x60];
	v25 =	vmul.f32 v5, v18;
	v5 =	vbroadcast v12, $0xB;
	[tilespmem:s16+$0x100] =	vst v13  }
0x36c: {  	s17 =	simm.s32 $0x880;
	v12 =	vmul.f32 v14, v23;
	v14 =	vmul.f32 v17, v33;
	v21 =	vld [tilespmem:s11+$0xFFFFFFE0];
	[tilespmem:s13+$0xFFFFFF10] =	vst v11  }
0x36d: {  	v13 =	vmul.f32 v31, v15;
	v15 =	vld [tilespmem:s17+$0x80];
	[tilespmem:s13+$0xC8] =	vst v25  }
0x36e: {  	v27 =	vmul.f32 v24, v3;
	[tilespmem:s13+$0xFFFFFFA8] =	vst v14;
	v17 =	vld [tilespmem:s15+$0xD0]  }
0x36f: {  	v58 =	vbroadcast v9, $0x8;
	v57 =	vpop (erf);
	v19 =	vld [tilespmem:s15+$0xFFFFFF30];
	[tilespmem:s13+$0x20] =	vst v13  }
0x370: {  	v26 =	vbroadcast v57, $0x8;
	[tilespmem:s9+$0xFFFFFF50] =	vst v27;
	v11 =	vmul.f32 v20, v28;
	v13 =	vsel vm0, $0x0, v57;
	v24 =	vld [tilespmem:s15+$0x30];
	v20 =	vpop (erf)  }
0x371: {  	v14 =	vbroadcast v57, $0x9;
	v27 =	vbroadcast v16, $0xB;
	v28 =	vld [tilespmem:s15+$0xFFFFFFC0];
	[tilespmem:s16+$0xFFFFFFF0] =	vst v13;
	v13 =	vsel vm0, $0x0, v20;
	v29 =	vpop (erf)  }
0x372: {  	v16 =	vbroadcast v57, $0xB;
	v59 =	vld [tilespmem:s17+$0xFFFFFF80];
	v60 =	vmul.f32 v58, v15;
	v30 =	vsel vm0, $0x0, v29;
	[tilespmem:s16+$0x78] =	vst v13  }
0x373: {  	v23 =	vbroadcast v20, $0x8;
	v17 =	vmul.f32 v17, v18;
	[tilespmem:s16+$0xFFFFFF68] =	vst v30;
	v30 =	vld [tilespmem:s17+$0x0]  }
0x374: {  	v62 =	vmul.f32 v19, v36;
	v25 =	vbroadcast v29, $0x8;
	[tilespmem:s16+$0x88] =	vst v60;
	v61 =	vld [tilespmem:s17+$0xFFFFFF00]  }
0x375: {  	v15 =	vbroadcast v29, $0x9;
	v24 =	vmul.f32 v24, v31;
	v63 =	vld [tilespmem:s17+$0x90];
	[tilespmem:s13+$0xD8] =	vst v17  }
0x376: {  	v13 =	vbroadcast v20, $0x9;
	v19 =	vbroadcast v29, $0xA;
	[tilespmem:s13+$0xFFFFFF20] =	vst v62;
	v32 =	vld [tilespmem:s15+$0xE0]  }
0x377: {  	v18 =	vbroadcast v57, $0xA;
	v33 =	vmul.f32 v26, v59;
	v31 =	vld [tilespmem:s15+$0xFFFFFF40];
	[tilespmem:s13+$0x30] =	vst v24  }
0x378: {  	v28 =	vmul.f32 v28, v10;
	v38 =	vmul.f32 v23, v30;
	v30 =	vld [tilespmem:s15+$0x40]  }
0x379: {  	v24 =	vbroadcast v29, $0xB;
	v29 =	vld [tilespmem:s11+$0xFFFFFF70];
	[tilespmem:s16+$0xFFFFFF78] =	vst v33;
	v34 =	vmul.f32 v25, v61  }
0x37a: {  	s28 =	simm.s32 $0x80;
	s19 =	simm.s32 $0xC;
	s23 =	simm.s32 $0x42A0;
	v17 =	vbroadcast v20, $0xA;
	v33 =	vld [tilespmem:s17+$0xFFFFFF90];
	v35 =	vmul.f32 v58, v63;
	[tilespmem:s16+$0x0] =	vst v38  }
.LBB2_11:
0x37b: {  	v36 =	vld [tilespmem:s23+$0x10];
	[tilespmem:s16+$0xFFFFFEF0] =	vst v34;
	v20 =	vbroadcast v20, $0xB;
	s18 =	sadd.s32 $0x40, s18;
	v32 =	vmul.f32 v32, v27  }
0x37c: {  	v21 =	vmul.f32 v21, v1;
	v34 =	vld [tilespmem:s18+$0x10];
	[tilespmem:s16+$0x98] =	vst v35;
	v31 =	vmul.f32 v31, v4  }
0x37d: {  	v22 =	vmul.f32 v22, v2;
	v35 =	vld [tilespmem:s17+$0xA0];
	v30 =	vmul.f32 v30, v8;
	[tilespmem:s13+$0xE8] =	vst v32  }
0x37e: {  	s19 =	sadd.s32 $0x4, s19;
	[tilespmem:s13+$0xFFFFFF30] =	vst v31;
	v31 =	vld [tilespmem:s15+$0xF0];
	v29 =	vmul.f32 v29, v3;
	v3 =	vmov v6;
	v6 =	vmov v24  }
0x37f: {  	p1 =	slt.u32 s19, $0x3C;
	v24 =	vld [tilespmem:s18+$0xFFFFFFE0];
	v26 =	vmul.f32 v26, v33;
	[tilespmem:s13+$0xFFFFFFB8] =	vst v28  }
0x380: {  	v32 =	vbroadcast v9, $0x9;
	v28 =	vld [tilespmem:s23+$0xFFFFFFF0];
	[tilespmem:s13+$0x40] =	vst v30  }
0x381: {  	v30 =	vld [tilespmem:s18+$0xFFFFFFF0];
	[tilespmem:s16+$0xFFFFFF88] =	vst v26  }
0x382: {  	v33 =	vadd.f32 v34, v36;
	v26 =	vld [tilespmem:s23+$0x0];
	v34 =	vmul.f32 v32, v35;
	[tilespmem:s9+$0xFFFFFFD8] =	vst v21  }
0x383: {  	v21 =	vld [tilespmem:s18+$0x0];
	v27 =	vmul.f32 v31, v27;
	[tilespmem:s9+$0x60] =	vst v22  }
0x384: {  	v31 =	vmul.f32 $2.000000030e-01, v33;
	v22 =	vld [tilespmem:s23+$0xFFFFFFE0];
	[tilespmem:s16+$0xA8] =	vst v34  }
0x385: {  	v34 =	vld [tilespmem:s17+$0xFFFFFF10];
	[tilespmem:s13+$0xF8] =	vst v27  }
0x386: {  	v27 =	vadd.f32 v30, v28;
	v28 =	vmax.f32 v33, v31;
	v30 =	vld [tilespmem:s17+$0xB0];
	[tilespmem:s9+$0xFFFFFF60] =	vst v29  }
0x387: {  	v28 =	vmul.f32 $1.442695020e+00, v28;
	v29 =	vld [tilespmem:s17+$0x10];
	[tilespmem:s3+$0xFFFFFFE8] =	vst v12  }
0x388: {  	v12 =	vmul.f32 $2.000000030e-01, v27;
	v21 =	vadd.f32 v21, v26;
	v26 =	vld [tilespmem:s17+$0xFFFFFFA0];
	[tilespmem:s3+$0x70] =	vst v11;
	s3 =	smov.u32 s9;
	s9 =	smov.u32 s13;
	s13 =	smov.u32 s16  }
0x389: {  	v11 =	vadd.f32 v24, v22;
	(erf) = vpow2.f32 v28;
	v22 =	vld [tilespmem:s15+$0xFFFFFF50]  }
0x38a: {  	v12 =	vmax.f32 v27, v12;
	v24 =	vmul.f32 $2.000000030e-01, v21;
	v25 =	vmul.f32 v25, v34;
	v27 =	vld [tilespmem:s15+$0xFFFFFFD0]  }
0x38b: {  	v28 =	vmul.f32 $2.000000030e-01, v11;
	v30 =	vmul.f32 v30, v32;
	v31 =	vld [tilespmem:s15+$0x50]  }
0x38c: {  	v12 =	vmul.f32 $1.442695020e+00, v12;
	v21 =	vmax.f32 v21, v24;
	[tilespmem:s16+$0xFFFFFF00] =	vst v25;
	v23 =	vmul.f32 v23, v29;
	v24 =	vld [tilespmem:s11+$0xFFFFFFF0]  }
0x38d: {  	v11 =	vmax.f32 v11, v28;
	v21 =	vmul.f32 $1.442695020e+00, v21;
	v25 =	vld [tilespmem:s17+$0xFFFFFF20];
	v26 =	vmul.f32 v14, v26;
	[tilespmem:s16+$0xB8] =	vst v30  }
0x38e: {  	v11 =	vmul.f32 $1.442695020e+00, v11;
	(erf) = vpow2.f32 v12;
	[tilespmem:s16+$0x10] =	vst v23;
	v23 =	vld [tilespmem:s17+$0xC0]  }
0x38f: {  	v12 =	vmul.f32 v22, v4;
	v4 =	vmov v19;
	(erf) = vpow2.f32 v21;
	[tilespmem:s16+$0xFFFFFF98] =	vst v26;
	v26 =	vld [tilespmem:s17+$0x20]  }
0x390: {  	v19 =	vmul.f32 v27, v10;
	v10 =	vmov v18;
	(erf) = vpow2.f32 v11;
	v11 =	vld [tilespmem:s17+$0xFFFFFFB0]  }
0x391: {  	v18 =	vbroadcast v9, $0xA;
	v22 =	vmul.f32 v31, v8;
	v8 =	vmov v17;
	[tilespmem:s9+$0xFFFFFF40] =	vst v12;
	v27 =	vld [tilespmem:s11+$0x70];
	s11 =	smov.u32 s15;
	s15 =	smov.u32 s17  }
0x392: {  	v12 =	vmul.f32 v24, v1;
	v1 =	vmov v7;
	v33 =	vpop (erf);
	v17 =	vmul.f32 v15, v25;
	v25 =	vld [tilespmem:s11+$0xFFFFFF60];
	[tilespmem:s9+$0xFFFFFFC8] =	vst v19  }
0x393: {  	s16 =	sadd.s32 $0x220, s16;
	v7 =	vmov v16;
	v19 =	vsel vm0, $0x0, v33;
	v23 =	vmul.f32 v23, v18;
	v21 =	vld [tilespmem:s11+$0xFFFFFFE0];
	[tilespmem:s9+$0x50] =	vst v22  }
0x394: {  	s17 =	sadd.s32 $0x200, s17;
	[tilespmem:s16+$0x100] =	vst v19;
	v16 =	vmul.f32 v13, v26;
	v22 =	vld [tilespmem:s11+$0x60]  }
0x395: {  	v19 =	vld [tilespmem:s17+$0x80];
	v14 =	vmul.f32 v11, v14;
	[tilespmem:s13+$0xC8] =	vst v23  }
0x396: {  	[tilespmem:s13+$0xFFFFFF10] =	vst v17;
	v17 =	vld [tilespmem:s15+$0xD0];
	v11 =	vmul.f32 v27, v2;
	v2 =	vmov v5;
	v5 =	vmov v20  }
0x397: {  	v35 =	vpop (erf);
	v24 =	vld [tilespmem:s15+$0xFFFFFF30];
	[tilespmem:s13+$0x20] =	vst v16;
	v16 =	vmul.f32 v25, v3  }
0x398: {  	v36 =	vbroadcast v33, $0x8;
	v23 =	vsel vm0, $0x0, v35;
	v26 =	vbroadcast v35, $0x8;
	v20 =	vpop (erf);
	[tilespmem:s13+$0xFFFFFFA8] =	vst v14;
	v27 =	vld [tilespmem:s15+$0x30]  }
0x399: {  	v14 =	vbroadcast v35, $0x9;
	[tilespmem:s16+$0xFFFFFFF0] =	vst v23;
	v28 =	vsel vm0, $0x0, v20;
	v23 =	vbroadcast v20, $0x8;
	v29 =	vpop (erf);
	v30 =	vld [tilespmem:s15+$0xFFFFFFC0]  }
0x39a: {  	v31 =	vsel vm0, $0x0, v29;
	v25 =	vbroadcast v29, $0x8;
	v34 =	vld [tilespmem:s17+$0xFFFFFF80];
	[tilespmem:s16+$0x78] =	vst v28;
	v19 =	vmul.f32 v36, v19  }
0x39b: {  	v28 =	vbroadcast v29, $0x9;
	[tilespmem:s16+$0xFFFFFF68] =	vst v31;
	v37 =	vld [tilespmem:s17+$0x0];
	v17 =	vmul.f32 v17, v18  }
0x39c: {  	v31 =	vbroadcast v20, $0x9;
	v38 =	vld [tilespmem:s17+$0xFFFFFF00];
	[tilespmem:s16+$0x88] =	vst v19;
	v24 =	vmul.f32 v24, v15  }
0x39d: {  	v19 =	vbroadcast v29, $0xA;
	v15 =	vmov v28;
	v39 =	vld [tilespmem:s17+$0x90];
	v27 =	vmul.f32 v27, v13;
	[tilespmem:s13+$0xD8] =	vst v17  }
.Ltmp7:
0x39e: {  	v18 =	vbroadcast v35, $0xA;
	v17 =	vbroadcast v20, $0xA;
	v13 =	vmov v31;
	[tilespmem:s13+$0xFFFFFF20] =	vst v24;
	v32 =	vld [tilespmem:s15+$0xE0];
	(pc) =	sbr.rel @p1 .LBB2_11-.Ltmp7, $4  }
0x39f: {  	v28 =	vmul.f32 v30, v10;
	v40 =	vmul.f32 v26, v34;
	v31 =	vld [tilespmem:s15+$0xFFFFFF40];
	[tilespmem:s13+$0x30] =	vst v27  }
0x3a0: {  	v24 =	vbroadcast v29, $0xB;
	v37 =	vmul.f32 v23, v37;
	v30 =	vld [tilespmem:s15+$0x40];
	[tilespmem:s9+$0xFFFFFF50] =	vst v16  }
0x3a1: {  	v27 =	vbroadcast v9, $0xB;
	v9 =	vmov v33;
	v34 =	vmul.f32 v25, v38;
	[tilespmem:s16+$0xFFFFFF78] =	vst v40;
	v29 =	vld [tilespmem:s11+$0xFFFFFF70]  }
0x3a2: {  	s23 =	sadd.s32 $0x40, s23;
	v16 =	vbroadcast v35, $0xB;
	v33 =	vld [tilespmem:s17+$0xFFFFFF90];
	[tilespmem:s16+$0x0] =	vst v37;
	v35 =	vmul.f32 v36, v39  }
0x3a3: {  	[tilespmem:s16+$0xFFFFFEF0] =	vst v34  }
0x3a4: {  	v34 =	vld [tilespmem:s17+$0xFFFFFF10]  }
0x3a5: {  	v36 =	vld [tilespmem:s17+$0x10];
	_ =	sdelay $0x3  }
0x3a6: {  	v25 =	vmul.f32 v25, v34  }
0x3a7: {  	[tilespmem:s16+$0x98] =	vst v35;
	v23 =	vmul.f32 v23, v36  }
0x3a8: {  	v35 =	vld [tilespmem:s17+$0xA0];
	v26 =	vmul.f32 v26, v33;
	[tilespmem:s16+$0xFFFFFF00] =	vst v25  }
0x3a9: {  	[tilespmem:s16+$0x10] =	vst v23;
	v55 =	vld [tilespmem:s17+$0xFFFFFF20]  }
0x3aa: {  	[tilespmem:s16+$0xFFFFFF88] =	vst v26;
	v23 =	vld [tilespmem:s17+$0x20]  }
0x3ab: {  	v53 =	vbroadcast v9, $0x9;
	v26 =	vld [tilespmem:s17+$0xFFFFFFA0];
	_ =	sdelay $0x1  }
0x3ac: {  	v54 =	vmul.f32 v53, v35  }
0x3ad: {  	[tilespmem:s13+$0xFFFFFFB8] =	vst v28;
	v33 =	vmul.f32 v15, v55  }
0x3ae: {  	[tilespmem:s16+$0xA8] =	vst v54;
	v23 =	vmul.f32 v13, v23  }
0x3af: {  	v25 =	vld [tilespmem:s17+$0xB0];
	v26 =	vmul.f32 v14, v26;
	[tilespmem:s16+$0xFFFFFF10] =	vst v33  }
0x3b0: {  	[tilespmem:s16+$0x20] =	vst v23;
	v33 =	vld [tilespmem:s17+$0xFFFFFF30]  }
0x3b1: {  	[tilespmem:s16+$0xFFFFFF98] =	vst v26;
	v23 =	vld [tilespmem:s17+$0x30]  }
0x3b2: {  	v56 =	vmul.f32 v32, v27;
	[tilespmem:s3+$0xFFFFFFE8] =	vst v12;
	v59 =	vld [tilespmem:s17+$0xFFFFFFB0]  }
0x3b3: {  	v21 =	vmul.f32 v21, v1;
	[tilespmem:s3+$0x70] =	vst v11  }
0x3b4: {  	[tilespmem:s13+$0xE8] =	vst v56;
	v25 =	vmul.f32 v25, v53  }
0x3b5: {  	[tilespmem:s9+$0xFFFFFFD8] =	vst v21;
	v61 =	vmul.f32 v33, v15  }
0x3b6: {  	[tilespmem:s16+$0xB8] =	vst v25;
	v35 =	vmul.f32 v23, v13  }
0x3b7: {  	v57 =	vld [tilespmem:s17+$0xC0];
	v34 =	vmul.f32 v59, v14;
	[tilespmem:s16+$0xFFFFFF20] =	vst v61  }
0x3b8: {  	v37 =	vmul.f32 v22, v2;
	[tilespmem:s16+$0x30] =	vst v35;
	v15 =	vld [tilespmem:s17+$0xFFFFFF40]  }
0x3b9: {  	v58 =	vmul.f32 v31, v4;
	[tilespmem:s16+$0xFFFFFFA8] =	vst v34;
	v40 =	vld [tilespmem:s17+$0x40]  }
0x3ba: {  	v60 =	vbroadcast v9, $0xA;
	v62 =	vmul.f32 v30, v8;
	[tilespmem:s9+$0x60] =	vst v37;
	v38 =	vld [tilespmem:s17+$0xFFFFFFC0]  }
0x3bb: {  	v42 =	vld [tilespmem:s15+$0xFFFFFFD0];
	[tilespmem:s13+$0xFFFFFF30] =	vst v58;
	v3 =	vmul.f32 v29, v3  }
0x3bc: {  	v63 =	vld [tilespmem:s15+$0xF0];
	[tilespmem:s13+$0x40] =	vst v62;
	v33 =	vmul.f32 v57, v60  }
0x3bd: {  	[tilespmem:s9+$0xFFFFFF60] =	vst v3;
	v43 =	vld [tilespmem:s15+$0x50];
	v15 =	vmul.f32 v15, v19  }
0x3be: {  	v41 =	vld [tilespmem:s15+$0xFFFFFF50];
	[tilespmem:s16+$0xC8] =	vst v33;
	v21 =	vmul.f32 v40, v17  }
0x3bf: {  	v36 =	vld [tilespmem:s17+$0xD0];
	v3 =	vmul.f32 v38, v18;
	[tilespmem:s16+$0xFFFFFF30] =	vst v15  }
0x3c0: {  	v10 =	vmul.f32 v42, v10;
	[tilespmem:s16+$0x40] =	vst v21;
	v15 =	vld [tilespmem:s17+$0xFFFFFF50]  }
0x3c1: {  	v39 =	vmul.f32 v63, v27;
	[tilespmem:s16+$0xFFFFFFB8] =	vst v3;
	v46 =	vld [tilespmem:s17+$0x50]  }
0x3c2: {  	[tilespmem:s13+$0xFFFFFFC8] =	vst v10;
	v50 =	vmul.f32 v43, v8;
	v3 =	vld [tilespmem:s17+$0xFFFFFFD0]  }
0x3c3: {  	v58 =	vld [tilespmem:s11+$0x70];
	v44 =	vmul.f32 v41, v4;
	[tilespmem:s13+$0xF8] =	vst v39  }
0x3c4: {  	v10 =	vld [tilespmem:s15+$0xFFFFFFE0];
	[tilespmem:s13+$0x50] =	vst v50;
	v23 =	vmul.f32 v36, v60  }
0x3c5: {  	[tilespmem:s13+$0xFFFFFF40] =	vst v44;
	v52 =	vld [tilespmem:s15+$0x60];
	v49 =	vmul.f32 v15, v19  }
0x3c6: {  	v47 =	vld [tilespmem:s15+$0xFFFFFF60];
	[tilespmem:s16+$0xD8] =	vst v23;
	v4 =	vmul.f32 v46, v17  }
0x3c7: {  	v45 =	vld [tilespmem:s17+$0xE0];
	v3 =	vmul.f32 v3, v18;
	[tilespmem:s16+$0xFFFFFF40] =	vst v49  }
0x3c8: {  	v2 =	vmul.f32 v58, v2;
	[tilespmem:s16+$0x50] =	vst v4;
	v51 =	vld [tilespmem:s17+$0xFFFFFF60]  }
0x3c9: {  	v53 =	vmul.f32 v10, v7;
	[tilespmem:s16+$0xFFFFFFC8] =	vst v3;
	v54 =	vld [tilespmem:s17+$0x60]  }
0x3ca: {  	v48 =	vbroadcast v9, $0xB;
	[tilespmem:s9+$0x70] =	vst v2;
	v13 =	vmul.f32 v52, v5;
	v3 =	vld [tilespmem:s17+$0xFFFFFFE0]  }
0x3cb: {  	v56 =	vld [tilespmem:s11+$0xFFFFFFF0];
	v12 =	vmul.f32 v47, v6;
	[tilespmem:s13+$0xFFFFFFD8] =	vst v53  }
0x3cc: {  	v59 =	vld [tilespmem:s15+$0xFFFFFFF0];
	v57 =	vbroadcast v20, $0xB;
	[tilespmem:s13+$0x60] =	vst v13;
	v14 =	vmul.f32 v45, v48  }
0x3cd: {  	[tilespmem:s13+$0xFFFFFF50] =	vst v12;
	v61 =	vld [tilespmem:s15+$0x70];
	v8 =	vmul.f32 v51, v24  }
0x3ce: {  	v55 =	vld [tilespmem:s15+$0xFFFFFF70];
	[tilespmem:s16+$0xE8] =	vst v14;
	v10 =	vmul.f32 v54, v57  }
0x3cf: {  	v14 =	vld [tilespmem:s17+$0xF0];
	v3 =	vmul.f32 v3, v16;
	[tilespmem:s16+$0xFFFFFF50] =	vst v8  }
0x3d0: {  	v1 =	vmul.f32 v56, v1;
	[tilespmem:s16+$0x60] =	vst v10;
	v8 =	vld [tilespmem:s17+$0xFFFFFF70]  }
0x3d1: {  	v2 =	vmul.f32 v59, v7;
	[tilespmem:s16+$0xFFFFFFD8] =	vst v3;
	v62 =	vld [tilespmem:s17+$0x70]  }
0x3d2: {  	[tilespmem:s9+$0xFFFFFFE8] =	vst v1;
	v63 =	vmul.f32 v61, v5;
	v3 =	vld [tilespmem:s17+$0xFFFFFFF0]  }
0x3d3: {  	[tilespmem:s13+$0xFFFFFFE8] =	vst v2;
	v60 =	vmul.f32 v55, v6  }
0x3d4: {  	[tilespmem:s13+$0x70] =	vst v63;
	v9 =	vmul.f32 v14, v48  }
0x3d5: {  	[tilespmem:s13+$0xFFFFFF60] =	vst v60;
	v1 =	vmul.f32 v8, v24  }
0x3d6: {  	[tilespmem:s16+$0xF8] =	vst v9;
	v2 =	vmul.f32 v62, v57  }
0x3d7: {  	[tilespmem:s16+$0xFFFFFF60] =	vst v1;
	v1 =	vmul.f32 v3, v16  }
0x3d8: {  	[tilespmem:s16+$0x70] =	vst v2  }
.Ltmp8:
0x3d9: {  	[tilespmem:s16+$0xFFFFFFE8] =	vst v1;
	(pc) =	sbr.rel .LBB2_13-.Ltmp8, $4  }
0x3da: {  	[spmem:s2] =	stream.indirect.scatter.add.f32 [tilespmem:s0], [sflag:$0x6], $0x88, s28, s10, $0xb8;
	[tilespmem:$0x1E980] =	vst v63  }
0x3db: {  	_ =	swait.ge [sflag:s4], $0x2200  }
0x3dc: {  	[sflag:s4] =	ssyncset.done $0x0  }
0x3dd: {  	s13 =	rddreg [dreg:$0x1a];
	[sflag:s4] =	ssyncadd.s32 $0xFFFFDE00  }
.LBB2_14:
0x3de: {  	_ =	sfence.sel $0x180000  }
0x3df: {  	[bflag:$0x0] =	sbarrier.arrive $0xFFFF  }
0x3e0: {  	_ =	strace $0x90000047  }
0x3e1: {  	s0 =	stileid.u32;
	[bflag:$0x2] =	sbarrier.arrive $0xFFFF  }
0x3e2: {  	p0 =	sne.s32 s0, $0x0;
	s0 =	rddreg [dreg:$0x3]  }
0x3e3: {  	s0 =	sadd.s32 @!p0 $0x100000, s0  }
0x3e4: {  	[sflag:s0] =	ssyncadd.tile.s32 @!p0 $0x1;
	_ =	shalt  }
.Lfunc_end2:
_tile_overlayer_lowered:
.L_overlay_start_2:
0x3e5: {  	(tag) =	ssettag $0x2  }
0x3e6: {  	s0 =	rddreg [dreg:$0x0];
	s2 =	stileid.u32  }
0x3e7: {  	s1 =	rddreg [dreg:$0x1];
	p0 =	sne.s32 s2, $0x0  }
0x3e8: {  	s3 =	rddreg [dreg:$0x2];
	[bflag:$0x3] =	sbarrier.arrive $0xFFFF;
	s2 =	simm.s32 @!p0 $0x1C06  }
0x3e9: {  	[timem:s3], [sflag:s2] =	dma.local @!p0 [hbm:s0], s1  }
0x3ea: {  	s0 =	simm.s32 @!p0 $0x6  }
0x3eb: {  	_ =	swait.ge @!p0 [sflag:s0], s1  }
0x3ec: {  	s1 =	ssub.s32 @!p0 $0x0, s1;
	[sflag:s0] =	ssyncset.done @!p0 $0x0  }
0x3ed: {  	[sflag:s0] =	ssyncadd.s32 @!p0 s1  }
0x3ee: {  	[bflag:$0x3] =	sbarrier.arrive $0xFFFF  }
0x3ef: {  	_ =	shalt  }

</sc_bundles>
